<compile_context>
chip_gen: v7x
topology: tpu7x:2x2x1
jax: 0.10.2.dev20260603
libtpu: 0.0.44.dev20260713+nightly
codegen_flags: <defaults>
</compile_context>

<pallas_src>
import functools

import jax
import jax.numpy as jnp
from jax import lax
from jax.experimental import pallas as pl
from jax.experimental.pallas import tpu as pltpu
from jax.experimental.pallas import tpu_sc as plsc

_EPS = 1e-5
_NC = 2
_NS = 16
_NW = _NC * _NS
_K = 128
_NBUF = 2
_NIDX = 4


def _deg_sc(dst, n, npad):
    e = dst.shape[0]
    epw = e // _NW
    nch = epw // _K
    tail = epw - nch * _K
    mesh = plsc.VectorSubcoreMesh(core_axis_name="c", subcore_axis_name="s")

    @functools.partial(
        pl.kernel,
        out_type=jax.ShapeDtypeStruct((_NC * npad,), jnp.float32),
        mesh=mesh,
        scratch_types=[
            pltpu.VMEM((nch, _K), jnp.int32),
            pltpu.VMEM((16,), jnp.int32),
            pltpu.VMEM((_K,), jnp.float32),
            pltpu.VMEM((npad,), jnp.float32),
            pltpu.VMEM_SHARED((npad,), jnp.float32),
            pltpu.SemaphoreType.DMA,
            pltpu.SemaphoreType.DMA,
        ],
    )
    def body(dst_hbm, out_hbm, didx2, didx_t, ones, zbuf, acc, lsem, ssem):
        cid = lax.axis_index("c")
        sid = lax.axis_index("s")
        wid = sid * _NC + cid
        base = wid * epw
        for j in range(_K // 16):
            ones[pl.ds(j * 16, 16)] = jnp.full((16,), 1.0, jnp.float32)

        def lstep(i, c):
            pltpu.async_copy(dst_hbm.at[pl.ds(base + i * _K, _K)],
                             didx2.at[i], lsem)
            return c

        lax.fori_loop(0, nch, lstep, 0)

        @pl.when(sid == 0)
        def _zero():
            def zstep(i, c):
                zbuf[pl.ds(i * 16, 16)] = jnp.zeros((16,), jnp.float32)
                return c
            lax.fori_loop(0, npad // 16, zstep, 0)
            pltpu.sync_copy(zbuf, acc)

        def ldrain(i, c):
            pltpu.make_async_copy(dst_hbm.at[pl.ds(base, _K)], didx2.at[0],
                                  lsem).wait()
            return c

        lax.fori_loop(0, nch, ldrain, 0)
        plsc.subcore_barrier()

        def step(i, c):
            pltpu.async_copy(ones, acc.at[didx2.at[i]], ssem, add=True)
            return c

        lax.fori_loop(0, nch, step, 0)

        def sdrain(i, c):
            pltpu.make_async_copy(ones, acc.at[didx2.at[0]], ssem).wait()
            return c

        lax.fori_loop(0, nch, sdrain, 0)
        if tail:
            pltpu.sync_copy(dst_hbm.at[pl.ds(base + nch * _K, tail)], didx_t)
            pltpu.sync_copy(ones.at[pl.ds(0, tail)], acc.at[didx_t], add=True)
        plsc.subcore_barrier()

        @pl.when(sid == 0)
        def _out():
            pltpu.sync_copy(acc, out_hbm.at[pl.ds(cid * npad, npad)])

    return body(dst)


def _seg_sum_sc(g, src, dst, zeros):
    n, d = g.shape
    e = src.shape[0]
    epw = e // _NW
    nch = epw // _K
    tail = epw - nch * _K
    assert tail % 8 == 0 and tail <= 16
    rpt = (n // _NS) // 8 * 8
    otail = n - _NS * rpt
    mesh = plsc.VectorSubcoreMesh(core_axis_name="c", subcore_axis_name="s")

    @functools.partial(
        pl.kernel,
        out_type=jax.ShapeDtypeStruct((_NC, n, d), jnp.float32),
        mesh=mesh,
        scratch_types=(
            [pltpu.VMEM_SHARED((n, d), jnp.float32),
             pltpu.VMEM((16,), jnp.int32),
             pltpu.VMEM((16,), jnp.int32),
             pltpu.VMEM((16, d), jnp.float32)]
            + [pltpu.VMEM((_K,), jnp.int32) for _ in range(2 * _NIDX)]
            + [pltpu.VMEM((_K, d), jnp.float32) for _ in range(_NBUF)]
            + [pltpu.SemaphoreType.DMA for _ in range(_NBUF + _NIDX)]
        ),
    )
    def body(g_hbm, src_hbm, dst_hbm, z_hbm, out_hbm, acc, sidx_t, didx_t,
             rows_t, *bufs):
        sidx = bufs[:_NIDX]
        didx = bufs[_NIDX:2 * _NIDX]
        rows = bufs[2 * _NIDX:2 * _NIDX + _NBUF]
        gsem = bufs[2 * _NIDX + _NBUF:2 * _NIDX + 2 * _NBUF]
        isem = bufs[2 * _NIDX + 2 * _NBUF:]
        cid = lax.axis_index("c")
        sid = lax.axis_index("s")
        wid = sid * _NC + cid
        base = wid * epw

        for q in range(_NIDX):
            pltpu.sync_copy(src_hbm.at[pl.ds(base + q * _K, _K)], sidx[q])
            pltpu.sync_copy(dst_hbm.at[pl.ds(base + q * _K, _K)], didx[q])
        for b in range(_NBUF):
            pltpu.async_copy(g_hbm.at[sidx[b]], rows[b], gsem[b])
        pltpu.sync_copy(z_hbm.at[pl.ds(sid * rpt, rpt)],
                        acc.at[pl.ds(sid * rpt, rpt)])

        @pl.when(sid == 0)
        def _ztail():
            pltpu.sync_copy(z_hbm.at[pl.ds(_NS * rpt, otail)],
                            acc.at[pl.ds(_NS * rpt, otail)])

        plsc.subcore_barrier()

        nsb = nch // _NIDX
        rem = nch - nsb * _NIDX

        def chunk_step(j, q, b, prefetch_ok):
            pltpu.make_async_copy(g_hbm.at[sidx[q]], rows[b], gsem[b]).wait()
            pltpu.sync_copy(rows[b], acc.at[didx[q]], add=True)
            if prefetch_ok:
                @pl.when(j + _NIDX < nch)
                def _pfidx():
                    nxt = base + (j + _NIDX) * _K
                    pltpu.async_copy(src_hbm.at[pl.ds(nxt, _K)], sidx[q],
                                     isem[q])
                    pltpu.async_copy(dst_hbm.at[pl.ds(nxt, _K)], didx[q],
                                     isem[q])

                qn = (q + _NBUF) % _NIDX

                @pl.when(j + _NBUF < nch)
                def _next():
                    @pl.when(j + _NBUF >= _NIDX)
                    def _wait_idx():
                        nxt = base + (j + _NBUF) * _K
                        pltpu.make_async_copy(
                            src_hbm.at[pl.ds(nxt, _K)], sidx[qn],
                            isem[qn]).wait()
                        pltpu.make_async_copy(
                            dst_hbm.at[pl.ds(nxt, _K)], didx[qn],
                            isem[qn]).wait()

                    pltpu.async_copy(g_hbm.at[sidx[qn]], rows[b], gsem[b])

        def blk(k, c):
            j0 = k * _NIDX
            for q in range(_NIDX):
                chunk_step(j0 + q, q, q % _NBUF, True)
            return c

        lax.fori_loop(0, nsb, blk, 0)
        for r in range(rem):
            j = nsb * _NIDX + r
            chunk_step(j, j % _NIDX, j % _NBUF, False)
        if tail:
            tbase = base + nch * _K
            pltpu.sync_copy(src_hbm.at[pl.ds(tbase, tail)], sidx_t)
            pltpu.sync_copy(dst_hbm.at[pl.ds(tbase, tail)], didx_t)
            pltpu.sync_copy(g_hbm.at[sidx_t], rows_t)
            pltpu.sync_copy(rows_t, acc.at[didx_t], add=True)
        plsc.subcore_barrier()

        pltpu.sync_copy(acc.at[pl.ds(sid * rpt, rpt)],
                        out_hbm.at[cid, pl.ds(sid * rpt, rpt)])

        @pl.when(sid == 0)
        def _otail():
            pltpu.sync_copy(acc.at[pl.ds(_NS * rpt, otail)],
                            out_hbm.at[cid, pl.ds(_NS * rpt, otail)])

    return body(g, src, dst, zeros)


def _dinv_col(deg_ref, n):
    deg_row = deg_ref[0:1, :] + deg_ref[1:2, :] + 1.0
    dinv_row = lax.rsqrt(deg_row)
    return jnp.transpose(dinv_row, (1, 0))[0:n, :]


def _tc_mm(x, w1):
    n, d = x.shape

    def body(x_ref, w_ref, h_ref):
        h_ref[...] = jnp.dot(x_ref[...], w_ref[...],
                             preferred_element_type=jnp.float32)

    return pl.pallas_call(
        body, out_shape=jax.ShapeDtypeStruct((n, d), jnp.float32))(x, w1)


def _tc_scale(h, degc):
    n, d = h.shape

    def body(h_ref, deg_ref, g1_ref):
        g1_ref[...] = h_ref[...] * _dinv_col(deg_ref, n)

    return pl.pallas_call(
        body, out_shape=jax.ShapeDtypeStruct((n, d), jnp.float32))(h, degc)


def _tc2(s1p, g1, degc, b1, gnw, gnb, gna, w2):
    n, d = g1.shape

    def body(sp_ref, g_ref, deg_ref, b_ref, w_ref, bt_ref, a_ref, w2_ref,
             x1_ref, g2_ref):
        dinv = _dinv_col(deg_ref, n)
        s = sp_ref[0] + sp_ref[1] + g_ref[...]
        y = dinv * s + b_ref[...]
        mean = jnp.mean(y, axis=0, keepdims=True)
        o = y - a_ref[...] * mean
        var = jnp.mean(o * o, axis=0, keepdims=True)
        x1 = jnp.maximum(w_ref[...] * o * lax.rsqrt(var + _EPS) + bt_ref[...],
                         0.0)
        x1_ref[...] = x1
        g2_ref[...] = jnp.dot(x1, w2_ref[...],
                              preferred_element_type=jnp.float32) * dinv

    return pl.pallas_call(
        body,
        out_shape=(jax.ShapeDtypeStruct((n, d), jnp.float32),
                   jax.ShapeDtypeStruct((n, d), jnp.float32)),
    )(s1p, g1, degc, b1, gnw, gnb, gna, w2)


def _tc3(s2p, g2, degc, b2, gnw, gnb, gna, x1, wr, br):
    n, d = g2.shape

    def body(sp_ref, g_ref, deg_ref, b_ref, w_ref, bt_ref, a_ref, x1_ref,
             wr_ref, br_ref, out_ref):
        s = sp_ref[0] + sp_ref[1] + g_ref[...]
        y = _dinv_col(deg_ref, n) * s + b_ref[...]
        mean = jnp.mean(y, axis=0, keepdims=True)
        o = y - a_ref[...] * mean
        var = jnp.mean(o * o, axis=0, keepdims=True)
        x2 = jnp.maximum(w_ref[...] * o * lax.rsqrt(var + _EPS) + bt_ref[...],
                         0.0)
        out_ref[...] = jnp.dot(x1_ref[...] + x2, wr_ref[...],
                               preferred_element_type=jnp.float32) + br_ref[...]

    return pl.pallas_call(
        body,
        out_shape=jax.ShapeDtypeStruct((n, d), jnp.float32),
    )(s2p, g2, degc, b2, gnw, gnb, gna, x1, wr, br)


def kernel(x, edge_index, W1, b1, W2, b2, gn1_w, gn1_b, gn1_a, gn2_w, gn2_b,
           gn2_a, Wr, br):
    n, d = x.shape
    e = edge_index.shape[1]
    assert e % _NW == 0 and n % 16 == 0

    src = edge_index[0]
    dst = edge_index[1]
    zeros = jnp.zeros((n, d), jnp.float32)

    npad = -(-n // 128) * 128
    h1 = _tc_mm(x, W1)
    degc = _deg_sc(dst, n, npad).reshape(_NC, npad)

    g1 = _tc_scale(h1, degc)
    s1p = _seg_sum_sc(g1, src, dst, zeros)
    x1, g2 = _tc2(s1p, g1, degc, b1.reshape(1, d), gn1_w.reshape(1, d),
                  gn1_b.reshape(1, d), gn1_a.reshape(1, d), W2)
    s2p = _seg_sum_sc(g2, src, dst, zeros)
    return _tc3(s2p, g2, degc, b2.reshape(1, d), gn2_w.reshape(1, d),
                gn2_b.reshape(1, d), gn2_a.reshape(1, d), x1, Wr, br.reshape(1, d))

# --- scband reference (transcript-rebuilt; emitter-appended) ---
"""Pipeline reference for scband-link-prediction-gnn-7241314861683 (READ-ONLY COPY).

The authoritative reference and input builder live on the scoring server;
editing this copy changes nothing except your own understanding.
"""

import jax, jax.numpy as jnp
import numpy as np

N = 10000
E = 320000
D = 128
EPS = 1e-5


def gcn_conv(x, edge_index, W, b):
    # GCNConv with symmetric normalization and self-loops (PyG default)
    src = edge_index[0]
    dst = edge_index[1]
    loop = jnp.arange(N, dtype=src.dtype)
    src = jnp.concatenate([src, loop])
    dst = jnp.concatenate([dst, loop])
    h = x @ W
    deg = jnp.zeros((N,), dtype=x.dtype).at[dst].add(1.0)
    dinv = jnp.where(deg > 0, 1.0 / jnp.sqrt(deg), 0.0)
    norm = dinv[src] * dinv[dst]
    msg = h[src] * norm[:, None]
    out = jax.ops.segment_sum(msg, dst, num_segments=N)
    return out + b


def graph_norm(x, gamma, beta, alpha):
    # PyG GraphNorm over the node dimension (single graph)
    mean = jnp.mean(x, axis=0, keepdims=True)
    out = x - alpha * mean
    var = jnp.mean(out * out, axis=0, keepdims=True)
    return gamma * out / jnp.sqrt(var + EPS) + beta


def setup_inputs(seed: int = 0) -> dict:
    key = jax.random.key(seed)
    ks = jax.random.split(key, 8)
    inp = {}
    inp["x"] = jax.random.normal(ks[0], (N, D), dtype=jnp.float32)
    inp["edge_index"] = jax.random.randint(ks[1], (2, E), 0, N, dtype=jnp.int32)
    s = 1.0 / np.sqrt(D)
    inp["W1"] = jax.random.normal(ks[2], (D, D), dtype=jnp.float32) * s
    inp["b1"] = jnp.zeros((D,), dtype=jnp.float32)
    inp["W2"] = jax.random.normal(ks[3], (D, D), dtype=jnp.float32) * s
    inp["b2"] = jnp.zeros((D,), dtype=jnp.float32)
    inp["gn1_w"] = jnp.ones((D,), dtype=jnp.float32)
    inp["gn1_b"] = jnp.zeros((D,), dtype=jnp.float32)
    inp["gn1_a"] = jnp.ones((D,), dtype=jnp.float32)
    inp["gn2_w"] = jnp.ones((D,), dtype=jnp.float32)
    inp["gn2_b"] = jnp.zeros((D,), dtype=jnp.float32)
    inp["gn2_a"] = jnp.ones((D,), dtype=jnp.float32)
    inp["Wr"] = jax.random.normal(ks[4], (D, D), dtype=jnp.float32) * s
    inp["br"] = jnp.zeros((D,), dtype=jnp.float32)
    return inp


def reference(x, edge_index, W1, b1, W2, b2, gn1_w, gn1_b, gn1_a, gn2_w, gn2_b, gn2_a, Wr, br):
    # encode(); dropout is identity in eval mode
    x1 = jax.nn.relu(graph_norm(gcn_conv(x, edge_index, W1, b1), gn1_w, gn1_b, gn1_a))
    x2 = jax.nn.relu(graph_norm(gcn_conv(x1, edge_index, W2, b2), gn2_w, gn2_b, gn2_a))
    return (x1 + x2) @ Wr + br

if __name__ == "__main__":
    import jax
    _d = setup_inputs()
    print(jax.jit(kernel)(*tuple(_d.values())))

</pallas_src>

<mosaic_0001>
#map = affine_map<(d0, d1) -> (0, 0)>
#map1 = affine_map<(d0, d1) -> (0)>
#map2 = affine_map<(d0, d1) -> (0, 0, 0)>
module attributes {stable_mosaic.version = 14 : i64} {
  func.func @body(%arg0: i32, %arg1: i32, %arg2: memref<10000x128xf32, #tpu.memory_space<hbm>>, %arg3: memref<320000xi32, #tpu.memory_space<hbm>>, %arg4: memref<320000xi32, #tpu.memory_space<hbm>>, %arg5: memref<10000x128xf32, #tpu.memory_space<hbm>>, %arg6: memref<2x10000x128xf32, #tpu.memory_space<hbm>>, %arg7: memref<10000x128xf32, #tpu.memory_space<vmem_shared>>, %arg8: memref<16xi32, #tpu.memory_space<vmem>>, %arg9: memref<16xi32, #tpu.memory_space<vmem>>, %arg10: memref<16x128xf32, #tpu.memory_space<vmem>>, %arg11: memref<128xi32, #tpu.memory_space<vmem>>, %arg12: memref<128xi32, #tpu.memory_space<vmem>>, %arg13: memref<128xi32, #tpu.memory_space<vmem>>, %arg14: memref<128xi32, #tpu.memory_space<vmem>>, %arg15: memref<128xi32, #tpu.memory_space<vmem>>, %arg16: memref<128xi32, #tpu.memory_space<vmem>>, %arg17: memref<128xi32, #tpu.memory_space<vmem>>, %arg18: memref<128xi32, #tpu.memory_space<vmem>>, %arg19: memref<128x128xf32, #tpu.memory_space<vmem>>, %arg20: memref<128x128xf32, #tpu.memory_space<vmem>>, %arg21: memref<!tpu.dma_semaphore, #tpu.memory_space<semaphore_mem>>, %arg22: memref<!tpu.dma_semaphore, #tpu.memory_space<semaphore_mem>>, %arg23: memref<!tpu.dma_semaphore, #tpu.memory_space<semaphore_mem>>, %arg24: memref<!tpu.dma_semaphore, #tpu.memory_space<semaphore_mem>>, %arg25: memref<!tpu.dma_semaphore, #tpu.memory_space<semaphore_mem>>, %arg26: memref<!tpu.dma_semaphore, #tpu.memory_space<semaphore_mem>>) attributes {dimension_semantics = [#tpu.dimension_semantics<core_parallel>, #tpu.dimension_semantics<subcore_parallel>], iteration_bounds = array<i64: 2, 16>, scalar_prefetch = 0 : i64, scratch_operands = 20 : i64, tpu.core_type = #tpu.core_type<sc_vector_subcore>, window_params = [{transform_indices = #map}, {transform_indices = #map1}, {transform_indices = #map1}, {transform_indices = #map}, {transform_indices = #map2}]} {
    %mul3A = arith.constant 2 : i32
    %mul3A_0 = arith.muli %arg1, %mul3A : i32
    %add3A = arith.addi %mul3A_0, %arg0 : i32
    %mul3A_1 = arith.constant 10000 : i32
    %mul3A_2 = arith.muli %add3A, %mul3A_1 : i32
    %add3A_3 = arith.constant 0 : i32
    %add3A_4 = arith.addi %mul3A_2, %add3A_3 : i32
    "tpu.region"() ({
      %run_scoped3A = tpu.sem_alloc : memref<!tpu.dma_semaphore, #tpu.memory_space<semaphore_mem>>
      %dma_start3A_52 = tpu.memref_slice %arg3[%add3A_4] : memref<320000xi32, #tpu.memory_space<hbm>> -> memref<128xi32, #tpu.memory_space<hbm>>
      %dma_start3A_53 = tpu.memref_slice %arg3[%add3A_4] : memref<320000xi32, #tpu.memory_space<hbm>> -> memref<128xi32, #tpu.memory_space<hbm>>
      tpu.enqueue_dma source(%dma_start3A_53 : memref<128xi32, #tpu.memory_space<hbm>>) target(%arg11 : memref<128xi32, #tpu.memory_space<vmem>>) target_semaphore(%run_scoped3A : memref<!tpu.dma_semaphore, #tpu.memory_space<semaphore_mem>>)
      %dma_wait3A_54 = tpu.memref_slice %arg3[%add3A_4] : memref<320000xi32, #tpu.memory_space<hbm>> -> memref<128xi32, #tpu.memory_space<hbm>>
      %dma_wait3A_55 = tpu.memref_slice %arg3[%add3A_4] : memref<320000xi32, #tpu.memory_space<hbm>> -> memref<128xi32, #tpu.memory_space<hbm>>
      tpu.wait_dma2 semaphore(%run_scoped3A : memref<!tpu.dma_semaphore, #tpu.memory_space<semaphore_mem>>) src(%dma_wait3A_55 : memref<128xi32, #tpu.memory_space<hbm>>) dst(%arg11 : memref<128xi32, #tpu.memory_space<vmem>>)
      tpu.yield
    }) : () -> ()
    %add3A_5 = arith.constant 0 : i32
    %add3A_6 = arith.addi %mul3A_2, %add3A_5 : i32
    "tpu.region"() ({
      %run_scoped3A = tpu.sem_alloc : memref<!tpu.dma_semaphore, #tpu.memory_space<semaphore_mem>>
      %dma_start3A_52 = tpu.memref_slice %arg4[%add3A_6] : memref<320000xi32, #tpu.memory_space<hbm>> -> memref<128xi32, #tpu.memory_space<hbm>>
      %dma_start3A_53 = tpu.memref_slice %arg4[%add3A_6] : memref<320000xi32, #tpu.memory_space<hbm>> -> memref<128xi32, #tpu.memory_space<hbm>>
      tpu.enqueue_dma source(%dma_start3A_53 : memref<128xi32, #tpu.memory_space<hbm>>) target(%arg15 : memref<128xi32, #tpu.memory_space<vmem>>) target_semaphore(%run_scoped3A : memref<!tpu.dma_semaphore, #tpu.memory_space<semaphore_mem>>)
      %dma_wait3A_54 = tpu.memref_slice %arg4[%add3A_6] : memref<320000xi32, #tpu.memory_space<hbm>> -> memref<128xi32, #tpu.memory_space<hbm>>
      %dma_wait3A_55 = tpu.memref_slice %arg4[%add3A_6] : memref<320000xi32, #tpu.memory_space<hbm>> -> memref<128xi32, #tpu.memory_space<hbm>>
      tpu.wait_dma2 semaphore(%run_scoped3A : memref<!tpu.dma_semaphore, #tpu.memory_space<semaphore_mem>>) src(%dma_wait3A_55 : memref<128xi32, #tpu.memory_space<hbm>>) dst(%arg15 : memref<128xi32, #tpu.memory_space<vmem>>)
      tpu.yield
    }) : () -> ()
    %add3A_7 = arith.constant 128 : i32
    %add3A_8 = arith.addi %mul3A_2, %add3A_7 : i32
    "tpu.region"() ({
      %run_scoped3A = tpu.sem_alloc : memref<!tpu.dma_semaphore, #tpu.memory_space<semaphore_mem>>
      %dma_start3A_52 = tpu.memref_slice %arg3[%add3A_8] : memref<320000xi32, #tpu.memory_space<hbm>> -> memref<128xi32, #tpu.memory_space<hbm>>
      %dma_start3A_53 = tpu.memref_slice %arg3[%add3A_8] : memref<320000xi32, #tpu.memory_space<hbm>> -> memref<128xi32, #tpu.memory_space<hbm>>
      tpu.enqueue_dma source(%dma_start3A_53 : memref<128xi32, #tpu.memory_space<hbm>>) target(%arg12 : memref<128xi32, #tpu.memory_space<vmem>>) target_semaphore(%run_scoped3A : memref<!tpu.dma_semaphore, #tpu.memory_space<semaphore_mem>>)
      %dma_wait3A_54 = tpu.memref_slice %arg3[%add3A_8] : memref<320000xi32, #tpu.memory_space<hbm>> -> memref<128xi32, #tpu.memory_space<hbm>>
      %dma_wait3A_55 = tpu.memref_slice %arg3[%add3A_8] : memref<320000xi32, #tpu.memory_space<hbm>> -> memref<128xi32, #tpu.memory_space<hbm>>
      tpu.wait_dma2 semaphore(%run_scoped3A : memref<!tpu.dma_semaphore, #tpu.memory_space<semaphore_mem>>) src(%dma_wait3A_55 : memref<128xi32, #tpu.memory_space<hbm>>) dst(%arg12 : memref<128xi32, #tpu.memory_space<vmem>>)
      tpu.yield
    }) : () -> ()
    %add3A_9 = arith.constant 128 : i32
    %add3A_10 = arith.addi %mul3A_2, %add3A_9 : i32
    "tpu.region"() ({
      %run_scoped3A = tpu.sem_alloc : memref<!tpu.dma_semaphore, #tpu.memory_space<semaphore_mem>>
      %dma_start3A_52 = tpu.memref_slice %arg4[%add3A_10] : memref<320000xi32, #tpu.memory_space<hbm>> -> memref<128xi32, #tpu.memory_space<hbm>>
      %dma_start3A_53 = tpu.memref_slice %arg4[%add3A_10] : memref<320000xi32, #tpu.memory_space<hbm>> -> memref<128xi32, #tpu.memory_space<hbm>>
      tpu.enqueue_dma source(%dma_start3A_53 : memref<128xi32, #tpu.memory_space<hbm>>) target(%arg16 : memref<128xi32, #tpu.memory_space<vmem>>) target_semaphore(%run_scoped3A : memref<!tpu.dma_semaphore, #tpu.memory_space<semaphore_mem>>)
      %dma_wait3A_54 = tpu.memref_slice %arg4[%add3A_10] : memref<320000xi32, #tpu.memory_space<hbm>> -> memref<128xi32, #tpu.memory_space<hbm>>
      %dma_wait3A_55 = tpu.memref_slice %arg4[%add3A_10] : memref<320000xi32, #tpu.memory_space<hbm>> -> memref<128xi32, #tpu.memory_space<hbm>>
      tpu.wait_dma2 semaphore(%run_scoped3A : memref<!tpu.dma_semaphore, #tpu.memory_space<semaphore_mem>>) src(%dma_wait3A_55 : memref<128xi32, #tpu.memory_space<hbm>>) dst(%arg16 : memref<128xi32, #tpu.memory_space<vmem>>)
      tpu.yield
    }) : () -> ()
    %add3A_11 = arith.constant 256 : i32
    %add3A_12 = arith.addi %mul3A_2, %add3A_11 : i32
    "tpu.region"() ({
      %run_scoped3A = tpu.sem_alloc : memref<!tpu.dma_semaphore, #tpu.memory_space<semaphore_mem>>
      %dma_start3A_52 = tpu.memref_slice %arg3[%add3A_12] : memref<320000xi32, #tpu.memory_space<hbm>> -> memref<128xi32, #tpu.memory_space<hbm>>
      %dma_start3A_53 = tpu.memref_slice %arg3[%add3A_12] : memref<320000xi32, #tpu.memory_space<hbm>> -> memref<128xi32, #tpu.memory_space<hbm>>
      tpu.enqueue_dma source(%dma_start3A_53 : memref<128xi32, #tpu.memory_space<hbm>>) target(%arg13 : memref<128xi32, #tpu.memory_space<vmem>>) target_semaphore(%run_scoped3A : memref<!tpu.dma_semaphore, #tpu.memory_space<semaphore_mem>>)
      %dma_wait3A_54 = tpu.memref_slice %arg3[%add3A_12] : memref<320000xi32, #tpu.memory_space<hbm>> -> memref<128xi32, #tpu.memory_space<hbm>>
      %dma_wait3A_55 = tpu.memref_slice %arg3[%add3A_12] : memref<320000xi32, #tpu.memory_space<hbm>> -> memref<128xi32, #tpu.memory_space<hbm>>
      tpu.wait_dma2 semaphore(%run_scoped3A : memref<!tpu.dma_semaphore, #tpu.memory_space<semaphore_mem>>) src(%dma_wait3A_55 : memref<128xi32, #tpu.memory_space<hbm>>) dst(%arg13 : memref<128xi32, #tpu.memory_space<vmem>>)
      tpu.yield
    }) : () -> ()
    %add3A_13 = arith.constant 256 : i32
    %add3A_14 = arith.addi %mul3A_2, %add3A_13 : i32
    "tpu.region"() ({
      %run_scoped3A = tpu.sem_alloc : memref<!tpu.dma_semaphore, #tpu.memory_space<semaphore_mem>>
      %dma_start3A_52 = tpu.memref_slice %arg4[%add3A_14] : memref<320000xi32, #tpu.memory_space<hbm>> -> memref<128xi32, #tpu.memory_space<hbm>>
      %dma_start3A_53 = tpu.memref_slice %arg4[%add3A_14] : memref<320000xi32, #tpu.memory_space<hbm>> -> memref<128xi32, #tpu.memory_space<hbm>>
      tpu.enqueue_dma source(%dma_start3A_53 : memref<128xi32, #tpu.memory_space<hbm>>) target(%arg17 : memref<128xi32, #tpu.memory_space<vmem>>) target_semaphore(%run_scoped3A : memref<!tpu.dma_semaphore, #tpu.memory_space<semaphore_mem>>)
      %dma_wait3A_54 = tpu.memref_slice %arg4[%add3A_14] : memref<320000xi32, #tpu.memory_space<hbm>> -> memref<128xi32, #tpu.memory_space<hbm>>
      %dma_wait3A_55 = tpu.memref_slice %arg4[%add3A_14] : memref<320000xi32, #tpu.memory_space<hbm>> -> memref<128xi32, #tpu.memory_space<hbm>>
      tpu.wait_dma2 semaphore(%run_scoped3A : memref<!tpu.dma_semaphore, #tpu.memory_space<semaphore_mem>>) src(%dma_wait3A_55 : memref<128xi32, #tpu.memory_space<hbm>>) dst(%arg17 : memref<128xi32, #tpu.memory_space<vmem>>)
      tpu.yield
    }) : () -> ()
    %add3A_15 = arith.constant 384 : i32
    %add3A_16 = arith.addi %mul3A_2, %add3A_15 : i32
    "tpu.region"() ({
      %run_scoped3A = tpu.sem_alloc : memref<!tpu.dma_semaphore, #tpu.memory_space<semaphore_mem>>
      %dma_start3A_52 = tpu.memref_slice %arg3[%add3A_16] : memref<320000xi32, #tpu.memory_space<hbm>> -> memref<128xi32, #tpu.memory_space<hbm>>
      %dma_start3A_53 = tpu.memref_slice %arg3[%add3A_16] : memref<320000xi32, #tpu.memory_space<hbm>> -> memref<128xi32, #tpu.memory_space<hbm>>
      tpu.enqueue_dma source(%dma_start3A_53 : memref<128xi32, #tpu.memory_space<hbm>>) target(%arg14 : memref<128xi32, #tpu.memory_space<vmem>>) target_semaphore(%run_scoped3A : memref<!tpu.dma_semaphore, #tpu.memory_space<semaphore_mem>>)
      %dma_wait3A_54 = tpu.memref_slice %arg3[%add3A_16] : memref<320000xi32, #tpu.memory_space<hbm>> -> memref<128xi32, #tpu.memory_space<hbm>>
      %dma_wait3A_55 = tpu.memref_slice %arg3[%add3A_16] : memref<320000xi32, #tpu.memory_space<hbm>> -> memref<128xi32, #tpu.memory_space<hbm>>
      tpu.wait_dma2 semaphore(%run_scoped3A : memref<!tpu.dma_semaphore, #tpu.memory_space<semaphore_mem>>) src(%dma_wait3A_55 : memref<128xi32, #tpu.memory_space<hbm>>) dst(%arg14 : memref<128xi32, #tpu.memory_space<vmem>>)
      tpu.yield
    }) : () -> ()
    %add3A_17 = arith.constant 384 : i32
    %add3A_18 = arith.addi %mul3A_2, %add3A_17 : i32
    "tpu.region"() ({
      %run_scoped3A = tpu.sem_alloc : memref<!tpu.dma_semaphore, #tpu.memory_space<semaphore_mem>>
      %dma_start3A_52 = tpu.memref_slice %arg4[%add3A_18] : memref<320000xi32, #tpu.memory_space<hbm>> -> memref<128xi32, #tpu.memory_space<hbm>>
      %dma_start3A_53 = tpu.memref_slice %arg4[%add3A_18] : memref<320000xi32, #tpu.memory_space<hbm>> -> memref<128xi32, #tpu.memory_space<hbm>>
      tpu.enqueue_dma source(%dma_start3A_53 : memref<128xi32, #tpu.memory_space<hbm>>) target(%arg18 : memref<128xi32, #tpu.memory_space<vmem>>) target_semaphore(%run_scoped3A : memref<!tpu.dma_semaphore, #tpu.memory_space<semaphore_mem>>)
      %dma_wait3A_54 = tpu.memref_slice %arg4[%add3A_18] : memref<320000xi32, #tpu.memory_space<hbm>> -> memref<128xi32, #tpu.memory_space<hbm>>
      %dma_wait3A_55 = tpu.memref_slice %arg4[%add3A_18] : memref<320000xi32, #tpu.memory_space<hbm>> -> memref<128xi32, #tpu.memory_space<hbm>>
      tpu.wait_dma2 semaphore(%run_scoped3A : memref<!tpu.dma_semaphore, #tpu.memory_space<semaphore_mem>>) src(%dma_wait3A_55 : memref<128xi32, #tpu.memory_space<hbm>>) dst(%arg18 : memref<128xi32, #tpu.memory_space<vmem>>)
      tpu.yield
    }) : () -> ()
    %dma_start3A = arith.constant 0 : i32
    %dma_start3A_19 = arith.constant 0 : i32
    %dma_start3A_20 = tpu.memref_slice %arg2[%dma_start3A, %dma_start3A_19] : memref<10000x128xf32, #tpu.memory_space<hbm>> -> memref<10000x128xf32, #tpu.memory_space<hbm>>
    tpu.enqueue_indirect_dma source(%dma_start3A_20 : memref<10000x128xf32, #tpu.memory_space<hbm>>) target(%arg19 : memref<128x128xf32, #tpu.memory_space<vmem>>) offsets(%arg11 : memref<128xi32, #tpu.memory_space<vmem>>) semaphore(%arg21 : memref<!tpu.dma_semaphore, #tpu.memory_space<semaphore_mem>>)
    %dma_start3A_21 = arith.constant 0 : i32
    %dma_start3A_22 = arith.constant 0 : i32
    %dma_start3A_23 = tpu.memref_slice %arg2[%dma_start3A_21, %dma_start3A_22] : memref<10000x128xf32, #tpu.memory_space<hbm>> -> memref<10000x128xf32, #tpu.memory_space<hbm>>
    tpu.enqueue_indirect_dma source(%dma_start3A_23 : memref<10000x128xf32, #tpu.memory_space<hbm>>) target(%arg20 : memref<128x128xf32, #tpu.memory_space<vmem>>) offsets(%arg12 : memref<128xi32, #tpu.memory_space<vmem>>) semaphore(%arg22 : memref<!tpu.dma_semaphore, #tpu.memory_space<semaphore_mem>>)
    %mul3A_24 = arith.constant 624 : i32
    %mul3A_25 = arith.muli %arg1, %mul3A_24 : i32
    %mul3A_26 = arith.constant 624 : i32
    %mul3A_27 = arith.muli %arg1, %mul3A_26 : i32
    "tpu.region"() ({
      %run_scoped3A = tpu.sem_alloc : memref<!tpu.dma_semaphore, #tpu.memory_space<semaphore_mem>>
      %dma_start3A_52 = arith.constant 0 : i32
      %dma_start3A_53 = tpu.memref_slice %arg7[%mul3A_27, %dma_start3A_52] : memref<10000x128xf32, #tpu.memory_space<vmem_shared>> -> memref<624x128xf32, #tpu.memory_space<vmem_shared>>
      %dma_start3A_54 = arith.constant 0 : i32
      %dma_start3A_55 = tpu.memref_slice %arg5[%mul3A_25, %dma_start3A_54] : memref<10000x128xf32, #tpu.memory_space<hbm>> -> memref<624x128xf32, #tpu.memory_space<hbm>>
      tpu.enqueue_dma source(%dma_start3A_55 : memref<624x128xf32, #tpu.memory_space<hbm>>) target(%dma_start3A_53 : memref<624x128xf32, #tpu.memory_space<vmem_shared>>) target_semaphore(%run_scoped3A : memref<!tpu.dma_semaphore, #tpu.memory_space<semaphore_mem>>)
      %dma_wait3A_56 = arith.constant 0 : i32
      %dma_wait3A_57 = tpu.memref_slice %arg7[%mul3A_27, %dma_wait3A_56] : memref<10000x128xf32, #tpu.memory_space<vmem_shared>> -> memref<624x128xf32, #tpu.memory_space<vmem_shared>>
      %dma_wait3A_58 = arith.constant 0 : i32
      %dma_wait3A_59 = tpu.memref_slice %arg5[%mul3A_25, %dma_wait3A_58] : memref<10000x128xf32, #tpu.memory_space<hbm>> -> memref<624x128xf32, #tpu.memory_space<hbm>>
      tpu.wait_dma2 semaphore(%run_scoped3A : memref<!tpu.dma_semaphore, #tpu.memory_space<semaphore_mem>>) src(%dma_wait3A_59 : memref<624x128xf32, #tpu.memory_space<hbm>>) dst(%dma_wait3A_57 : memref<624x128xf32, #tpu.memory_space<vmem_shared>>)
      tpu.yield
    }) : () -> ()
    %eq3A = arith.constant 0 : i32
    %eq3A_28 = arith.cmpi eq, %arg1, %eq3A : i32
    %convert_element_type3A = arith.extui %eq3A_28 : i1 to i32
    %cond3A = arith.constant 0 : i32
    %cond3A_29 = arith.cmpi ne, %convert_element_type3A, %cond3A : i32
    scf.if %cond3A_29 {
      "tpu.region"() ({
        %run_scoped3A = tpu.sem_alloc : memref<!tpu.dma_semaphore, #tpu.memory_space<semaphore_mem>>
        %dma_start3A_52 = arith.constant 9984 : i32
        %dma_start3A_53 = arith.constant 0 : i32
        %dma_start3A_54 = tpu.memref_slice %arg7[%dma_start3A_52, %dma_start3A_53] : memref<10000x128xf32, #tpu.memory_space<vmem_shared>> -> memref<16x128xf32, #tpu.memory_space<vmem_shared>>
        %dma_start3A_55 = arith.constant 9984 : i32
        %dma_start3A_56 = arith.constant 0 : i32
        %dma_start3A_57 = tpu.memref_slice %arg5[%dma_start3A_55, %dma_start3A_56] : memref<10000x128xf32, #tpu.memory_space<hbm>> -> memref<16x128xf32, #tpu.memory_space<hbm>>
        tpu.enqueue_dma source(%dma_start3A_57 : memref<16x128xf32, #tpu.memory_space<hbm>>) target(%dma_start3A_54 : memref<16x128xf32, #tpu.memory_space<vmem_shared>>) target_semaphore(%run_scoped3A : memref<!tpu.dma_semaphore, #tpu.memory_space<semaphore_mem>>)
        %dma_wait3A_58 = arith.constant 9984 : i32
        %dma_wait3A_59 = arith.constant 0 : i32
        %dma_wait3A_60 = tpu.memref_slice %arg7[%dma_wait3A_58, %dma_wait3A_59] : memref<10000x128xf32, #tpu.memory_space<vmem_shared>> -> memref<16x128xf32, #tpu.memory_space<vmem_shared>>
        %dma_wait3A_61 = arith.constant 9984 : i32
        %dma_wait3A_62 = arith.constant 0 : i32
        %dma_wait3A_63 = tpu.memref_slice %arg5[%dma_wait3A_61, %dma_wait3A_62] : memref<10000x128xf32, #tpu.memory_space<hbm>> -> memref<16x128xf32, #tpu.memory_space<hbm>>
        tpu.wait_dma2 semaphore(%run_scoped3A : memref<!tpu.dma_semaphore, #tpu.memory_space<semaphore_mem>>) src(%dma_wait3A_63 : memref<16x128xf32, #tpu.memory_space<hbm>>) dst(%dma_wait3A_60 : memref<16x128xf32, #tpu.memory_space<vmem_shared>>)
        tpu.yield
      }) : () -> ()
    } else {
    }
    %barrier3A = arith.constant 0 : index
    tpu.barrier barrier_id(%barrier3A)
    %scan3A = arith.constant 0 : i32
    %scan3A_30 = arith.constant 0 : i32
    %scan3A_31 = arith.constant 19 : i32
    %scan3A_32 = arith.addi %scan3A_30, %scan3A_31 : i32
    %scan3A_33 = arith.constant 1 : i32
    scf.for %scan3A_52 = %scan3A_30 to %scan3A_32 step %scan3A_33  : i32 {
      %mul3A_53 = arith.constant 4 : i32
      %mul3A_54 = arith.muli %scan3A_52, %mul3A_53 : i32
      %add3A_55 = arith.constant 0 : i32
      %add3A_56 = arith.addi %mul3A_54, %add3A_55 : i32
      %dma_wait3A_57 = arith.constant 0 : i32
      %dma_wait3A_58 = arith.constant 0 : i32
      %dma_wait3A_59 = tpu.memref_slice %arg2[%dma_wait3A_57, %dma_wait3A_58] : memref<10000x128xf32, #tpu.memory_space<hbm>> -> memref<10000x128xf32, #tpu.memory_space<hbm>>
      tpu.wait_indirect_dma semaphore(%arg21 : memref<!tpu.dma_semaphore, #tpu.memory_space<semaphore_mem>>) src(%dma_wait3A_59 : memref<10000x128xf32, #tpu.memory_space<hbm>>) dst(%arg19 : memref<128x128xf32, #tpu.memory_space<vmem>>)
      "tpu.region"() ({
        %run_scoped3A = tpu.sem_alloc : memref<!tpu.dma_semaphore, #tpu.memory_space<semaphore_mem>>
        %dma_start3A_130 = arith.constant 0 : i32
        %dma_start3A_131 = arith.constant 0 : i32
        %dma_start3A_132 = tpu.memref_slice %arg7[%dma_start3A_130, %dma_start3A_131] : memref<10000x128xf32, #tpu.memory_space<vmem_shared>> -> memref<10000x128xf32, #tpu.memory_space<vmem_shared>>
        tpu.enqueue_indirect_dma source(%arg19 : memref<128x128xf32, #tpu.memory_space<vmem>>) target(%dma_start3A_132 : memref<10000x128xf32, #tpu.memory_space<vmem_shared>>) offsets(%arg15 : memref<128xi32, #tpu.memory_space<vmem>>) semaphore(%run_scoped3A : memref<!tpu.dma_semaphore, #tpu.memory_space<semaphore_mem>>) {add = true}
        %dma_wait3A_133 = arith.constant 0 : i32
        %dma_wait3A_134 = arith.constant 0 : i32
        %dma_wait3A_135 = tpu.memref_slice %arg7[%dma_wait3A_133, %dma_wait3A_134] : memref<10000x128xf32, #tpu.memory_space<vmem_shared>> -> memref<10000x128xf32, #tpu.memory_space<vmem_shared>>
        tpu.wait_indirect_dma semaphore(%run_scoped3A : memref<!tpu.dma_semaphore, #tpu.memory_space<semaphore_mem>>) src(%arg19 : memref<128x128xf32, #tpu.memory_space<vmem>>) dst(%dma_wait3A_135 : memref<10000x128xf32, #tpu.memory_space<vmem_shared>>)
        tpu.yield
      }) : () -> ()
      %add3A_60 = arith.constant 4 : i32
      %add3A_61 = arith.addi %add3A_56, %add3A_60 : i32
      %lt3A = arith.constant 78 : i32
      %lt3A_62 = arith.cmpi slt, %add3A_61, %lt3A : i32
      %convert_element_type3A_63 = arith.extui %lt3A_62 : i1 to i32
      %cond3A_64 = arith.constant 0 : i32
      %cond3A_65 = arith.cmpi ne, %convert_element_type3A_63, %cond3A_64 : i32
      scf.if %cond3A_65 {
        %add3A_130 = arith.constant 4 : i32
        %add3A_131 = arith.addi %add3A_56, %add3A_130 : i32
        %mul3A_132 = arith.constant 128 : i32
        %mul3A_133 = arith.muli %add3A_131, %mul3A_132 : i32
        %add3A_134 = arith.addi %mul3A_2, %mul3A_133 : i32
        %dma_start3A_135 = tpu.memref_slice %arg3[%add3A_134] : memref<320000xi32, #tpu.memory_space<hbm>> -> memref<128xi32, #tpu.memory_space<hbm>>
        %dma_start3A_136 = tpu.memref_slice %arg3[%add3A_134] : memref<320000xi32, #tpu.memory_space<hbm>> -> memref<128xi32, #tpu.memory_space<hbm>>
        tpu.enqueue_dma source(%dma_start3A_136 : memref<128xi32, #tpu.memory_space<hbm>>) target(%arg11 : memref<128xi32, #tpu.memory_space<vmem>>) target_semaphore(%arg23 : memref<!tpu.dma_semaphore, #tpu.memory_space<semaphore_mem>>)
        %dma_start3A_137 = tpu.memref_slice %arg4[%add3A_134] : memref<320000xi32, #tpu.memory_space<hbm>> -> memref<128xi32, #tpu.memory_space<hbm>>
        %dma_start3A_138 = tpu.memref_slice %arg4[%add3A_134] : memref<320000xi32, #tpu.memory_space<hbm>> -> memref<128xi32, #tpu.memory_space<hbm>>
        tpu.enqueue_dma source(%dma_start3A_138 : memref<128xi32, #tpu.memory_space<hbm>>) target(%arg15 : memref<128xi32, #tpu.memory_space<vmem>>) target_semaphore(%arg23 : memref<!tpu.dma_semaphore, #tpu.memory_space<semaphore_mem>>)
      } else {
      }
      %add3A_66 = arith.constant 2 : i32
      %add3A_67 = arith.addi %add3A_56, %add3A_66 : i32
      %lt3A_68 = arith.constant 78 : i32
      %lt3A_69 = arith.cmpi slt, %add3A_67, %lt3A_68 : i32
      %convert_element_type3A_70 = arith.extui %lt3A_69 : i1 to i32
      %cond3A_71 = arith.constant 0 : i32
      %cond3A_72 = arith.cmpi ne, %convert_element_type3A_70, %cond3A_71 : i32
      scf.if %cond3A_72 {
        %add3A_130 = arith.constant 2 : i32
        %add3A_131 = arith.addi %add3A_56, %add3A_130 : i32
        %ge3A = arith.constant 4 : i32
        %ge3A_132 = arith.cmpi sge, %add3A_131, %ge3A : i32
        %convert_element_type3A_133 = arith.extui %ge3A_132 : i1 to i32
        %cond3A_134 = arith.constant 0 : i32
        %cond3A_135 = arith.cmpi ne, %convert_element_type3A_133, %cond3A_134 : i32
        scf.if %cond3A_135 {
          %add3A_139 = arith.constant 2 : i32
          %add3A_140 = arith.addi %add3A_56, %add3A_139 : i32
          %mul3A_141 = arith.constant 128 : i32
          %mul3A_142 = arith.muli %add3A_140, %mul3A_141 : i32
          %add3A_143 = arith.addi %mul3A_2, %mul3A_142 : i32
          %dma_wait3A_144 = tpu.memref_slice %arg3[%add3A_143] : memref<320000xi32, #tpu.memory_space<hbm>> -> memref<128xi32, #tpu.memory_space<hbm>>
          %dma_wait3A_145 = tpu.memref_slice %arg3[%add3A_143] : memref<320000xi32, #tpu.memory_space<hbm>> -> memref<128xi32, #tpu.memory_space<hbm>>
          tpu.wait_dma2 semaphore(%arg25 : memref<!tpu.dma_semaphore, #tpu.memory_space<semaphore_mem>>) src(%dma_wait3A_145 : memref<128xi32, #tpu.memory_space<hbm>>) dst(%arg13 : memref<128xi32, #tpu.memory_space<vmem>>)
          %dma_wait3A_146 = tpu.memref_slice %arg4[%add3A_143] : memref<320000xi32, #tpu.memory_space<hbm>> -> memref<128xi32, #tpu.memory_space<hbm>>
          %dma_wait3A_147 = tpu.memref_slice %arg4[%add3A_143] : memref<320000xi32, #tpu.memory_space<hbm>> -> memref<128xi32, #tpu.memory_space<hbm>>
          tpu.wait_dma2 semaphore(%arg25 : memref<!tpu.dma_semaphore, #tpu.memory_space<semaphore_mem>>) src(%dma_wait3A_147 : memref<128xi32, #tpu.memory_space<hbm>>) dst(%arg17 : memref<128xi32, #tpu.memory_space<vmem>>)
        } else {
        }
        %dma_start3A_136 = arith.constant 0 : i32
        %dma_start3A_137 = arith.constant 0 : i32
        %dma_start3A_138 = tpu.memref_slice %arg2[%dma_start3A_136, %dma_start3A_137] : memref<10000x128xf32, #tpu.memory_space<hbm>> -> memref<10000x128xf32, #tpu.memory_space<hbm>>
        tpu.enqueue_indirect_dma source(%dma_start3A_138 : memref<10000x128xf32, #tpu.memory_space<hbm>>) target(%arg19 : memref<128x128xf32, #tpu.memory_space<vmem>>) offsets(%arg13 : memref<128xi32, #tpu.memory_space<vmem>>) semaphore(%arg21 : memref<!tpu.dma_semaphore, #tpu.memory_space<semaphore_mem>>)
      } else {
      }
      %add3A_73 = arith.constant 1 : i32
      %add3A_74 = arith.addi %mul3A_54, %add3A_73 : i32
      %dma_wait3A_75 = arith.constant 0 : i32
      %dma_wait3A_76 = arith.constant 0 : i32
      %dma_wait3A_77 = tpu.memref_slice %arg2[%dma_wait3A_75, %dma_wait3A_76] : memref<10000x128xf32, #tpu.memory_space<hbm>> -> memref<10000x128xf32, #tpu.memory_space<hbm>>
      tpu.wait_indirect_dma semaphore(%arg22 : memref<!tpu.dma_semaphore, #tpu.memory_space<semaphore_mem>>) src(%dma_wait3A_77 : memref<10000x128xf32, #tpu.memory_space<hbm>>) dst(%arg20 : memref<128x128xf32, #tpu.memory_space<vmem>>)
      "tpu.region"() ({
        %run_scoped3A = tpu.sem_alloc : memref<!tpu.dma_semaphore, #tpu.memory_space<semaphore_mem>>
        %dma_start3A_130 = arith.constant 0 : i32
        %dma_start3A_131 = arith.constant 0 : i32
        %dma_start3A_132 = tpu.memref_slice %arg7[%dma_start3A_130, %dma_start3A_131] : memref<10000x128xf32, #tpu.memory_space<vmem_shared>> -> memref<10000x128xf32, #tpu.memory_space<vmem_shared>>
        tpu.enqueue_indirect_dma source(%arg20 : memref<128x128xf32, #tpu.memory_space<vmem>>) target(%dma_start3A_132 : memref<10000x128xf32, #tpu.memory_space<vmem_shared>>) offsets(%arg16 : memref<128xi32, #tpu.memory_space<vmem>>) semaphore(%run_scoped3A : memref<!tpu.dma_semaphore, #tpu.memory_space<semaphore_mem>>) {add = true}
        %dma_wait3A_133 = arith.constant 0 : i32
        %dma_wait3A_134 = arith.constant 0 : i32
        %dma_wait3A_135 = tpu.memref_slice %arg7[%dma_wait3A_133, %dma_wait3A_134] : memref<10000x128xf32, #tpu.memory_space<vmem_shared>> -> memref<10000x128xf32, #tpu.memory_space<vmem_shared>>
        tpu.wait_indirect_dma semaphore(%run_scoped3A : memref<!tpu.dma_semaphore, #tpu.memory_space<semaphore_mem>>) src(%arg20 : memref<128x128xf32, #tpu.memory_space<vmem>>) dst(%dma_wait3A_135 : memref<10000x128xf32, #tpu.memory_space<vmem_shared>>)
        tpu.yield
      }) : () -> ()
      %add3A_78 = arith.constant 4 : i32
      %add3A_79 = arith.addi %add3A_74, %add3A_78 : i32
      %lt3A_80 = arith.constant 78 : i32
      %lt3A_81 = arith.cmpi slt, %add3A_79, %lt3A_80 : i32
      %convert_element_type3A_82 = arith.extui %lt3A_81 : i1 to i32
      %cond3A_83 = arith.constant 0 : i32
      %cond3A_84 = arith.cmpi ne, %convert_element_type3A_82, %cond3A_83 : i32
      scf.if %cond3A_84 {
        %add3A_130 = arith.constant 4 : i32
        %add3A_131 = arith.addi %add3A_74, %add3A_130 : i32
        %mul3A_132 = arith.constant 128 : i32
        %mul3A_133 = arith.muli %add3A_131, %mul3A_132 : i32
        %add3A_134 = arith.addi %mul3A_2, %mul3A_133 : i32
        %dma_start3A_135 = tpu.memref_slice %arg3[%add3A_134] : memref<320000xi32, #tpu.memory_space<hbm>> -> memref<128xi32, #tpu.memory_space<hbm>>
        %dma_start3A_136 = tpu.memref_slice %arg3[%add3A_134] : memref<320000xi32, #tpu.memory_space<hbm>> -> memref<128xi32, #tpu.memory_space<hbm>>
        tpu.enqueue_dma source(%dma_start3A_136 : memref<128xi32, #tpu.memory_space<hbm>>) target(%arg12 : memref<128xi32, #tpu.memory_space<vmem>>) target_semaphore(%arg24 : memref<!tpu.dma_semaphore, #tpu.memory_space<semaphore_mem>>)
        %dma_start3A_137 = tpu.memref_slice %arg4[%add3A_134] : memref<320000xi32, #tpu.memory_space<hbm>> -> memref<128xi32, #tpu.memory_space<hbm>>
        %dma_start3A_138 = tpu.memref_slice %arg4[%add3A_134] : memref<320000xi32, #tpu.memory_space<hbm>> -> memref<128xi32, #tpu.memory_space<hbm>>
        tpu.enqueue_dma source(%dma_start3A_138 : memref<128xi32, #tpu.memory_space<hbm>>) target(%arg16 : memref<128xi32, #tpu.memory_space<vmem>>) target_semaphore(%arg24 : memref<!tpu.dma_semaphore, #tpu.memory_space<semaphore_mem>>)
      } else {
      }
      %add3A_85 = arith.constant 2 : i32
      %add3A_86 = arith.addi %add3A_74, %add3A_85 : i32
      %lt3A_87 = arith.constant 78 : i32
      %lt3A_88 = arith.cmpi slt, %add3A_86, %lt3A_87 : i32
      %convert_element_type3A_89 = arith.extui %lt3A_88 : i1 to i32
      %cond3A_90 = arith.constant 0 : i32
      %cond3A_91 = arith.cmpi ne, %convert_element_type3A_89, %cond3A_90 : i32
      scf.if %cond3A_91 {
        %add3A_130 = arith.constant 2 : i32
        %add3A_131 = arith.addi %add3A_74, %add3A_130 : i32
        %ge3A = arith.constant 4 : i32
        %ge3A_132 = arith.cmpi sge, %add3A_131, %ge3A : i32
        %convert_element_type3A_133 = arith.extui %ge3A_132 : i1 to i32
        %cond3A_134 = arith.constant 0 : i32
        %cond3A_135 = arith.cmpi ne, %convert_element_type3A_133, %cond3A_134 : i32
        scf.if %cond3A_135 {
          %add3A_139 = arith.constant 2 : i32
          %add3A_140 = arith.addi %add3A_74, %add3A_139 : i32
          %mul3A_141 = arith.constant 128 : i32
          %mul3A_142 = arith.muli %add3A_140, %mul3A_141 : i32
          %add3A_143 = arith.addi %mul3A_2, %mul3A_142 : i32
          %dma_wait3A_144 = tpu.memref_slice %arg3[%add3A_143] : memref<320000xi32, #tpu.memory_space<hbm>> -> memref<128xi32, #tpu.memory_space<hbm>>
          %dma_wait3A_145 = tpu.memref_slice %arg3[%add3A_143] : memref<320000xi32, #tpu.memory_space<hbm>> -> memref<128xi32, #tpu.memory_space<hbm>>
          tpu.wait_dma2 semaphore(%arg26 : memref<!tpu.dma_semaphore, #tpu.memory_space<semaphore_mem>>) src(%dma_wait3A_145 : memref<128xi32, #tpu.memory_space<hbm>>) dst(%arg14 : memref<128xi32, #tpu.memory_space<vmem>>)
          %dma_wait3A_146 = tpu.memref_slice %arg4[%add3A_143] : memref<320000xi32, #tpu.memory_space<hbm>> -> memref<128xi32, #tpu.memory_space<hbm>>
          %dma_wait3A_147 = tpu.memref_slice %arg4[%add3A_143] : memref<320000xi32, #tpu.memory_space<hbm>> -> memref<128xi32, #tpu.memory_space<hbm>>
          tpu.wait_dma2 semaphore(%arg26 : memref<!tpu.dma_semaphore, #tpu.memory_space<semaphore_mem>>) src(%dma_wait3A_147 : memref<128xi32, #tpu.memory_space<hbm>>) dst(%arg18 : memref<128xi32, #tpu.memory_space<vmem>>)
        } else {
        }
        %dma_start3A_136 = arith.constant 0 : i32
        %dma_start3A_137 = arith.constant 0 : i32
        %dma_start3A_138 = tpu.memref_slice %arg2[%dma_start3A_136, %dma_start3A_137] : memref<10000x128xf32, #tpu.memory_space<hbm>> -> memref<10000x128xf32, #tpu.memory_space<hbm>>
        tpu.enqueue_indirect_dma source(%dma_start3A_138 : memref<10000x128xf32, #tpu.memory_space<hbm>>) target(%arg20 : memref<128x128xf32, #tpu.memory_space<vmem>>) offsets(%arg14 : memref<128xi32, #tpu.memory_space<vmem>>) semaphore(%arg22 : memref<!tpu.dma_semaphore, #tpu.memory_space<semaphore_mem>>)
      } else {
      }
      %add3A_92 = arith.constant 2 : i32
      %add3A_93 = arith.addi %mul3A_54, %add3A_92 : i32
      %dma_wait3A_94 = arith.constant 0 : i32
      %dma_wait3A_95 = arith.constant 0 : i32
      %dma_wait3A_96 = tpu.memref_slice %arg2[%dma_wait3A_94, %dma_wait3A_95] : memref<10000x128xf32, #tpu.memory_space<hbm>> -> memref<10000x128xf32, #tpu.memory_space<hbm>>
      tpu.wait_indirect_dma semaphore(%arg21 : memref<!tpu.dma_semaphore, #tpu.memory_space<semaphore_mem>>) src(%dma_wait3A_96 : memref<10000x128xf32, #tpu.memory_space<hbm>>) dst(%arg19 : memref<128x128xf32, #tpu.memory_space<vmem>>)
      "tpu.region"() ({
        %run_scoped3A = tpu.sem_alloc : memref<!tpu.dma_semaphore, #tpu.memory_space<semaphore_mem>>
        %dma_start3A_130 = arith.constant 0 : i32
        %dma_start3A_131 = arith.constant 0 : i32
        %dma_start3A_132 = tpu.memref_slice %arg7[%dma_start3A_130, %dma_start3A_131] : memref<10000x128xf32, #tpu.memory_space<vmem_shared>> -> memref<10000x128xf32, #tpu.memory_space<vmem_shared>>
        tpu.enqueue_indirect_dma source(%arg19 : memref<128x128xf32, #tpu.memory_space<vmem>>) target(%dma_start3A_132 : memref<10000x128xf32, #tpu.memory_space<vmem_shared>>) offsets(%arg17 : memref<128xi32, #tpu.memory_space<vmem>>) semaphore(%run_scoped3A : memref<!tpu.dma_semaphore, #tpu.memory_space<semaphore_mem>>) {add = true}
        %dma_wait3A_133 = arith.constant 0 : i32
        %dma_wait3A_134 = arith.constant 0 : i32
        %dma_wait3A_135 = tpu.memref_slice %arg7[%dma_wait3A_133, %dma_wait3A_134] : memref<10000x128xf32, #tpu.memory_space<vmem_shared>> -> memref<10000x128xf32, #tpu.memory_space<vmem_shared>>
        tpu.wait_indirect_dma semaphore(%run_scoped3A : memref<!tpu.dma_semaphore, #tpu.memory_space<semaphore_mem>>) src(%arg19 : memref<128x128xf32, #tpu.memory_space<vmem>>) dst(%dma_wait3A_135 : memref<10000x128xf32, #tpu.memory_space<vmem_shared>>)
        tpu.yield
      }) : () -> ()
      %add3A_97 = arith.constant 4 : i32
      %add3A_98 = arith.addi %add3A_93, %add3A_97 : i32
      %lt3A_99 = arith.constant 78 : i32
      %lt3A_100 = arith.cmpi slt, %add3A_98, %lt3A_99 : i32
      %convert_element_type3A_101 = arith.extui %lt3A_100 : i1 to i32
      %cond3A_102 = arith.constant 0 : i32
      %cond3A_103 = arith.cmpi ne, %convert_element_type3A_101, %cond3A_102 : i32
      scf.if %cond3A_103 {
        %add3A_130 = arith.constant 4 : i32
        %add3A_131 = arith.addi %add3A_93, %add3A_130 : i32
        %mul3A_132 = arith.constant 128 : i32
        %mul3A_133 = arith.muli %add3A_131, %mul3A_132 : i32
        %add3A_134 = arith.addi %mul3A_2, %mul3A_133 : i32
        %dma_start3A_135 = tpu.memref_slice %arg3[%add3A_134] : memref<320000xi32, #tpu.memory_space<hbm>> -> memref<128xi32, #tpu.memory_space<hbm>>
        %dma_start3A_136 = tpu.memref_slice %arg3[%add3A_134] : memref<320000xi32, #tpu.memory_space<hbm>> -> memref<128xi32, #tpu.memory_space<hbm>>
        tpu.enqueue_dma source(%dma_start3A_136 : memref<128xi32, #tpu.memory_space<hbm>>) target(%arg13 : memref<128xi32, #tpu.memory_space<vmem>>) target_semaphore(%arg25 : memref<!tpu.dma_semaphore, #tpu.memory_space<semaphore_mem>>)
        %dma_start3A_137 = tpu.memref_slice %arg4[%add3A_134] : memref<320000xi32, #tpu.memory_space<hbm>> -> memref<128xi32, #tpu.memory_space<hbm>>
        %dma_start3A_138 = tpu.memref_slice %arg4[%add3A_134] : memref<320000xi32, #tpu.memory_space<hbm>> -> memref<128xi32, #tpu.memory_space<hbm>>
        tpu.enqueue_dma source(%dma_start3A_138 : memref<128xi32, #tpu.memory_space<hbm>>) target(%arg17 : memref<128xi32, #tpu.memory_space<vmem>>) target_semaphore(%arg25 : memref<!tpu.dma_semaphore, #tpu.memory_space<semaphore_mem>>)
      } else {
      }
      %add3A_104 = arith.constant 2 : i32
      %add3A_105 = arith.addi %add3A_93, %add3A_104 : i32
      %lt3A_106 = arith.constant 78 : i32
      %lt3A_107 = arith.cmpi slt, %add3A_105, %lt3A_106 : i32
      %convert_element_type3A_108 = arith.extui %lt3A_107 : i1 to i32
      %cond3A_109 = arith.constant 0 : i32
      %cond3A_110 = arith.cmpi ne, %convert_element_type3A_108, %cond3A_109 : i32
      scf.if %cond3A_110 {
        %add3A_130 = arith.constant 2 : i32
        %add3A_131 = arith.addi %add3A_93, %add3A_130 : i32
        %ge3A = arith.constant 4 : i32
        %ge3A_132 = arith.cmpi sge, %add3A_131, %ge3A : i32
        %convert_element_type3A_133 = arith.extui %ge3A_132 : i1 to i32
        %cond3A_134 = arith.constant 0 : i32
        %cond3A_135 = arith.cmpi ne, %convert_element_type3A_133, %cond3A_134 : i32
        scf.if %cond3A_135 {
          %add3A_139 = arith.constant 2 : i32
          %add3A_140 = arith.addi %add3A_93, %add3A_139 : i32
          %mul3A_141 = arith.constant 128 : i32
          %mul3A_142 = arith.muli %add3A_140, %mul3A_141 : i32
          %add3A_143 = arith.addi %mul3A_2, %mul3A_142 : i32
          %dma_wait3A_144 = tpu.memref_slice %arg3[%add3A_143] : memref<320000xi32, #tpu.memory_space<hbm>> -> memref<128xi32, #tpu.memory_space<hbm>>
          %dma_wait3A_145 = tpu.memref_slice %arg3[%add3A_143] : memref<320000xi32, #tpu.memory_space<hbm>> -> memref<128xi32, #tpu.memory_space<hbm>>
          tpu.wait_dma2 semaphore(%arg23 : memref<!tpu.dma_semaphore, #tpu.memory_space<semaphore_mem>>) src(%dma_wait3A_145 : memref<128xi32, #tpu.memory_space<hbm>>) dst(%arg11 : memref<128xi32, #tpu.memory_space<vmem>>)
          %dma_wait3A_146 = tpu.memref_slice %arg4[%add3A_143] : memref<320000xi32, #tpu.memory_space<hbm>> -> memref<128xi32, #tpu.memory_space<hbm>>
          %dma_wait3A_147 = tpu.memref_slice %arg4[%add3A_143] : memref<320000xi32, #tpu.memory_space<hbm>> -> memref<128xi32, #tpu.memory_space<hbm>>
          tpu.wait_dma2 semaphore(%arg23 : memref<!tpu.dma_semaphore, #tpu.memory_space<semaphore_mem>>) src(%dma_wait3A_147 : memref<128xi32, #tpu.memory_space<hbm>>) dst(%arg15 : memref<128xi32, #tpu.memory_space<vmem>>)
        } else {
        }
        %dma_start3A_136 = arith.constant 0 : i32
        %dma_start3A_137 = arith.constant 0 : i32
        %dma_start3A_138 = tpu.memref_slice %arg2[%dma_start3A_136, %dma_start3A_137] : memref<10000x128xf32, #tpu.memory_space<hbm>> -> memref<10000x128xf32, #tpu.memory_space<hbm>>
        tpu.enqueue_indirect_dma source(%dma_start3A_138 : memref<10000x128xf32, #tpu.memory_space<hbm>>) target(%arg19 : memref<128x128xf32, #tpu.memory_space<vmem>>) offsets(%arg11 : memref<128xi32, #tpu.memory_space<vmem>>) semaphore(%arg21 : memref<!tpu.dma_semaphore, #tpu.memory_space<semaphore_mem>>)
      } else {
      }
      %add3A_111 = arith.constant 3 : i32
      %add3A_112 = arith.addi %mul3A_54, %add3A_111 : i32
      %dma_wait3A_113 = arith.constant 0 : i32
      %dma_wait3A_114 = arith.constant 0 : i32
      %dma_wait3A_115 = tpu.memref_slice %arg2[%dma_wait3A_113, %dma_wait3A_114] : memref<10000x128xf32, #tpu.memory_space<hbm>> -> memref<10000x128xf32, #tpu.memory_space<hbm>>
      tpu.wait_indirect_dma semaphore(%arg22 : memref<!tpu.dma_semaphore, #tpu.memory_space<semaphore_mem>>) src(%dma_wait3A_115 : memref<10000x128xf32, #tpu.memory_space<hbm>>) dst(%arg20 : memref<128x128xf32, #tpu.memory_space<vmem>>)
      "tpu.region"() ({
        %run_scoped3A = tpu.sem_alloc : memref<!tpu.dma_semaphore, #tpu.memory_space<semaphore_mem>>
        %dma_start3A_130 = arith.constant 0 : i32
        %dma_start3A_131 = arith.constant 0 : i32
        %dma_start3A_132 = tpu.memref_slice %arg7[%dma_start3A_130, %dma_start3A_131] : memref<10000x128xf32, #tpu.memory_space<vmem_shared>> -> memref<10000x128xf32, #tpu.memory_space<vmem_shared>>
        tpu.enqueue_indirect_dma source(%arg20 : memref<128x128xf32, #tpu.memory_space<vmem>>) target(%dma_start3A_132 : memref<10000x128xf32, #tpu.memory_space<vmem_shared>>) offsets(%arg18 : memref<128xi32, #tpu.memory_space<vmem>>) semaphore(%run_scoped3A : memref<!tpu.dma_semaphore, #tpu.memory_space<semaphore_mem>>) {add = true}
        %dma_wait3A_133 = arith.constant 0 : i32
        %dma_wait3A_134 = arith.constant 0 : i32
        %dma_wait3A_135 = tpu.memref_slice %arg7[%dma_wait3A_133, %dma_wait3A_134] : memref<10000x128xf32, #tpu.memory_space<vmem_shared>> -> memref<10000x128xf32, #tpu.memory_space<vmem_shared>>
        tpu.wait_indirect_dma semaphore(%run_scoped3A : memref<!tpu.dma_semaphore, #tpu.memory_space<semaphore_mem>>) src(%arg20 : memref<128x128xf32, #tpu.memory_space<vmem>>) dst(%dma_wait3A_135 : memref<10000x128xf32, #tpu.memory_space<vmem_shared>>)
        tpu.yield
      }) : () -> ()
      %add3A_116 = arith.constant 4 : i32
      %add3A_117 = arith.addi %add3A_112, %add3A_116 : i32
      %lt3A_118 = arith.constant 78 : i32
      %lt3A_119 = arith.cmpi slt, %add3A_117, %lt3A_118 : i32
      %convert_element_type3A_120 = arith.extui %lt3A_119 : i1 to i32
      %cond3A_121 = arith.constant 0 : i32
      %cond3A_122 = arith.cmpi ne, %convert_element_type3A_120, %cond3A_121 : i32
      scf.if %cond3A_122 {
        %add3A_130 = arith.constant 4 : i32
        %add3A_131 = arith.addi %add3A_112, %add3A_130 : i32
        %mul3A_132 = arith.constant 128 : i32
        %mul3A_133 = arith.muli %add3A_131, %mul3A_132 : i32
        %add3A_134 = arith.addi %mul3A_2, %mul3A_133 : i32
        %dma_start3A_135 = tpu.memref_slice %arg3[%add3A_134] : memref<320000xi32, #tpu.memory_space<hbm>> -> memref<128xi32, #tpu.memory_space<hbm>>
        %dma_start3A_136 = tpu.memref_slice %arg3[%add3A_134] : memref<320000xi32, #tpu.memory_space<hbm>> -> memref<128xi32, #tpu.memory_space<hbm>>
        tpu.enqueue_dma source(%dma_start3A_136 : memref<128xi32, #tpu.memory_space<hbm>>) target(%arg14 : memref<128xi32, #tpu.memory_space<vmem>>) target_semaphore(%arg26 : memref<!tpu.dma_semaphore, #tpu.memory_space<semaphore_mem>>)
        %dma_start3A_137 = tpu.memref_slice %arg4[%add3A_134] : memref<320000xi32, #tpu.memory_space<hbm>> -> memref<128xi32, #tpu.memory_space<hbm>>
        %dma_start3A_138 = tpu.memref_slice %arg4[%add3A_134] : memref<320000xi32, #tpu.memory_space<hbm>> -> memref<128xi32, #tpu.memory_space<hbm>>
        tpu.enqueue_dma source(%dma_start3A_138 : memref<128xi32, #tpu.memory_space<hbm>>) target(%arg18 : memref<128xi32, #tpu.memory_space<vmem>>) target_semaphore(%arg26 : memref<!tpu.dma_semaphore, #tpu.memory_space<semaphore_mem>>)
      } else {
      }
      %add3A_123 = arith.constant 2 : i32
      %add3A_124 = arith.addi %add3A_112, %add3A_123 : i32
      %lt3A_125 = arith.constant 78 : i32
      %lt3A_126 = arith.cmpi slt, %add3A_124, %lt3A_125 : i32
      %convert_element_type3A_127 = arith.extui %lt3A_126 : i1 to i32
      %cond3A_128 = arith.constant 0 : i32
      %cond3A_129 = arith.cmpi ne, %convert_element_type3A_127, %cond3A_128 : i32
      scf.if %cond3A_129 {
        %add3A_130 = arith.constant 2 : i32
        %add3A_131 = arith.addi %add3A_112, %add3A_130 : i32
        %ge3A = arith.constant 4 : i32
        %ge3A_132 = arith.cmpi sge, %add3A_131, %ge3A : i32
        %convert_element_type3A_133 = arith.extui %ge3A_132 : i1 to i32
        %cond3A_134 = arith.constant 0 : i32
        %cond3A_135 = arith.cmpi ne, %convert_element_type3A_133, %cond3A_134 : i32
        scf.if %cond3A_135 {
          %add3A_139 = arith.constant 2 : i32
          %add3A_140 = arith.addi %add3A_112, %add3A_139 : i32
          %mul3A_141 = arith.constant 128 : i32
          %mul3A_142 = arith.muli %add3A_140, %mul3A_141 : i32
          %add3A_143 = arith.addi %mul3A_2, %mul3A_142 : i32
          %dma_wait3A_144 = tpu.memref_slice %arg3[%add3A_143] : memref<320000xi32, #tpu.memory_space<hbm>> -> memref<128xi32, #tpu.memory_space<hbm>>
          %dma_wait3A_145 = tpu.memref_slice %arg3[%add3A_143] : memref<320000xi32, #tpu.memory_space<hbm>> -> memref<128xi32, #tpu.memory_space<hbm>>
          tpu.wait_dma2 semaphore(%arg24 : memref<!tpu.dma_semaphore, #tpu.memory_space<semaphore_mem>>) src(%dma_wait3A_145 : memref<128xi32, #tpu.memory_space<hbm>>) dst(%arg12 : memref<128xi32, #tpu.memory_space<vmem>>)
          %dma_wait3A_146 = tpu.memref_slice %arg4[%add3A_143] : memref<320000xi32, #tpu.memory_space<hbm>> -> memref<128xi32, #tpu.memory_space<hbm>>
          %dma_wait3A_147 = tpu.memref_slice %arg4[%add3A_143] : memref<320000xi32, #tpu.memory_space<hbm>> -> memref<128xi32, #tpu.memory_space<hbm>>
          tpu.wait_dma2 semaphore(%arg24 : memref<!tpu.dma_semaphore, #tpu.memory_space<semaphore_mem>>) src(%dma_wait3A_147 : memref<128xi32, #tpu.memory_space<hbm>>) dst(%arg16 : memref<128xi32, #tpu.memory_space<vmem>>)
        } else {
        }
        %dma_start3A_136 = arith.constant 0 : i32
        %dma_start3A_137 = arith.constant 0 : i32
        %dma_start3A_138 = tpu.memref_slice %arg2[%dma_start3A_136, %dma_start3A_137] : memref<10000x128xf32, #tpu.memory_space<hbm>> -> memref<10000x128xf32, #tpu.memory_space<hbm>>
        tpu.enqueue_indirect_dma source(%dma_start3A_138 : memref<10000x128xf32, #tpu.memory_space<hbm>>) target(%arg20 : memref<128x128xf32, #tpu.memory_space<vmem>>) offsets(%arg12 : memref<128xi32, #tpu.memory_space<vmem>>) semaphore(%arg22 : memref<!tpu.dma_semaphore, #tpu.memory_space<semaphore_mem>>)
      } else {
      }
    }
    %scan3A_34 = arith.constant 19 : i32
    %dma_wait3A = arith.constant 0 : i32
    %dma_wait3A_35 = arith.constant 0 : i32
    %dma_wait3A_36 = tpu.memref_slice %arg2[%dma_wait3A, %dma_wait3A_35] : memref<10000x128xf32, #tpu.memory_space<hbm>> -> memref<10000x128xf32, #tpu.memory_space<hbm>>
    tpu.wait_indirect_dma semaphore(%arg21 : memref<!tpu.dma_semaphore, #tpu.memory_space<semaphore_mem>>) src(%dma_wait3A_36 : memref<10000x128xf32, #tpu.memory_space<hbm>>) dst(%arg19 : memref<128x128xf32, #tpu.memory_space<vmem>>)
    "tpu.region"() ({
      %run_scoped3A = tpu.sem_alloc : memref<!tpu.dma_semaphore, #tpu.memory_space<semaphore_mem>>
      %dma_start3A_52 = arith.constant 0 : i32
      %dma_start3A_53 = arith.constant 0 : i32
      %dma_start3A_54 = tpu.memref_slice %arg7[%dma_start3A_52, %dma_start3A_53] : memref<10000x128xf32, #tpu.memory_space<vmem_shared>> -> memref<10000x128xf32, #tpu.memory_space<vmem_shared>>
      tpu.enqueue_indirect_dma source(%arg19 : memref<128x128xf32, #tpu.memory_space<vmem>>) target(%dma_start3A_54 : memref<10000x128xf32, #tpu.memory_space<vmem_shared>>) offsets(%arg15 : memref<128xi32, #tpu.memory_space<vmem>>) semaphore(%run_scoped3A : memref<!tpu.dma_semaphore, #tpu.memory_space<semaphore_mem>>) {add = true}
      %dma_wait3A_55 = arith.constant 0 : i32
      %dma_wait3A_56 = arith.constant 0 : i32
      %dma_wait3A_57 = tpu.memref_slice %arg7[%dma_wait3A_55, %dma_wait3A_56] : memref<10000x128xf32, #tpu.memory_space<vmem_shared>> -> memref<10000x128xf32, #tpu.memory_space<vmem_shared>>
      tpu.wait_indirect_dma semaphore(%run_scoped3A : memref<!tpu.dma_semaphore, #tpu.memory_space<semaphore_mem>>) src(%arg19 : memref<128x128xf32, #tpu.memory_space<vmem>>) dst(%dma_wait3A_57 : memref<10000x128xf32, #tpu.memory_space<vmem_shared>>)
      tpu.yield
    }) : () -> ()
    %dma_wait3A_37 = arith.constant 0 : i32
    %dma_wait3A_38 = arith.constant 0 : i32
    %dma_wait3A_39 = tpu.memref_slice %arg2[%dma_wait3A_37, %dma_wait3A_38] : memref<10000x128xf32, #tpu.memory_space<hbm>> -> memref<10000x128xf32, #tpu.memory_space<hbm>>
    tpu.wait_indirect_dma semaphore(%arg22 : memref<!tpu.dma_semaphore, #tpu.memory_space<semaphore_mem>>) src(%dma_wait3A_39 : memref<10000x128xf32, #tpu.memory_space<hbm>>) dst(%arg20 : memref<128x128xf32, #tpu.memory_space<vmem>>)
    "tpu.region"() ({
      %run_scoped3A = tpu.sem_alloc : memref<!tpu.dma_semaphore, #tpu.memory_space<semaphore_mem>>
      %dma_start3A_52 = arith.constant 0 : i32
      %dma_start3A_53 = arith.constant 0 : i32
      %dma_start3A_54 = tpu.memref_slice %arg7[%dma_start3A_52, %dma_start3A_53] : memref<10000x128xf32, #tpu.memory_space<vmem_shared>> -> memref<10000x128xf32, #tpu.memory_space<vmem_shared>>
      tpu.enqueue_indirect_dma source(%arg20 : memref<128x128xf32, #tpu.memory_space<vmem>>) target(%dma_start3A_54 : memref<10000x128xf32, #tpu.memory_space<vmem_shared>>) offsets(%arg16 : memref<128xi32, #tpu.memory_space<vmem>>) semaphore(%run_scoped3A : memref<!tpu.dma_semaphore, #tpu.memory_space<semaphore_mem>>) {add = true}
      %dma_wait3A_55 = arith.constant 0 : i32
      %dma_wait3A_56 = arith.constant 0 : i32
      %dma_wait3A_57 = tpu.memref_slice %arg7[%dma_wait3A_55, %dma_wait3A_56] : memref<10000x128xf32, #tpu.memory_space<vmem_shared>> -> memref<10000x128xf32, #tpu.memory_space<vmem_shared>>
      tpu.wait_indirect_dma semaphore(%run_scoped3A : memref<!tpu.dma_semaphore, #tpu.memory_space<semaphore_mem>>) src(%arg20 : memref<128x128xf32, #tpu.memory_space<vmem>>) dst(%dma_wait3A_57 : memref<10000x128xf32, #tpu.memory_space<vmem_shared>>)
      tpu.yield
    }) : () -> ()
    %add3A_40 = arith.constant 9984 : i32
    %add3A_41 = arith.addi %mul3A_2, %add3A_40 : i32
    "tpu.region"() ({
      %run_scoped3A = tpu.sem_alloc : memref<!tpu.dma_semaphore, #tpu.memory_space<semaphore_mem>>
      %dma_start3A_52 = tpu.memref_slice %arg3[%add3A_41] : memref<320000xi32, #tpu.memory_space<hbm>> -> memref<16xi32, #tpu.memory_space<hbm>>
      %dma_start3A_53 = tpu.memref_slice %arg3[%add3A_41] : memref<320000xi32, #tpu.memory_space<hbm>> -> memref<16xi32, #tpu.memory_space<hbm>>
      tpu.enqueue_dma source(%dma_start3A_53 : memref<16xi32, #tpu.memory_space<hbm>>) target(%arg8 : memref<16xi32, #tpu.memory_space<vmem>>) target_semaphore(%run_scoped3A : memref<!tpu.dma_semaphore, #tpu.memory_space<semaphore_mem>>)
      %dma_wait3A_54 = tpu.memref_slice %arg3[%add3A_41] : memref<320000xi32, #tpu.memory_space<hbm>> -> memref<16xi32, #tpu.memory_space<hbm>>
      %dma_wait3A_55 = tpu.memref_slice %arg3[%add3A_41] : memref<320000xi32, #tpu.memory_space<hbm>> -> memref<16xi32, #tpu.memory_space<hbm>>
      tpu.wait_dma2 semaphore(%run_scoped3A : memref<!tpu.dma_semaphore, #tpu.memory_space<semaphore_mem>>) src(%dma_wait3A_55 : memref<16xi32, #tpu.memory_space<hbm>>) dst(%arg8 : memref<16xi32, #tpu.memory_space<vmem>>)
      tpu.yield
    }) : () -> ()
    "tpu.region"() ({
      %run_scoped3A = tpu.sem_alloc : memref<!tpu.dma_semaphore, #tpu.memory_space<semaphore_mem>>
      %dma_start3A_52 = tpu.memref_slice %arg4[%add3A_41] : memref<320000xi32, #tpu.memory_space<hbm>> -> memref<16xi32, #tpu.memory_space<hbm>>
      %dma_start3A_53 = tpu.memref_slice %arg4[%add3A_41] : memref<320000xi32, #tpu.memory_space<hbm>> -> memref<16xi32, #tpu.memory_space<hbm>>
      tpu.enqueue_dma source(%dma_start3A_53 : memref<16xi32, #tpu.memory_space<hbm>>) target(%arg9 : memref<16xi32, #tpu.memory_space<vmem>>) target_semaphore(%run_scoped3A : memref<!tpu.dma_semaphore, #tpu.memory_space<semaphore_mem>>)
      %dma_wait3A_54 = tpu.memref_slice %arg4[%add3A_41] : memref<320000xi32, #tpu.memory_space<hbm>> -> memref<16xi32, #tpu.memory_space<hbm>>
      %dma_wait3A_55 = tpu.memref_slice %arg4[%add3A_41] : memref<320000xi32, #tpu.memory_space<hbm>> -> memref<16xi32, #tpu.memory_space<hbm>>
      tpu.wait_dma2 semaphore(%run_scoped3A : memref<!tpu.dma_semaphore, #tpu.memory_space<semaphore_mem>>) src(%dma_wait3A_55 : memref<16xi32, #tpu.memory_space<hbm>>) dst(%arg9 : memref<16xi32, #tpu.memory_space<vmem>>)
      tpu.yield
    }) : () -> ()
    "tpu.region"() ({
      %run_scoped3A = tpu.sem_alloc : memref<!tpu.dma_semaphore, #tpu.memory_space<semaphore_mem>>
      %dma_start3A_52 = arith.constant 0 : i32
      %dma_start3A_53 = arith.constant 0 : i32
      %dma_start3A_54 = tpu.memref_slice %arg2[%dma_start3A_52, %dma_start3A_53] : memref<10000x128xf32, #tpu.memory_space<hbm>> -> memref<10000x128xf32, #tpu.memory_space<hbm>>
      tpu.enqueue_indirect_dma source(%dma_start3A_54 : memref<10000x128xf32, #tpu.memory_space<hbm>>) target(%arg10 : memref<16x128xf32, #tpu.memory_space<vmem>>) offsets(%arg8 : memref<16xi32, #tpu.memory_space<vmem>>) semaphore(%run_scoped3A : memref<!tpu.dma_semaphore, #tpu.memory_space<semaphore_mem>>)
      %dma_wait3A_55 = arith.constant 0 : i32
      %dma_wait3A_56 = arith.constant 0 : i32
      %dma_wait3A_57 = tpu.memref_slice %arg2[%dma_wait3A_55, %dma_wait3A_56] : memref<10000x128xf32, #tpu.memory_space<hbm>> -> memref<10000x128xf32, #tpu.memory_space<hbm>>
      tpu.wait_indirect_dma semaphore(%run_scoped3A : memref<!tpu.dma_semaphore, #tpu.memory_space<semaphore_mem>>) src(%dma_wait3A_57 : memref<10000x128xf32, #tpu.memory_space<hbm>>) dst(%arg10 : memref<16x128xf32, #tpu.memory_space<vmem>>)
      tpu.yield
    }) : () -> ()
    "tpu.region"() ({
      %run_scoped3A = tpu.sem_alloc : memref<!tpu.dma_semaphore, #tpu.memory_space<semaphore_mem>>
      %dma_start3A_52 = arith.constant 0 : i32
      %dma_start3A_53 = arith.constant 0 : i32
      %dma_start3A_54 = tpu.memref_slice %arg7[%dma_start3A_52, %dma_start3A_53] : memref<10000x128xf32, #tpu.memory_space<vmem_shared>> -> memref<10000x128xf32, #tpu.memory_space<vmem_shared>>
      tpu.enqueue_indirect_dma source(%arg10 : memref<16x128xf32, #tpu.memory_space<vmem>>) target(%dma_start3A_54 : memref<10000x128xf32, #tpu.memory_space<vmem_shared>>) offsets(%arg9 : memref<16xi32, #tpu.memory_space<vmem>>) semaphore(%run_scoped3A : memref<!tpu.dma_semaphore, #tpu.memory_space<semaphore_mem>>) {add = true}
      %dma_wait3A_55 = arith.constant 0 : i32
      %dma_wait3A_56 = arith.constant 0 : i32
      %dma_wait3A_57 = tpu.memref_slice %arg7[%dma_wait3A_55, %dma_wait3A_56] : memref<10000x128xf32, #tpu.memory_space<vmem_shared>> -> memref<10000x128xf32, #tpu.memory_space<vmem_shared>>
      tpu.wait_indirect_dma semaphore(%run_scoped3A : memref<!tpu.dma_semaphore, #tpu.memory_space<semaphore_mem>>) src(%arg10 : memref<16x128xf32, #tpu.memory_space<vmem>>) dst(%dma_wait3A_57 : memref<10000x128xf32, #tpu.memory_space<vmem_shared>>)
      tpu.yield
    }) : () -> ()
    %barrier3A_42 = arith.constant 0 : index
    tpu.barrier barrier_id(%barrier3A_42)
    %mul3A_43 = arith.constant 624 : i32
    %mul3A_44 = arith.muli %arg1, %mul3A_43 : i32
    %mul3A_45 = arith.constant 624 : i32
    %mul3A_46 = arith.muli %arg1, %mul3A_45 : i32
    "tpu.region"() ({
      %run_scoped3A = tpu.sem_alloc : memref<!tpu.dma_semaphore, #tpu.memory_space<semaphore_mem>>
      %dma_start3A_52 = arith.constant 0 : i32
      %dma_start3A_53 = tpu.memref_slice %arg6[%arg0, %mul3A_46, %dma_start3A_52] : memref<2x10000x128xf32, #tpu.memory_space<hbm>> -> memref<1x624x128xf32, #tpu.memory_space<hbm>>
      %dma_start3A_54 = tpu.memref_squeeze %dma_start3A_53 : memref<1x624x128xf32, #tpu.memory_space<hbm>> -> memref<624x128xf32, #tpu.memory_space<hbm>>
      %dma_start3A_55 = arith.constant 0 : i32
      %dma_start3A_56 = tpu.memref_slice %arg7[%mul3A_44, %dma_start3A_55] : memref<10000x128xf32, #tpu.memory_space<vmem_shared>> -> memref<624x128xf32, #tpu.memory_space<vmem_shared>>
      tpu.enqueue_dma source(%dma_start3A_56 : memref<624x128xf32, #tpu.memory_space<vmem_shared>>) target(%dma_start3A_54 : memref<624x128xf32, #tpu.memory_space<hbm>>) target_semaphore(%run_scoped3A : memref<!tpu.dma_semaphore, #tpu.memory_space<semaphore_mem>>)
      %dma_wait3A_57 = arith.constant 0 : i32
      %dma_wait3A_58 = tpu.memref_slice %arg6[%arg0, %mul3A_46, %dma_wait3A_57] : memref<2x10000x128xf32, #tpu.memory_space<hbm>> -> memref<1x624x128xf32, #tpu.memory_space<hbm>>
      %dma_wait3A_59 = tpu.memref_squeeze %dma_wait3A_58 : memref<1x624x128xf32, #tpu.memory_space<hbm>> -> memref<624x128xf32, #tpu.memory_space<hbm>>
      %dma_wait3A_60 = arith.constant 0 : i32
      %dma_wait3A_61 = tpu.memref_slice %arg7[%mul3A_44, %dma_wait3A_60] : memref<10000x128xf32, #tpu.memory_space<vmem_shared>> -> memref<624x128xf32, #tpu.memory_space<vmem_shared>>
      tpu.wait_dma2 semaphore(%run_scoped3A : memref<!tpu.dma_semaphore, #tpu.memory_space<semaphore_mem>>) src(%dma_wait3A_61 : memref<624x128xf32, #tpu.memory_space<vmem_shared>>) dst(%dma_wait3A_59 : memref<624x128xf32, #tpu.memory_space<hbm>>)
      tpu.yield
    }) : () -> ()
    %eq3A_47 = arith.constant 0 : i32
    %eq3A_48 = arith.cmpi eq, %arg1, %eq3A_47 : i32
    %convert_element_type3A_49 = arith.extui %eq3A_48 : i1 to i32
    %cond3A_50 = arith.constant 0 : i32
    %cond3A_51 = arith.cmpi ne, %convert_element_type3A_49, %cond3A_50 : i32
    scf.if %cond3A_51 {
      "tpu.region"() ({
        %run_scoped3A = tpu.sem_alloc : memref<!tpu.dma_semaphore, #tpu.memory_space<semaphore_mem>>
        %dma_start3A_52 = arith.constant 9984 : i32
        %dma_start3A_53 = arith.constant 0 : i32
        %dma_start3A_54 = tpu.memref_slice %arg6[%arg0, %dma_start3A_52, %dma_start3A_53] : memref<2x10000x128xf32, #tpu.memory_space<hbm>> -> memref<1x16x128xf32, #tpu.memory_space<hbm>>
        %dma_start3A_55 = tpu.memref_squeeze %dma_start3A_54 : memref<1x16x128xf32, #tpu.memory_space<hbm>> -> memref<16x128xf32, #tpu.memory_space<hbm>>
        %dma_start3A_56 = arith.constant 9984 : i32
        %dma_start3A_57 = arith.constant 0 : i32
        %dma_start3A_58 = tpu.memref_slice %arg7[%dma_start3A_56, %dma_start3A_57] : memref<10000x128xf32, #tpu.memory_space<vmem_shared>> -> memref<16x128xf32, #tpu.memory_space<vmem_shared>>
        tpu.enqueue_dma source(%dma_start3A_58 : memref<16x128xf32, #tpu.memory_space<vmem_shared>>) target(%dma_start3A_55 : memref<16x128xf32, #tpu.memory_space<hbm>>) target_semaphore(%run_scoped3A : memref<!tpu.dma_semaphore, #tpu.memory_space<semaphore_mem>>)
        %dma_wait3A_59 = arith.constant 9984 : i32
        %dma_wait3A_60 = arith.constant 0 : i32
        %dma_wait3A_61 = tpu.memref_slice %arg6[%arg0, %dma_wait3A_59, %dma_wait3A_60] : memref<2x10000x128xf32, #tpu.memory_space<hbm>> -> memref<1x16x128xf32, #tpu.memory_space<hbm>>
        %dma_wait3A_62 = tpu.memref_squeeze %dma_wait3A_61 : memref<1x16x128xf32, #tpu.memory_space<hbm>> -> memref<16x128xf32, #tpu.memory_space<hbm>>
        %dma_wait3A_63 = arith.constant 9984 : i32
        %dma_wait3A_64 = arith.constant 0 : i32
        %dma_wait3A_65 = tpu.memref_slice %arg7[%dma_wait3A_63, %dma_wait3A_64] : memref<10000x128xf32, #tpu.memory_space<vmem_shared>> -> memref<16x128xf32, #tpu.memory_space<vmem_shared>>
        tpu.wait_dma2 semaphore(%run_scoped3A : memref<!tpu.dma_semaphore, #tpu.memory_space<semaphore_mem>>) src(%dma_wait3A_65 : memref<16x128xf32, #tpu.memory_space<vmem_shared>>) dst(%dma_wait3A_62 : memref<16x128xf32, #tpu.memory_space<hbm>>)
        tpu.yield
      }) : () -> ()
    } else {
    }
    return
  }
}

#map = affine_map<(d0, d1) -> (0)>
module attributes {stable_mosaic.version = 14 : i64} {
  func.func @body(%arg0: i32, %arg1: i32, %arg2: memref<320000xi32, #tpu.memory_space<hbm>>, %arg3: memref<20224xf32, #tpu.memory_space<hbm>>, %arg4: memref<78x128xi32, #tpu.memory_space<vmem>>, %arg5: memref<16xi32, #tpu.memory_space<vmem>>, %arg6: memref<128xf32, #tpu.memory_space<vmem>>, %arg7: memref<10112xf32, #tpu.memory_space<vmem>>, %arg8: memref<10112xf32, #tpu.memory_space<vmem_shared>>, %arg9: memref<!tpu.dma_semaphore, #tpu.memory_space<semaphore_mem>>, %arg10: memref<!tpu.dma_semaphore, #tpu.memory_space<semaphore_mem>>) attributes {dimension_semantics = [#tpu.dimension_semantics<core_parallel>, #tpu.dimension_semantics<subcore_parallel>], iteration_bounds = array<i64: 2, 16>, scalar_prefetch = 0 : i64, scratch_operands = 7 : i64, tpu.core_type = #tpu.core_type<sc_vector_subcore>, window_params = [{transform_indices = #map}, {transform_indices = #map}]} {
    %mul3A = arith.constant 2 : i32
    %mul3A_0 = arith.muli %arg1, %mul3A : i32
    %add3A = arith.addi %mul3A_0, %arg0 : i32
    %mul3A_1 = arith.constant 10000 : i32
    %mul3A_2 = arith.muli %add3A, %mul3A_1 : i32
    %broadcast_in_dim3A = arith.constant 1.000000e+00 : f32
    %broadcast_in_dim3A_3 = vector.broadcast %broadcast_in_dim3A : f32 to vector<16xf32>
    %swap3A = arith.constant 0 : index
    %swap3A_4 = tpu.vector_load %arg6[%swap3A] {strides = array<i32>} : memref<128xf32, #tpu.memory_space<vmem>>, vector<16xf32>,
    %swap3A_5 = vector.shape_cast %swap3A_4 : vector<16xf32> to vector<16xf32>
    %swap3A_6 = vector.shape_cast %broadcast_in_dim3A_3 : vector<16xf32> to vector<16xf32>
    tpu.vector_store %arg6[%swap3A], %swap3A_6 {strides = array<i32>} : memref<128xf32, #tpu.memory_space<vmem>>, vector<16xf32>,
    %broadcast_in_dim3A_7 = arith.constant 1.000000e+00 : f32
    %broadcast_in_dim3A_8 = vector.broadcast %broadcast_in_dim3A_7 : f32 to vector<16xf32>
    %swap3A_9 = arith.constant 16 : index
    %swap3A_10 = tpu.vector_load %arg6[%swap3A_9] {strides = array<i32>} : memref<128xf32, #tpu.memory_space<vmem>>, vector<16xf32>,
    %swap3A_11 = vector.shape_cast %swap3A_10 : vector<16xf32> to vector<16xf32>
    %swap3A_12 = vector.shape_cast %broadcast_in_dim3A_8 : vector<16xf32> to vector<16xf32>
    tpu.vector_store %arg6[%swap3A_9], %swap3A_12 {strides = array<i32>} : memref<128xf32, #tpu.memory_space<vmem>>, vector<16xf32>,
    %broadcast_in_dim3A_13 = arith.constant 1.000000e+00 : f32
    %broadcast_in_dim3A_14 = vector.broadcast %broadcast_in_dim3A_13 : f32 to vector<16xf32>
    %swap3A_15 = arith.constant 32 : index
    %swap3A_16 = tpu.vector_load %arg6[%swap3A_15] {strides = array<i32>} : memref<128xf32, #tpu.memory_space<vmem>>, vector<16xf32>,
    %swap3A_17 = vector.shape_cast %swap3A_16 : vector<16xf32> to vector<16xf32>
    %swap3A_18 = vector.shape_cast %broadcast_in_dim3A_14 : vector<16xf32> to vector<16xf32>
    tpu.vector_store %arg6[%swap3A_15], %swap3A_18 {strides = array<i32>} : memref<128xf32, #tpu.memory_space<vmem>>, vector<16xf32>,
    %broadcast_in_dim3A_19 = arith.constant 1.000000e+00 : f32
    %broadcast_in_dim3A_20 = vector.broadcast %broadcast_in_dim3A_19 : f32 to vector<16xf32>
    %swap3A_21 = arith.constant 48 : index
    %swap3A_22 = tpu.vector_load %arg6[%swap3A_21] {strides = array<i32>} : memref<128xf32, #tpu.memory_space<vmem>>, vector<16xf32>,
    %swap3A_23 = vector.shape_cast %swap3A_22 : vector<16xf32> to vector<16xf32>
    %swap3A_24 = vector.shape_cast %broadcast_in_dim3A_20 : vector<16xf32> to vector<16xf32>
    tpu.vector_store %arg6[%swap3A_21], %swap3A_24 {strides = array<i32>} : memref<128xf32, #tpu.memory_space<vmem>>, vector<16xf32>,
    %broadcast_in_dim3A_25 = arith.constant 1.000000e+00 : f32
    %broadcast_in_dim3A_26 = vector.broadcast %broadcast_in_dim3A_25 : f32 to vector<16xf32>
    %swap3A_27 = arith.constant 64 : index
    %swap3A_28 = tpu.vector_load %arg6[%swap3A_27] {strides = array<i32>} : memref<128xf32, #tpu.memory_space<vmem>>, vector<16xf32>,
    %swap3A_29 = vector.shape_cast %swap3A_28 : vector<16xf32> to vector<16xf32>
    %swap3A_30 = vector.shape_cast %broadcast_in_dim3A_26 : vector<16xf32> to vector<16xf32>
    tpu.vector_store %arg6[%swap3A_27], %swap3A_30 {strides = array<i32>} : memref<128xf32, #tpu.memory_space<vmem>>, vector<16xf32>,
    %broadcast_in_dim3A_31 = arith.constant 1.000000e+00 : f32
    %broadcast_in_dim3A_32 = vector.broadcast %broadcast_in_dim3A_31 : f32 to vector<16xf32>
    %swap3A_33 = arith.constant 80 : index
    %swap3A_34 = tpu.vector_load %arg6[%swap3A_33] {strides = array<i32>} : memref<128xf32, #tpu.memory_space<vmem>>, vector<16xf32>,
    %swap3A_35 = vector.shape_cast %swap3A_34 : vector<16xf32> to vector<16xf32>
    %swap3A_36 = vector.shape_cast %broadcast_in_dim3A_32 : vector<16xf32> to vector<16xf32>
    tpu.vector_store %arg6[%swap3A_33], %swap3A_36 {strides = array<i32>} : memref<128xf32, #tpu.memory_space<vmem>>, vector<16xf32>,
    %broadcast_in_dim3A_37 = arith.constant 1.000000e+00 : f32
    %broadcast_in_dim3A_38 = vector.broadcast %broadcast_in_dim3A_37 : f32 to vector<16xf32>
    %swap3A_39 = arith.constant 96 : index
    %swap3A_40 = tpu.vector_load %arg6[%swap3A_39] {strides = array<i32>} : memref<128xf32, #tpu.memory_space<vmem>>, vector<16xf32>,
    %swap3A_41 = vector.shape_cast %swap3A_40 : vector<16xf32> to vector<16xf32>
    %swap3A_42 = vector.shape_cast %broadcast_in_dim3A_38 : vector<16xf32> to vector<16xf32>
    tpu.vector_store %arg6[%swap3A_39], %swap3A_42 {strides = array<i32>} : memref<128xf32, #tpu.memory_space<vmem>>, vector<16xf32>,
    %broadcast_in_dim3A_43 = arith.constant 1.000000e+00 : f32
    %broadcast_in_dim3A_44 = vector.broadcast %broadcast_in_dim3A_43 : f32 to vector<16xf32>
    %swap3A_45 = arith.constant 112 : index
    %swap3A_46 = tpu.vector_load %arg6[%swap3A_45] {strides = array<i32>} : memref<128xf32, #tpu.memory_space<vmem>>, vector<16xf32>,
    %swap3A_47 = vector.shape_cast %swap3A_46 : vector<16xf32> to vector<16xf32>
    %swap3A_48 = vector.shape_cast %broadcast_in_dim3A_44 : vector<16xf32> to vector<16xf32>
    tpu.vector_store %arg6[%swap3A_45], %swap3A_48 {strides = array<i32>} : memref<128xf32, #tpu.memory_space<vmem>>, vector<16xf32>,
    %scan3A = arith.constant 0 : i32
    %scan3A_49 = arith.constant 0 : i32
    %scan3A_50 = arith.constant 78 : i32
    %scan3A_51 = arith.addi %scan3A_49, %scan3A_50 : i32
    %scan3A_52 = arith.constant 1 : i32
    scf.for %scan3A_82 = %scan3A_49 to %scan3A_51 step %scan3A_52  : i32 {
      %mul3A_83 = arith.constant 128 : i32
      %mul3A_84 = arith.muli %scan3A_82, %mul3A_83 : i32
      %add3A_85 = arith.addi %mul3A_2, %mul3A_84 : i32
      %dma_start3A = arith.constant 0 : i32
      %dma_start3A_86 = tpu.memref_slice %arg4[%scan3A_82, %dma_start3A] : memref<78x128xi32, #tpu.memory_space<vmem>> -> memref<1x128xi32, #tpu.memory_space<vmem>>
      %dma_start3A_87 = tpu.memref_squeeze %dma_start3A_86 : memref<1x128xi32, #tpu.memory_space<vmem>> -> memref<128xi32, #tpu.memory_space<vmem>>
      %dma_start3A_88 = tpu.memref_slice %arg2[%add3A_85] : memref<320000xi32, #tpu.memory_space<hbm>> -> memref<128xi32, #tpu.memory_space<hbm>>
      %dma_start3A_89 = arith.constant 0 : i32
      %dma_start3A_90 = tpu.memref_slice %arg4[%scan3A_82, %dma_start3A_89] : memref<78x128xi32, #tpu.memory_space<vmem>> -> memref<1x128xi32, #tpu.memory_space<vmem>>
      %dma_start3A_91 = tpu.memref_squeeze %dma_start3A_90 : memref<1x128xi32, #tpu.memory_space<vmem>> -> memref<128xi32, #tpu.memory_space<vmem>>
      %dma_start3A_92 = tpu.memref_slice %arg2[%add3A_85] : memref<320000xi32, #tpu.memory_space<hbm>> -> memref<128xi32, #tpu.memory_space<hbm>>
      tpu.enqueue_dma source(%dma_start3A_92 : memref<128xi32, #tpu.memory_space<hbm>>) target(%dma_start3A_91 : memref<128xi32, #tpu.memory_space<vmem>>) target_semaphore(%arg9 : memref<!tpu.dma_semaphore, #tpu.memory_space<semaphore_mem>>)
    }
    %scan3A_53 = arith.constant 78 : i32
    %eq3A = arith.constant 0 : i32
    %eq3A_54 = arith.cmpi eq, %arg1, %eq3A : i32
    %convert_element_type3A = arith.extui %eq3A_54 : i1 to i32
    %cond3A = arith.constant 0 : i32
    %cond3A_55 = arith.cmpi ne, %convert_element_type3A, %cond3A : i32
    scf.if %cond3A_55 {
      %scan3A_82 = arith.constant 0 : i32
      %scan3A_83 = arith.constant 0 : i32
      %scan3A_84 = arith.constant 632 : i32
      %scan3A_85 = arith.addi %scan3A_83, %scan3A_84 : i32
      %scan3A_86 = arith.constant 1 : i32
      scf.for %scan3A_88 = %scan3A_83 to %scan3A_85 step %scan3A_86  : i32 {
        %broadcast_in_dim3A_89 = arith.constant 0.000000e+00 : f32
        %broadcast_in_dim3A_90 = vector.broadcast %broadcast_in_dim3A_89 : f32 to vector<16xf32>
        %mul3A_91 = arith.constant 16 : i32
        %mul3A_92 = arith.muli %scan3A_88, %mul3A_91 : i32
        %swap3A_93 = arith.index_cast %mul3A_92 : i32 to index
        %swap3A_94 = tpu.vector_load %arg7[%swap3A_93] {strides = array<i32>} : memref<10112xf32, #tpu.memory_space<vmem>>, vector<16xf32>,
        %swap3A_95 = vector.shape_cast %swap3A_94 : vector<16xf32> to vector<16xf32>
        %swap3A_96 = vector.shape_cast %broadcast_in_dim3A_90 : vector<16xf32> to vector<16xf32>
        tpu.vector_store %arg7[%swap3A_93], %swap3A_96 {strides = array<i32>} : memref<10112xf32, #tpu.memory_space<vmem>>, vector<16xf32>,
      }
      %scan3A_87 = arith.constant 632 : i32
      "tpu.region"() ({
        %run_scoped3A = tpu.sem_alloc : memref<!tpu.dma_semaphore, #tpu.memory_space<semaphore_mem>>
        tpu.enqueue_dma source(%arg7 : memref<10112xf32, #tpu.memory_space<vmem>>) target(%arg8 : memref<10112xf32, #tpu.memory_space<vmem_shared>>) target_semaphore(%run_scoped3A : memref<!tpu.dma_semaphore, #tpu.memory_space<semaphore_mem>>)
        tpu.wait_dma2 semaphore(%run_scoped3A : memref<!tpu.dma_semaphore, #tpu.memory_space<semaphore_mem>>) src(%arg7 : memref<10112xf32, #tpu.memory_space<vmem>>) dst(%arg8 : memref<10112xf32, #tpu.memory_space<vmem_shared>>)
        tpu.yield
      }) : () -> ()
    } else {
    }
    %scan3A_56 = arith.constant 0 : i32
    %scan3A_57 = arith.constant 0 : i32
    %scan3A_58 = arith.constant 78 : i32
    %scan3A_59 = arith.addi %scan3A_57, %scan3A_58 : i32
    %scan3A_60 = arith.constant 1 : i32
    scf.for %scan3A_82 = %scan3A_57 to %scan3A_59 step %scan3A_60  : i32 {
      %dma_wait3A = arith.constant 0 : i32
      %dma_wait3A_83 = arith.constant 0 : i32
      %dma_wait3A_84 = tpu.memref_slice %arg4[%dma_wait3A, %dma_wait3A_83] : memref<78x128xi32, #tpu.memory_space<vmem>> -> memref<1x128xi32, #tpu.memory_space<vmem>>
      %dma_wait3A_85 = tpu.memref_squeeze %dma_wait3A_84 : memref<1x128xi32, #tpu.memory_space<vmem>> -> memref<128xi32, #tpu.memory_space<vmem>>
      %dma_wait3A_86 = tpu.memref_slice %arg2[%mul3A_2] : memref<320000xi32, #tpu.memory_space<hbm>> -> memref<128xi32, #tpu.memory_space<hbm>>
      %dma_wait3A_87 = arith.constant 0 : i32
      %dma_wait3A_88 = tpu.memref_slice %arg4[%dma_wait3A, %dma_wait3A_87] : memref<78x128xi32, #tpu.memory_space<vmem>> -> memref<1x128xi32, #tpu.memory_space<vmem>>
      %dma_wait3A_89 = tpu.memref_squeeze %dma_wait3A_88 : memref<1x128xi32, #tpu.memory_space<vmem>> -> memref<128xi32, #tpu.memory_space<vmem>>
      %dma_wait3A_90 = tpu.memref_slice %arg2[%mul3A_2] : memref<320000xi32, #tpu.memory_space<hbm>> -> memref<128xi32, #tpu.memory_space<hbm>>
      tpu.wait_dma2 semaphore(%arg9 : memref<!tpu.dma_semaphore, #tpu.memory_space<semaphore_mem>>) src(%dma_wait3A_90 : memref<128xi32, #tpu.memory_space<hbm>>) dst(%dma_wait3A_89 : memref<128xi32, #tpu.memory_space<vmem>>)
    }
    %scan3A_61 = arith.constant 78 : i32
    %barrier3A = arith.constant 0 : index
    tpu.barrier barrier_id(%barrier3A)
    %scan3A_62 = arith.constant 0 : i32
    %scan3A_63 = arith.constant 0 : i32
    %scan3A_64 = arith.constant 78 : i32
    %scan3A_65 = arith.addi %scan3A_63, %scan3A_64 : i32
    %scan3A_66 = arith.constant 1 : i32
    scf.for %scan3A_82 = %scan3A_63 to %scan3A_65 step %scan3A_66  : i32 {
      %dma_start3A = arith.constant 0 : i32
      %dma_start3A_83 = tpu.memref_slice %arg4[%scan3A_82, %dma_start3A] : memref<78x128xi32, #tpu.memory_space<vmem>> -> memref<1x128xi32, #tpu.memory_space<vmem>>
      %dma_start3A_84 = tpu.memref_squeeze %dma_start3A_83 : memref<1x128xi32, #tpu.memory_space<vmem>> -> memref<128xi32, #tpu.memory_space<vmem>>
      %dma_start3A_85 = arith.constant 0 : i32
      %dma_start3A_86 = tpu.memref_slice %arg8[%dma_start3A_85] : memref<10112xf32, #tpu.memory_space<vmem_shared>> -> memref<10112xf32, #tpu.memory_space<vmem_shared>>
      tpu.enqueue_indirect_dma source(%arg6 : memref<128xf32, #tpu.memory_space<vmem>>) target(%dma_start3A_86 : memref<10112xf32, #tpu.memory_space<vmem_shared>>) offsets(%dma_start3A_84 : memref<128xi32, #tpu.memory_space<vmem>>) semaphore(%arg10 : memref<!tpu.dma_semaphore, #tpu.memory_space<semaphore_mem>>) {add = true}
    }
    %scan3A_67 = arith.constant 78 : i32
    %scan3A_68 = arith.constant 0 : i32
    %scan3A_69 = arith.constant 0 : i32
    %scan3A_70 = arith.constant 78 : i32
    %scan3A_71 = arith.addi %scan3A_69, %scan3A_70 : i32
    %scan3A_72 = arith.constant 1 : i32
    scf.for %scan3A_82 = %scan3A_69 to %scan3A_71 step %scan3A_72  : i32 {
      %dma_wait3A = arith.constant 0 : i32
      %dma_wait3A_83 = arith.constant 0 : i32
      %dma_wait3A_84 = tpu.memref_slice %arg4[%dma_wait3A, %dma_wait3A_83] : memref<78x128xi32, #tpu.memory_space<vmem>> -> memref<1x128xi32, #tpu.memory_space<vmem>>
      %dma_wait3A_85 = tpu.memref_squeeze %dma_wait3A_84 : memref<1x128xi32, #tpu.memory_space<vmem>> -> memref<128xi32, #tpu.memory_space<vmem>>
      %dma_wait3A_86 = arith.constant 0 : i32
      %dma_wait3A_87 = tpu.memref_slice %arg8[%dma_wait3A_86] : memref<10112xf32, #tpu.memory_space<vmem_shared>> -> memref<10112xf32, #tpu.memory_space<vmem_shared>>
      tpu.wait_indirect_dma semaphore(%arg10 : memref<!tpu.dma_semaphore, #tpu.memory_space<semaphore_mem>>) src(%arg6 : memref<128xf32, #tpu.memory_space<vmem>>) dst(%dma_wait3A_87 : memref<10112xf32, #tpu.memory_space<vmem_shared>>)
    }
    %scan3A_73 = arith.constant 78 : i32
    %add3A_74 = arith.constant 9984 : i32
    %add3A_75 = arith.addi %mul3A_2, %add3A_74 : i32
    "tpu.region"() ({
      %run_scoped3A = tpu.sem_alloc : memref<!tpu.dma_semaphore, #tpu.memory_space<semaphore_mem>>
      %dma_start3A = tpu.memref_slice %arg2[%add3A_75] : memref<320000xi32, #tpu.memory_space<hbm>> -> memref<16xi32, #tpu.memory_space<hbm>>
      %dma_start3A_82 = tpu.memref_slice %arg2[%add3A_75] : memref<320000xi32, #tpu.memory_space<hbm>> -> memref<16xi32, #tpu.memory_space<hbm>>
      tpu.enqueue_dma source(%dma_start3A_82 : memref<16xi32, #tpu.memory_space<hbm>>) target(%arg5 : memref<16xi32, #tpu.memory_space<vmem>>) target_semaphore(%run_scoped3A : memref<!tpu.dma_semaphore, #tpu.memory_space<semaphore_mem>>)
      %dma_wait3A = tpu.memref_slice %arg2[%add3A_75] : memref<320000xi32, #tpu.memory_space<hbm>> -> memref<16xi32, #tpu.memory_space<hbm>>
      %dma_wait3A_83 = tpu.memref_slice %arg2[%add3A_75] : memref<320000xi32, #tpu.memory_space<hbm>> -> memref<16xi32, #tpu.memory_space<hbm>>
      tpu.wait_dma2 semaphore(%run_scoped3A : memref<!tpu.dma_semaphore, #tpu.memory_space<semaphore_mem>>) src(%dma_wait3A_83 : memref<16xi32, #tpu.memory_space<hbm>>) dst(%arg5 : memref<16xi32, #tpu.memory_space<vmem>>)
      tpu.yield
    }) : () -> ()
    "tpu.region"() ({
      %run_scoped3A = tpu.sem_alloc : memref<!tpu.dma_semaphore, #tpu.memory_space<semaphore_mem>>
      %dma_start3A = arith.constant 0 : i32
      %dma_start3A_82 = tpu.memref_slice %arg6[%dma_start3A] : memref<128xf32, #tpu.memory_space<vmem>> -> memref<16xf32, #tpu.memory_space<vmem>>
      %dma_start3A_83 = arith.constant 0 : i32
      %dma_start3A_84 = tpu.memref_slice %arg8[%dma_start3A_83] : memref<10112xf32, #tpu.memory_space<vmem_shared>> -> memref<10112xf32, #tpu.memory_space<vmem_shared>>
      tpu.enqueue_indirect_dma source(%dma_start3A_82 : memref<16xf32, #tpu.memory_space<vmem>>) target(%dma_start3A_84 : memref<10112xf32, #tpu.memory_space<vmem_shared>>) offsets(%arg5 : memref<16xi32, #tpu.memory_space<vmem>>) semaphore(%run_scoped3A : memref<!tpu.dma_semaphore, #tpu.memory_space<semaphore_mem>>) {add = true}
      %dma_wait3A = arith.constant 0 : i32
      %dma_wait3A_85 = tpu.memref_slice %arg6[%dma_wait3A] : memref<128xf32, #tpu.memory_space<vmem>> -> memref<16xf32, #tpu.memory_space<vmem>>
      %dma_wait3A_86 = arith.constant 0 : i32
      %dma_wait3A_87 = tpu.memref_slice %arg8[%dma_wait3A_86] : memref<10112xf32, #tpu.memory_space<vmem_shared>> -> memref<10112xf32, #tpu.memory_space<vmem_shared>>
      tpu.wait_indirect_dma semaphore(%run_scoped3A : memref<!tpu.dma_semaphore, #tpu.memory_space<semaphore_mem>>) src(%dma_wait3A_85 : memref<16xf32, #tpu.memory_space<vmem>>) dst(%dma_wait3A_87 : memref<10112xf32, #tpu.memory_space<vmem_shared>>)
      tpu.yield
    }) : () -> ()
    %barrier3A_76 = arith.constant 0 : index
    tpu.barrier barrier_id(%barrier3A_76)
    %eq3A_77 = arith.constant 0 : i32
    %eq3A_78 = arith.cmpi eq, %arg1, %eq3A_77 : i32
    %convert_element_type3A_79 = arith.extui %eq3A_78 : i1 to i32
    %cond3A_80 = arith.constant 0 : i32
    %cond3A_81 = arith.cmpi ne, %convert_element_type3A_79, %cond3A_80 : i32
    scf.if %cond3A_81 {
      %mul3A_82 = arith.constant 10112 : i32
      %mul3A_83 = arith.muli %arg0, %mul3A_82 : i32
      "tpu.region"() ({
        %run_scoped3A = tpu.sem_alloc : memref<!tpu.dma_semaphore, #tpu.memory_space<semaphore_mem>>
        %dma_start3A = tpu.memref_slice %arg3[%mul3A_83] : memref<20224xf32, #tpu.memory_space<hbm>> -> memref<10112xf32, #tpu.memory_space<hbm>>
        tpu.enqueue_dma source(%arg8 : memref<10112xf32, #tpu.memory_space<vmem_shared>>) target(%dma_start3A : memref<10112xf32, #tpu.memory_space<hbm>>) target_semaphore(%run_scoped3A : memref<!tpu.dma_semaphore, #tpu.memory_space<semaphore_mem>>)
        %dma_wait3A = tpu.memref_slice %arg3[%mul3A_83] : memref<20224xf32, #tpu.memory_space<hbm>> -> memref<10112xf32, #tpu.memory_space<hbm>>
        tpu.wait_dma2 semaphore(%run_scoped3A : memref<!tpu.dma_semaphore, #tpu.memory_space<semaphore_mem>>) src(%arg8 : memref<10112xf32, #tpu.memory_space<vmem_shared>>) dst(%dma_wait3A : memref<10112xf32, #tpu.memory_space<hbm>>)
        tpu.yield
      }) : () -> ()
    } else {
    }
    return
  }
}

#map = affine_map<(d0, d1) -> (0, 0)>
#map1 = affine_map<(d0, d1) -> (0)>
#map2 = affine_map<(d0, d1) -> (0, 0, 0)>
module attributes {stable_mosaic.version = 14 : i64} {
  func.func @body(%arg0: i32, %arg1: i32, %arg2: memref<10000x128xf32, #tpu.memory_space<hbm>>, %arg3: memref<320000xi32, #tpu.memory_space<hbm>>, %arg4: memref<320000xi32, #tpu.memory_space<hbm>>, %arg5: memref<10000x128xf32, #tpu.memory_space<hbm>>, %arg6: memref<2x10000x128xf32, #tpu.memory_space<hbm>>, %arg7: memref<10000x128xf32, #tpu.memory_space<vmem_shared>>, %arg8: memref<16xi32, #tpu.memory_space<vmem>>, %arg9: memref<16xi32, #tpu.memory_space<vmem>>, %arg10: memref<16x128xf32, #tpu.memory_space<vmem>>, %arg11: memref<128xi32, #tpu.memory_space<vmem>>, %arg12: memref<128xi32, #tpu.memory_space<vmem>>, %arg13: memref<128xi32, #tpu.memory_space<vmem>>, %arg14: memref<128xi32, #tpu.memory_space<vmem>>, %arg15: memref<128xi32, #tpu.memory_space<vmem>>, %arg16: memref<128xi32, #tpu.memory_space<vmem>>, %arg17: memref<128xi32, #tpu.memory_space<vmem>>, %arg18: memref<128xi32, #tpu.memory_space<vmem>>, %arg19: memref<128x128xf32, #tpu.memory_space<vmem>>, %arg20: memref<128x128xf32, #tpu.memory_space<vmem>>, %arg21: memref<!tpu.dma_semaphore, #tpu.memory_space<semaphore_mem>>, %arg22: memref<!tpu.dma_semaphore, #tpu.memory_space<semaphore_mem>>, %arg23: memref<!tpu.dma_semaphore, #tpu.memory_space<semaphore_mem>>, %arg24: memref<!tpu.dma_semaphore, #tpu.memory_space<semaphore_mem>>, %arg25: memref<!tpu.dma_semaphore, #tpu.memory_space<semaphore_mem>>, %arg26: memref<!tpu.dma_semaphore, #tpu.memory_space<semaphore_mem>>) attributes {dimension_semantics = [#tpu.dimension_semantics<core_parallel>, #tpu.dimension_semantics<subcore_parallel>], iteration_bounds = array<i64: 2, 16>, scalar_prefetch = 0 : i64, scratch_operands = 20 : i64, tpu.core_type = #tpu.core_type<sc_vector_subcore>, window_params = [{transform_indices = #map}, {transform_indices = #map1}, {transform_indices = #map1}, {transform_indices = #map}, {transform_indices = #map2}]} {
    %mul3A = arith.constant 2 : i32
    %mul3A_0 = arith.muli %arg1, %mul3A : i32
    %add3A = arith.addi %mul3A_0, %arg0 : i32
    %mul3A_1 = arith.constant 10000 : i32
    %mul3A_2 = arith.muli %add3A, %mul3A_1 : i32
    %add3A_3 = arith.constant 0 : i32
    %add3A_4 = arith.addi %mul3A_2, %add3A_3 : i32
    "tpu.region"() ({
      %run_scoped3A = tpu.sem_alloc : memref<!tpu.dma_semaphore, #tpu.memory_space<semaphore_mem>>
      %dma_start3A_52 = tpu.memref_slice %arg3[%add3A_4] : memref<320000xi32, #tpu.memory_space<hbm>> -> memref<128xi32, #tpu.memory_space<hbm>>
      %dma_start3A_53 = tpu.memref_slice %arg3[%add3A_4] : memref<320000xi32, #tpu.memory_space<hbm>> -> memref<128xi32, #tpu.memory_space<hbm>>
      tpu.enqueue_dma source(%dma_start3A_53 : memref<128xi32, #tpu.memory_space<hbm>>) target(%arg11 : memref<128xi32, #tpu.memory_space<vmem>>) target_semaphore(%run_scoped3A : memref<!tpu.dma_semaphore, #tpu.memory_space<semaphore_mem>>)
      %dma_wait3A_54 = tpu.memref_slice %arg3[%add3A_4] : memref<320000xi32, #tpu.memory_space<hbm>> -> memref<128xi32, #tpu.memory_space<hbm>>
      %dma_wait3A_55 = tpu.memref_slice %arg3[%add3A_4] : memref<320000xi32, #tpu.memory_space<hbm>> -> memref<128xi32, #tpu.memory_space<hbm>>
      tpu.wait_dma2 semaphore(%run_scoped3A : memref<!tpu.dma_semaphore, #tpu.memory_space<semaphore_mem>>) src(%dma_wait3A_55 : memref<128xi32, #tpu.memory_space<hbm>>) dst(%arg11 : memref<128xi32, #tpu.memory_space<vmem>>)
      tpu.yield
    }) : () -> ()
    %add3A_5 = arith.constant 0 : i32
    %add3A_6 = arith.addi %mul3A_2, %add3A_5 : i32
    "tpu.region"() ({
      %run_scoped3A = tpu.sem_alloc : memref<!tpu.dma_semaphore, #tpu.memory_space<semaphore_mem>>
      %dma_start3A_52 = tpu.memref_slice %arg4[%add3A_6] : memref<320000xi32, #tpu.memory_space<hbm>> -> memref<128xi32, #tpu.memory_space<hbm>>
      %dma_start3A_53 = tpu.memref_slice %arg4[%add3A_6] : memref<320000xi32, #tpu.memory_space<hbm>> -> memref<128xi32, #tpu.memory_space<hbm>>
      tpu.enqueue_dma source(%dma_start3A_53 : memref<128xi32, #tpu.memory_space<hbm>>) target(%arg15 : memref<128xi32, #tpu.memory_space<vmem>>) target_semaphore(%run_scoped3A : memref<!tpu.dma_semaphore, #tpu.memory_space<semaphore_mem>>)
      %dma_wait3A_54 = tpu.memref_slice %arg4[%add3A_6] : memref<320000xi32, #tpu.memory_space<hbm>> -> memref<128xi32, #tpu.memory_space<hbm>>
      %dma_wait3A_55 = tpu.memref_slice %arg4[%add3A_6] : memref<320000xi32, #tpu.memory_space<hbm>> -> memref<128xi32, #tpu.memory_space<hbm>>
      tpu.wait_dma2 semaphore(%run_scoped3A : memref<!tpu.dma_semaphore, #tpu.memory_space<semaphore_mem>>) src(%dma_wait3A_55 : memref<128xi32, #tpu.memory_space<hbm>>) dst(%arg15 : memref<128xi32, #tpu.memory_space<vmem>>)
      tpu.yield
    }) : () -> ()
    %add3A_7 = arith.constant 128 : i32
    %add3A_8 = arith.addi %mul3A_2, %add3A_7 : i32
    "tpu.region"() ({
      %run_scoped3A = tpu.sem_alloc : memref<!tpu.dma_semaphore, #tpu.memory_space<semaphore_mem>>
      %dma_start3A_52 = tpu.memref_slice %arg3[%add3A_8] : memref<320000xi32, #tpu.memory_space<hbm>> -> memref<128xi32, #tpu.memory_space<hbm>>
      %dma_start3A_53 = tpu.memref_slice %arg3[%add3A_8] : memref<320000xi32, #tpu.memory_space<hbm>> -> memref<128xi32, #tpu.memory_space<hbm>>
      tpu.enqueue_dma source(%dma_start3A_53 : memref<128xi32, #tpu.memory_space<hbm>>) target(%arg12 : memref<128xi32, #tpu.memory_space<vmem>>) target_semaphore(%run_scoped3A : memref<!tpu.dma_semaphore, #tpu.memory_space<semaphore_mem>>)
      %dma_wait3A_54 = tpu.memref_slice %arg3[%add3A_8] : memref<320000xi32, #tpu.memory_space<hbm>> -> memref<128xi32, #tpu.memory_space<hbm>>
      %dma_wait3A_55 = tpu.memref_slice %arg3[%add3A_8] : memref<320000xi32, #tpu.memory_space<hbm>> -> memref<128xi32, #tpu.memory_space<hbm>>
      tpu.wait_dma2 semaphore(%run_scoped3A : memref<!tpu.dma_semaphore, #tpu.memory_space<semaphore_mem>>) src(%dma_wait3A_55 : memref<128xi32, #tpu.memory_space<hbm>>) dst(%arg12 : memref<128xi32, #tpu.memory_space<vmem>>)
      tpu.yield
    }) : () -> ()
    %add3A_9 = arith.constant 128 : i32
    %add3A_10 = arith.addi %mul3A_2, %add3A_9 : i32
    "tpu.region"() ({
      %run_scoped3A = tpu.sem_alloc : memref<!tpu.dma_semaphore, #tpu.memory_space<semaphore_mem>>
      %dma_start3A_52 = tpu.memref_slice %arg4[%add3A_10] : memref<320000xi32, #tpu.memory_space<hbm>> -> memref<128xi32, #tpu.memory_space<hbm>>
      %dma_start3A_53 = tpu.memref_slice %arg4[%add3A_10] : memref<320000xi32, #tpu.memory_space<hbm>> -> memref<128xi32, #tpu.memory_space<hbm>>
      tpu.enqueue_dma source(%dma_start3A_53 : memref<128xi32, #tpu.memory_space<hbm>>) target(%arg16 : memref<128xi32, #tpu.memory_space<vmem>>) target_semaphore(%run_scoped3A : memref<!tpu.dma_semaphore, #tpu.memory_space<semaphore_mem>>)
      %dma_wait3A_54 = tpu.memref_slice %arg4[%add3A_10] : memref<320000xi32, #tpu.memory_space<hbm>> -> memref<128xi32, #tpu.memory_space<hbm>>
      %dma_wait3A_55 = tpu.memref_slice %arg4[%add3A_10] : memref<320000xi32, #tpu.memory_space<hbm>> -> memref<128xi32, #tpu.memory_space<hbm>>
      tpu.wait_dma2 semaphore(%run_scoped3A : memref<!tpu.dma_semaphore, #tpu.memory_space<semaphore_mem>>) src(%dma_wait3A_55 : memref<128xi32, #tpu.memory_space<hbm>>) dst(%arg16 : memref<128xi32, #tpu.memory_space<vmem>>)
      tpu.yield
    }) : () -> ()
    %add3A_11 = arith.constant 256 : i32
    %add3A_12 = arith.addi %mul3A_2, %add3A_11 : i32
    "tpu.region"() ({
      %run_scoped3A = tpu.sem_alloc : memref<!tpu.dma_semaphore, #tpu.memory_space<semaphore_mem>>
      %dma_start3A_52 = tpu.memref_slice %arg3[%add3A_12] : memref<320000xi32, #tpu.memory_space<hbm>> -> memref<128xi32, #tpu.memory_space<hbm>>
      %dma_start3A_53 = tpu.memref_slice %arg3[%add3A_12] : memref<320000xi32, #tpu.memory_space<hbm>> -> memref<128xi32, #tpu.memory_space<hbm>>
      tpu.enqueue_dma source(%dma_start3A_53 : memref<128xi32, #tpu.memory_space<hbm>>) target(%arg13 : memref<128xi32, #tpu.memory_space<vmem>>) target_semaphore(%run_scoped3A : memref<!tpu.dma_semaphore, #tpu.memory_space<semaphore_mem>>)
      %dma_wait3A_54 = tpu.memref_slice %arg3[%add3A_12] : memref<320000xi32, #tpu.memory_space<hbm>> -> memref<128xi32, #tpu.memory_space<hbm>>
      %dma_wait3A_55 = tpu.memref_slice %arg3[%add3A_12] : memref<320000xi32, #tpu.memory_space<hbm>> -> memref<128xi32, #tpu.memory_space<hbm>>
      tpu.wait_dma2 semaphore(%run_scoped3A : memref<!tpu.dma_semaphore, #tpu.memory_space<semaphore_mem>>) src(%dma_wait3A_55 : memref<128xi32, #tpu.memory_space<hbm>>) dst(%arg13 : memref<128xi32, #tpu.memory_space<vmem>>)
      tpu.yield
    }) : () -> ()
    %add3A_13 = arith.constant 256 : i32
    %add3A_14 = arith.addi %mul3A_2, %add3A_13 : i32
    "tpu.region"() ({
      %run_scoped3A = tpu.sem_alloc : memref<!tpu.dma_semaphore, #tpu.memory_space<semaphore_mem>>
      %dma_start3A_52 = tpu.memref_slice %arg4[%add3A_14] : memref<320000xi32, #tpu.memory_space<hbm>> -> memref<128xi32, #tpu.memory_space<hbm>>
      %dma_start3A_53 = tpu.memref_slice %arg4[%add3A_14] : memref<320000xi32, #tpu.memory_space<hbm>> -> memref<128xi32, #tpu.memory_space<hbm>>
      tpu.enqueue_dma source(%dma_start3A_53 : memref<128xi32, #tpu.memory_space<hbm>>) target(%arg17 : memref<128xi32, #tpu.memory_space<vmem>>) target_semaphore(%run_scoped3A : memref<!tpu.dma_semaphore, #tpu.memory_space<semaphore_mem>>)
      %dma_wait3A_54 = tpu.memref_slice %arg4[%add3A_14] : memref<320000xi32, #tpu.memory_space<hbm>> -> memref<128xi32, #tpu.memory_space<hbm>>
      %dma_wait3A_55 = tpu.memref_slice %arg4[%add3A_14] : memref<320000xi32, #tpu.memory_space<hbm>> -> memref<128xi32, #tpu.memory_space<hbm>>
      tpu.wait_dma2 semaphore(%run_scoped3A : memref<!tpu.dma_semaphore, #tpu.memory_space<semaphore_mem>>) src(%dma_wait3A_55 : memref<128xi32, #tpu.memory_space<hbm>>) dst(%arg17 : memref<128xi32, #tpu.memory_space<vmem>>)
      tpu.yield
    }) : () -> ()
    %add3A_15 = arith.constant 384 : i32
    %add3A_16 = arith.addi %mul3A_2, %add3A_15 : i32
    "tpu.region"() ({
      %run_scoped3A = tpu.sem_alloc : memref<!tpu.dma_semaphore, #tpu.memory_space<semaphore_mem>>
      %dma_start3A_52 = tpu.memref_slice %arg3[%add3A_16] : memref<320000xi32, #tpu.memory_space<hbm>> -> memref<128xi32, #tpu.memory_space<hbm>>
      %dma_start3A_53 = tpu.memref_slice %arg3[%add3A_16] : memref<320000xi32, #tpu.memory_space<hbm>> -> memref<128xi32, #tpu.memory_space<hbm>>
      tpu.enqueue_dma source(%dma_start3A_53 : memref<128xi32, #tpu.memory_space<hbm>>) target(%arg14 : memref<128xi32, #tpu.memory_space<vmem>>) target_semaphore(%run_scoped3A : memref<!tpu.dma_semaphore, #tpu.memory_space<semaphore_mem>>)
      %dma_wait3A_54 = tpu.memref_slice %arg3[%add3A_16] : memref<320000xi32, #tpu.memory_space<hbm>> -> memref<128xi32, #tpu.memory_space<hbm>>
      %dma_wait3A_55 = tpu.memref_slice %arg3[%add3A_16] : memref<320000xi32, #tpu.memory_space<hbm>> -> memref<128xi32, #tpu.memory_space<hbm>>
      tpu.wait_dma2 semaphore(%run_scoped3A : memref<!tpu.dma_semaphore, #tpu.memory_space<semaphore_mem>>) src(%dma_wait3A_55 : memref<128xi32, #tpu.memory_space<hbm>>) dst(%arg14 : memref<128xi32, #tpu.memory_space<vmem>>)
      tpu.yield
    }) : () -> ()
    %add3A_17 = arith.constant 384 : i32
    %add3A_18 = arith.addi %mul3A_2, %add3A_17 : i32
    "tpu.region"() ({
      %run_scoped3A = tpu.sem_alloc : memref<!tpu.dma_semaphore, #tpu.memory_space<semaphore_mem>>
      %dma_start3A_52 = tpu.memref_slice %arg4[%add3A_18] : memref<320000xi32, #tpu.memory_space<hbm>> -> memref<128xi32, #tpu.memory_space<hbm>>
      %dma_start3A_53 = tpu.memref_slice %arg4[%add3A_18] : memref<320000xi32, #tpu.memory_space<hbm>> -> memref<128xi32, #tpu.memory_space<hbm>>
      tpu.enqueue_dma source(%dma_start3A_53 : memref<128xi32, #tpu.memory_space<hbm>>) target(%arg18 : memref<128xi32, #tpu.memory_space<vmem>>) target_semaphore(%run_scoped3A : memref<!tpu.dma_semaphore, #tpu.memory_space<semaphore_mem>>)
      %dma_wait3A_54 = tpu.memref_slice %arg4[%add3A_18] : memref<320000xi32, #tpu.memory_space<hbm>> -> memref<128xi32, #tpu.memory_space<hbm>>
      %dma_wait3A_55 = tpu.memref_slice %arg4[%add3A_18] : memref<320000xi32, #tpu.memory_space<hbm>> -> memref<128xi32, #tpu.memory_space<hbm>>
      tpu.wait_dma2 semaphore(%run_scoped3A : memref<!tpu.dma_semaphore, #tpu.memory_space<semaphore_mem>>) src(%dma_wait3A_55 : memref<128xi32, #tpu.memory_space<hbm>>) dst(%arg18 : memref<128xi32, #tpu.memory_space<vmem>>)
      tpu.yield
    }) : () -> ()
    %dma_start3A = arith.constant 0 : i32
    %dma_start3A_19 = arith.constant 0 : i32
    %dma_start3A_20 = tpu.memref_slice %arg2[%dma_start3A, %dma_start3A_19] : memref<10000x128xf32, #tpu.memory_space<hbm>> -> memref<10000x128xf32, #tpu.memory_space<hbm>>
    tpu.enqueue_indirect_dma source(%dma_start3A_20 : memref<10000x128xf32, #tpu.memory_space<hbm>>) target(%arg19 : memref<128x128xf32, #tpu.memory_space<vmem>>) offsets(%arg11 : memref<128xi32, #tpu.memory_space<vmem>>) semaphore(%arg21 : memref<!tpu.dma_semaphore, #tpu.memory_space<semaphore_mem>>)
    %dma_start3A_21 = arith.constant 0 : i32
    %dma_start3A_22 = arith.constant 0 : i32
    %dma_start3A_23 = tpu.memref_slice %arg2[%dma_start3A_21, %dma_start3A_22] : memref<10000x128xf32, #tpu.memory_space<hbm>> -> memref<10000x128xf32, #tpu.memory_space<hbm>>
    tpu.enqueue_indirect_dma source(%dma_start3A_23 : memref<10000x128xf32, #tpu.memory_space<hbm>>) target(%arg20 : memref<128x128xf32, #tpu.memory_space<vmem>>) offsets(%arg12 : memref<128xi32, #tpu.memory_space<vmem>>) semaphore(%arg22 : memref<!tpu.dma_semaphore, #tpu.memory_space<semaphore_mem>>)
    %mul3A_24 = arith.constant 624 : i32
    %mul3A_25 = arith.muli %arg1, %mul3A_24 : i32
    %mul3A_26 = arith.constant 624 : i32
    %mul3A_27 = arith.muli %arg1, %mul3A_26 : i32
    "tpu.region"() ({
      %run_scoped3A = tpu.sem_alloc : memref<!tpu.dma_semaphore, #tpu.memory_space<semaphore_mem>>
      %dma_start3A_52 = arith.constant 0 : i32
      %dma_start3A_53 = tpu.memref_slice %arg7[%mul3A_27, %dma_start3A_52] : memref<10000x128xf32, #tpu.memory_space<vmem_shared>> -> memref<624x128xf32, #tpu.memory_space<vmem_shared>>
      %dma_start3A_54 = arith.constant 0 : i32
      %dma_start3A_55 = tpu.memref_slice %arg5[%mul3A_25, %dma_start3A_54] : memref<10000x128xf32, #tpu.memory_space<hbm>> -> memref<624x128xf32, #tpu.memory_space<hbm>>
      tpu.enqueue_dma source(%dma_start3A_55 : memref<624x128xf32, #tpu.memory_space<hbm>>) target(%dma_start3A_53 : memref<624x128xf32, #tpu.memory_space<vmem_shared>>) target_semaphore(%run_scoped3A : memref<!tpu.dma_semaphore, #tpu.memory_space<semaphore_mem>>)
      %dma_wait3A_56 = arith.constant 0 : i32
      %dma_wait3A_57 = tpu.memref_slice %arg7[%mul3A_27, %dma_wait3A_56] : memref<10000x128xf32, #tpu.memory_space<vmem_shared>> -> memref<624x128xf32, #tpu.memory_space<vmem_shared>>
      %dma_wait3A_58 = arith.constant 0 : i32
      %dma_wait3A_59 = tpu.memref_slice %arg5[%mul3A_25, %dma_wait3A_58] : memref<10000x128xf32, #tpu.memory_space<hbm>> -> memref<624x128xf32, #tpu.memory_space<hbm>>
      tpu.wait_dma2 semaphore(%run_scoped3A : memref<!tpu.dma_semaphore, #tpu.memory_space<semaphore_mem>>) src(%dma_wait3A_59 : memref<624x128xf32, #tpu.memory_space<hbm>>) dst(%dma_wait3A_57 : memref<624x128xf32, #tpu.memory_space<vmem_shared>>)
      tpu.yield
    }) : () -> ()
    %eq3A = arith.constant 0 : i32
    %eq3A_28 = arith.cmpi eq, %arg1, %eq3A : i32
    %convert_element_type3A = arith.extui %eq3A_28 : i1 to i32
    %cond3A = arith.constant 0 : i32
    %cond3A_29 = arith.cmpi ne, %convert_element_type3A, %cond3A : i32
    scf.if %cond3A_29 {
      "tpu.region"() ({
        %run_scoped3A = tpu.sem_alloc : memref<!tpu.dma_semaphore, #tpu.memory_space<semaphore_mem>>
        %dma_start3A_52 = arith.constant 9984 : i32
        %dma_start3A_53 = arith.constant 0 : i32
        %dma_start3A_54 = tpu.memref_slice %arg7[%dma_start3A_52, %dma_start3A_53] : memref<10000x128xf32, #tpu.memory_space<vmem_shared>> -> memref<16x128xf32, #tpu.memory_space<vmem_shared>>
        %dma_start3A_55 = arith.constant 9984 : i32
        %dma_start3A_56 = arith.constant 0 : i32
        %dma_start3A_57 = tpu.memref_slice %arg5[%dma_start3A_55, %dma_start3A_56] : memref<10000x128xf32, #tpu.memory_space<hbm>> -> memref<16x128xf32, #tpu.memory_space<hbm>>
        tpu.enqueue_dma source(%dma_start3A_57 : memref<16x128xf32, #tpu.memory_space<hbm>>) target(%dma_start3A_54 : memref<16x128xf32, #tpu.memory_space<vmem_shared>>) target_semaphore(%run_scoped3A : memref<!tpu.dma_semaphore, #tpu.memory_space<semaphore_mem>>)
        %dma_wait3A_58 = arith.constant 9984 : i32
        %dma_wait3A_59 = arith.constant 0 : i32
        %dma_wait3A_60 = tpu.memref_slice %arg7[%dma_wait3A_58, %dma_wait3A_59] : memref<10000x128xf32, #tpu.memory_space<vmem_shared>> -> memref<16x128xf32, #tpu.memory_space<vmem_shared>>
        %dma_wait3A_61 = arith.constant 9984 : i32
        %dma_wait3A_62 = arith.constant 0 : i32
        %dma_wait3A_63 = tpu.memref_slice %arg5[%dma_wait3A_61, %dma_wait3A_62] : memref<10000x128xf32, #tpu.memory_space<hbm>> -> memref<16x128xf32, #tpu.memory_space<hbm>>
        tpu.wait_dma2 semaphore(%run_scoped3A : memref<!tpu.dma_semaphore, #tpu.memory_space<semaphore_mem>>) src(%dma_wait3A_63 : memref<16x128xf32, #tpu.memory_space<hbm>>) dst(%dma_wait3A_60 : memref<16x128xf32, #tpu.memory_space<vmem_shared>>)
        tpu.yield
      }) : () -> ()
    } else {
    }
    %barrier3A = arith.constant 0 : index
    tpu.barrier barrier_id(%barrier3A)
    %scan3A = arith.constant 0 : i32
    %scan3A_30 = arith.constant 0 : i32
    %scan3A_31 = arith.constant 19 : i32
    %scan3A_32 = arith.addi %scan3A_30, %scan3A_31 : i32
    %scan3A_33 = arith.constant 1 : i32
    scf.for %scan3A_52 = %scan3A_30 to %scan3A_32 step %scan3A_33  : i32 {
      %mul3A_53 = arith.constant 4 : i32
      %mul3A_54 = arith.muli %scan3A_52, %mul3A_53 : i32
      %add3A_55 = arith.constant 0 : i32
      %add3A_56 = arith.addi %mul3A_54, %add3A_55 : i32
      %dma_wait3A_57 = arith.constant 0 : i32
      %dma_wait3A_58 = arith.constant 0 : i32
      %dma_wait3A_59 = tpu.memref_slice %arg2[%dma_wait3A_57, %dma_wait3A_58] : memref<10000x128xf32, #tpu.memory_space<hbm>> -> memref<10000x128xf32, #tpu.memory_space<hbm>>
      tpu.wait_indirect_dma semaphore(%arg21 : memref<!tpu.dma_semaphore, #tpu.memory_space<semaphore_mem>>) src(%dma_wait3A_59 : memref<10000x128xf32, #tpu.memory_space<hbm>>) dst(%arg19 : memref<128x128xf32, #tpu.memory_space<vmem>>)
      "tpu.region"() ({
        %run_scoped3A = tpu.sem_alloc : memref<!tpu.dma_semaphore, #tpu.memory_space<semaphore_mem>>
        %dma_start3A_130 = arith.constant 0 : i32
        %dma_start3A_131 = arith.constant 0 : i32
        %dma_start3A_132 = tpu.memref_slice %arg7[%dma_start3A_130, %dma_start3A_131] : memref<10000x128xf32, #tpu.memory_space<vmem_shared>> -> memref<10000x128xf32, #tpu.memory_space<vmem_shared>>
        tpu.enqueue_indirect_dma source(%arg19 : memref<128x128xf32, #tpu.memory_space<vmem>>) target(%dma_start3A_132 : memref<10000x128xf32, #tpu.memory_space<vmem_shared>>) offsets(%arg15 : memref<128xi32, #tpu.memory_space<vmem>>) semaphore(%run_scoped3A : memref<!tpu.dma_semaphore, #tpu.memory_space<semaphore_mem>>) {add = true}
        %dma_wait3A_133 = arith.constant 0 : i32
        %dma_wait3A_134 = arith.constant 0 : i32
        %dma_wait3A_135 = tpu.memref_slice %arg7[%dma_wait3A_133, %dma_wait3A_134] : memref<10000x128xf32, #tpu.memory_space<vmem_shared>> -> memref<10000x128xf32, #tpu.memory_space<vmem_shared>>
        tpu.wait_indirect_dma semaphore(%run_scoped3A : memref<!tpu.dma_semaphore, #tpu.memory_space<semaphore_mem>>) src(%arg19 : memref<128x128xf32, #tpu.memory_space<vmem>>) dst(%dma_wait3A_135 : memref<10000x128xf32, #tpu.memory_space<vmem_shared>>)
        tpu.yield
      }) : () -> ()
      %add3A_60 = arith.constant 4 : i32
      %add3A_61 = arith.addi %add3A_56, %add3A_60 : i32
      %lt3A = arith.constant 78 : i32
      %lt3A_62 = arith.cmpi slt, %add3A_61, %lt3A : i32
      %convert_element_type3A_63 = arith.extui %lt3A_62 : i1 to i32
      %cond3A_64 = arith.constant 0 : i32
      %cond3A_65 = arith.cmpi ne, %convert_element_type3A_63, %cond3A_64 : i32
      scf.if %cond3A_65 {
        %add3A_130 = arith.constant 4 : i32
        %add3A_131 = arith.addi %add3A_56, %add3A_130 : i32
        %mul3A_132 = arith.constant 128 : i32
        %mul3A_133 = arith.muli %add3A_131, %mul3A_132 : i32
        %add3A_134 = arith.addi %mul3A_2, %mul3A_133 : i32
        %dma_start3A_135 = tpu.memref_slice %arg3[%add3A_134] : memref<320000xi32, #tpu.memory_space<hbm>> -> memref<128xi32, #tpu.memory_space<hbm>>
        %dma_start3A_136 = tpu.memref_slice %arg3[%add3A_134] : memref<320000xi32, #tpu.memory_space<hbm>> -> memref<128xi32, #tpu.memory_space<hbm>>
        tpu.enqueue_dma source(%dma_start3A_136 : memref<128xi32, #tpu.memory_space<hbm>>) target(%arg11 : memref<128xi32, #tpu.memory_space<vmem>>) target_semaphore(%arg23 : memref<!tpu.dma_semaphore, #tpu.memory_space<semaphore_mem>>)
        %dma_start3A_137 = tpu.memref_slice %arg4[%add3A_134] : memref<320000xi32, #tpu.memory_space<hbm>> -> memref<128xi32, #tpu.memory_space<hbm>>
        %dma_start3A_138 = tpu.memref_slice %arg4[%add3A_134] : memref<320000xi32, #tpu.memory_space<hbm>> -> memref<128xi32, #tpu.memory_space<hbm>>
        tpu.enqueue_dma source(%dma_start3A_138 : memref<128xi32, #tpu.memory_space<hbm>>) target(%arg15 : memref<128xi32, #tpu.memory_space<vmem>>) target_semaphore(%arg23 : memref<!tpu.dma_semaphore, #tpu.memory_space<semaphore_mem>>)
      } else {
      }
      %add3A_66 = arith.constant 2 : i32
      %add3A_67 = arith.addi %add3A_56, %add3A_66 : i32
      %lt3A_68 = arith.constant 78 : i32
      %lt3A_69 = arith.cmpi slt, %add3A_67, %lt3A_68 : i32
      %convert_element_type3A_70 = arith.extui %lt3A_69 : i1 to i32
      %cond3A_71 = arith.constant 0 : i32
      %cond3A_72 = arith.cmpi ne, %convert_element_type3A_70, %cond3A_71 : i32
      scf.if %cond3A_72 {
        %add3A_130 = arith.constant 2 : i32
        %add3A_131 = arith.addi %add3A_56, %add3A_130 : i32
        %ge3A = arith.constant 4 : i32
        %ge3A_132 = arith.cmpi sge, %add3A_131, %ge3A : i32
        %convert_element_type3A_133 = arith.extui %ge3A_132 : i1 to i32
        %cond3A_134 = arith.constant 0 : i32
        %cond3A_135 = arith.cmpi ne, %convert_element_type3A_133, %cond3A_134 : i32
        scf.if %cond3A_135 {
          %add3A_139 = arith.constant 2 : i32
          %add3A_140 = arith.addi %add3A_56, %add3A_139 : i32
          %mul3A_141 = arith.constant 128 : i32
          %mul3A_142 = arith.muli %add3A_140, %mul3A_141 : i32
          %add3A_143 = arith.addi %mul3A_2, %mul3A_142 : i32
          %dma_wait3A_144 = tpu.memref_slice %arg3[%add3A_143] : memref<320000xi32, #tpu.memory_space<hbm>> -> memref<128xi32, #tpu.memory_space<hbm>>
          %dma_wait3A_145 = tpu.memref_slice %arg3[%add3A_143] : memref<320000xi32, #tpu.memory_space<hbm>> -> memref<128xi32, #tpu.memory_space<hbm>>
          tpu.wait_dma2 semaphore(%arg25 : memref<!tpu.dma_semaphore, #tpu.memory_space<semaphore_mem>>) src(%dma_wait3A_145 : memref<128xi32, #tpu.memory_space<hbm>>) dst(%arg13 : memref<128xi32, #tpu.memory_space<vmem>>)
          %dma_wait3A_146 = tpu.memref_slice %arg4[%add3A_143] : memref<320000xi32, #tpu.memory_space<hbm>> -> memref<128xi32, #tpu.memory_space<hbm>>
          %dma_wait3A_147 = tpu.memref_slice %arg4[%add3A_143] : memref<320000xi32, #tpu.memory_space<hbm>> -> memref<128xi32, #tpu.memory_space<hbm>>
          tpu.wait_dma2 semaphore(%arg25 : memref<!tpu.dma_semaphore, #tpu.memory_space<semaphore_mem>>) src(%dma_wait3A_147 : memref<128xi32, #tpu.memory_space<hbm>>) dst(%arg17 : memref<128xi32, #tpu.memory_space<vmem>>)
        } else {
        }
        %dma_start3A_136 = arith.constant 0 : i32
        %dma_start3A_137 = arith.constant 0 : i32
        %dma_start3A_138 = tpu.memref_slice %arg2[%dma_start3A_136, %dma_start3A_137] : memref<10000x128xf32, #tpu.memory_space<hbm>> -> memref<10000x128xf32, #tpu.memory_space<hbm>>
        tpu.enqueue_indirect_dma source(%dma_start3A_138 : memref<10000x128xf32, #tpu.memory_space<hbm>>) target(%arg19 : memref<128x128xf32, #tpu.memory_space<vmem>>) offsets(%arg13 : memref<128xi32, #tpu.memory_space<vmem>>) semaphore(%arg21 : memref<!tpu.dma_semaphore, #tpu.memory_space<semaphore_mem>>)
      } else {
      }
      %add3A_73 = arith.constant 1 : i32
      %add3A_74 = arith.addi %mul3A_54, %add3A_73 : i32
      %dma_wait3A_75 = arith.constant 0 : i32
      %dma_wait3A_76 = arith.constant 0 : i32
      %dma_wait3A_77 = tpu.memref_slice %arg2[%dma_wait3A_75, %dma_wait3A_76] : memref<10000x128xf32, #tpu.memory_space<hbm>> -> memref<10000x128xf32, #tpu.memory_space<hbm>>
      tpu.wait_indirect_dma semaphore(%arg22 : memref<!tpu.dma_semaphore, #tpu.memory_space<semaphore_mem>>) src(%dma_wait3A_77 : memref<10000x128xf32, #tpu.memory_space<hbm>>) dst(%arg20 : memref<128x128xf32, #tpu.memory_space<vmem>>)
      "tpu.region"() ({
        %run_scoped3A = tpu.sem_alloc : memref<!tpu.dma_semaphore, #tpu.memory_space<semaphore_mem>>
        %dma_start3A_130 = arith.constant 0 : i32
        %dma_start3A_131 = arith.constant 0 : i32
        %dma_start3A_132 = tpu.memref_slice %arg7[%dma_start3A_130, %dma_start3A_131] : memref<10000x128xf32, #tpu.memory_space<vmem_shared>> -> memref<10000x128xf32, #tpu.memory_space<vmem_shared>>
        tpu.enqueue_indirect_dma source(%arg20 : memref<128x128xf32, #tpu.memory_space<vmem>>) target(%dma_start3A_132 : memref<10000x128xf32, #tpu.memory_space<vmem_shared>>) offsets(%arg16 : memref<128xi32, #tpu.memory_space<vmem>>) semaphore(%run_scoped3A : memref<!tpu.dma_semaphore, #tpu.memory_space<semaphore_mem>>) {add = true}
        %dma_wait3A_133 = arith.constant 0 : i32
        %dma_wait3A_134 = arith.constant 0 : i32
        %dma_wait3A_135 = tpu.memref_slice %arg7[%dma_wait3A_133, %dma_wait3A_134] : memref<10000x128xf32, #tpu.memory_space<vmem_shared>> -> memref<10000x128xf32, #tpu.memory_space<vmem_shared>>
        tpu.wait_indirect_dma semaphore(%run_scoped3A : memref<!tpu.dma_semaphore, #tpu.memory_space<semaphore_mem>>) src(%arg20 : memref<128x128xf32, #tpu.memory_space<vmem>>) dst(%dma_wait3A_135 : memref<10000x128xf32, #tpu.memory_space<vmem_shared>>)
        tpu.yield
      }) : () -> ()
      %add3A_78 = arith.constant 4 : i32
      %add3A_79 = arith.addi %add3A_74, %add3A_78 : i32
      %lt3A_80 = arith.constant 78 : i32
      %lt3A_81 = arith.cmpi slt, %add3A_79, %lt3A_80 : i32
      %convert_element_type3A_82 = arith.extui %lt3A_81 : i1 to i32
      %cond3A_83 = arith.constant 0 : i32
      %cond3A_84 = arith.cmpi ne, %convert_element_type3A_82, %cond3A_83 : i32
      scf.if %cond3A_84 {
        %add3A_130 = arith.constant 4 : i32
        %add3A_131 = arith.addi %add3A_74, %add3A_130 : i32
        %mul3A_132 = arith.constant 128 : i32
        %mul3A_133 = arith.muli %add3A_131, %mul3A_132 : i32
        %add3A_134 = arith.addi %mul3A_2, %mul3A_133 : i32
        %dma_start3A_135 = tpu.memref_slice %arg3[%add3A_134] : memref<320000xi32, #tpu.memory_space<hbm>> -> memref<128xi32, #tpu.memory_space<hbm>>
        %dma_start3A_136 = tpu.memref_slice %arg3[%add3A_134] : memref<320000xi32, #tpu.memory_space<hbm>> -> memref<128xi32, #tpu.memory_space<hbm>>
        tpu.enqueue_dma source(%dma_start3A_136 : memref<128xi32, #tpu.memory_space<hbm>>) target(%arg12 : memref<128xi32, #tpu.memory_space<vmem>>) target_semaphore(%arg24 : memref<!tpu.dma_semaphore, #tpu.memory_space<semaphore_mem>>)
        %dma_start3A_137 = tpu.memref_slice %arg4[%add3A_134] : memref<320000xi32, #tpu.memory_space<hbm>> -> memref<128xi32, #tpu.memory_space<hbm>>
        %dma_start3A_138 = tpu.memref_slice %arg4[%add3A_134] : memref<320000xi32, #tpu.memory_space<hbm>> -> memref<128xi32, #tpu.memory_space<hbm>>
        tpu.enqueue_dma source(%dma_start3A_138 : memref<128xi32, #tpu.memory_space<hbm>>) target(%arg16 : memref<128xi32, #tpu.memory_space<vmem>>) target_semaphore(%arg24 : memref<!tpu.dma_semaphore, #tpu.memory_space<semaphore_mem>>)
      } else {
      }
      %add3A_85 = arith.constant 2 : i32
      %add3A_86 = arith.addi %add3A_74, %add3A_85 : i32
      %lt3A_87 = arith.constant 78 : i32
      %lt3A_88 = arith.cmpi slt, %add3A_86, %lt3A_87 : i32
      %convert_element_type3A_89 = arith.extui %lt3A_88 : i1 to i32
      %cond3A_90 = arith.constant 0 : i32
      %cond3A_91 = arith.cmpi ne, %convert_element_type3A_89, %cond3A_90 : i32
      scf.if %cond3A_91 {
        %add3A_130 = arith.constant 2 : i32
        %add3A_131 = arith.addi %add3A_74, %add3A_130 : i32
        %ge3A = arith.constant 4 : i32
        %ge3A_132 = arith.cmpi sge, %add3A_131, %ge3A : i32
        %convert_element_type3A_133 = arith.extui %ge3A_132 : i1 to i32
        %cond3A_134 = arith.constant 0 : i32
        %cond3A_135 = arith.cmpi ne, %convert_element_type3A_133, %cond3A_134 : i32
        scf.if %cond3A_135 {
          %add3A_139 = arith.constant 2 : i32
          %add3A_140 = arith.addi %add3A_74, %add3A_139 : i32
          %mul3A_141 = arith.constant 128 : i32
          %mul3A_142 = arith.muli %add3A_140, %mul3A_141 : i32
          %add3A_143 = arith.addi %mul3A_2, %mul3A_142 : i32
          %dma_wait3A_144 = tpu.memref_slice %arg3[%add3A_143] : memref<320000xi32, #tpu.memory_space<hbm>> -> memref<128xi32, #tpu.memory_space<hbm>>
          %dma_wait3A_145 = tpu.memref_slice %arg3[%add3A_143] : memref<320000xi32, #tpu.memory_space<hbm>> -> memref<128xi32, #tpu.memory_space<hbm>>
          tpu.wait_dma2 semaphore(%arg26 : memref<!tpu.dma_semaphore, #tpu.memory_space<semaphore_mem>>) src(%dma_wait3A_145 : memref<128xi32, #tpu.memory_space<hbm>>) dst(%arg14 : memref<128xi32, #tpu.memory_space<vmem>>)
          %dma_wait3A_146 = tpu.memref_slice %arg4[%add3A_143] : memref<320000xi32, #tpu.memory_space<hbm>> -> memref<128xi32, #tpu.memory_space<hbm>>
          %dma_wait3A_147 = tpu.memref_slice %arg4[%add3A_143] : memref<320000xi32, #tpu.memory_space<hbm>> -> memref<128xi32, #tpu.memory_space<hbm>>
          tpu.wait_dma2 semaphore(%arg26 : memref<!tpu.dma_semaphore, #tpu.memory_space<semaphore_mem>>) src(%dma_wait3A_147 : memref<128xi32, #tpu.memory_space<hbm>>) dst(%arg18 : memref<128xi32, #tpu.memory_space<vmem>>)
        } else {
        }
        %dma_start3A_136 = arith.constant 0 : i32
        %dma_start3A_137 = arith.constant 0 : i32
        %dma_start3A_138 = tpu.memref_slice %arg2[%dma_start3A_136, %dma_start3A_137] : memref<10000x128xf32, #tpu.memory_space<hbm>> -> memref<10000x128xf32, #tpu.memory_space<hbm>>
        tpu.enqueue_indirect_dma source(%dma_start3A_138 : memref<10000x128xf32, #tpu.memory_space<hbm>>) target(%arg20 : memref<128x128xf32, #tpu.memory_space<vmem>>) offsets(%arg14 : memref<128xi32, #tpu.memory_space<vmem>>) semaphore(%arg22 : memref<!tpu.dma_semaphore, #tpu.memory_space<semaphore_mem>>)
      } else {
      }
      %add3A_92 = arith.constant 2 : i32
      %add3A_93 = arith.addi %mul3A_54, %add3A_92 : i32
      %dma_wait3A_94 = arith.constant 0 : i32
      %dma_wait3A_95 = arith.constant 0 : i32
      %dma_wait3A_96 = tpu.memref_slice %arg2[%dma_wait3A_94, %dma_wait3A_95] : memref<10000x128xf32, #tpu.memory_space<hbm>> -> memref<10000x128xf32, #tpu.memory_space<hbm>>
      tpu.wait_indirect_dma semaphore(%arg21 : memref<!tpu.dma_semaphore, #tpu.memory_space<semaphore_mem>>) src(%dma_wait3A_96 : memref<10000x128xf32, #tpu.memory_space<hbm>>) dst(%arg19 : memref<128x128xf32, #tpu.memory_space<vmem>>)
      "tpu.region"() ({
        %run_scoped3A = tpu.sem_alloc : memref<!tpu.dma_semaphore, #tpu.memory_space<semaphore_mem>>
        %dma_start3A_130 = arith.constant 0 : i32
        %dma_start3A_131 = arith.constant 0 : i32
        %dma_start3A_132 = tpu.memref_slice %arg7[%dma_start3A_130, %dma_start3A_131] : memref<10000x128xf32, #tpu.memory_space<vmem_shared>> -> memref<10000x128xf32, #tpu.memory_space<vmem_shared>>
        tpu.enqueue_indirect_dma source(%arg19 : memref<128x128xf32, #tpu.memory_space<vmem>>) target(%dma_start3A_132 : memref<10000x128xf32, #tpu.memory_space<vmem_shared>>) offsets(%arg17 : memref<128xi32, #tpu.memory_space<vmem>>) semaphore(%run_scoped3A : memref<!tpu.dma_semaphore, #tpu.memory_space<semaphore_mem>>) {add = true}
        %dma_wait3A_133 = arith.constant 0 : i32
        %dma_wait3A_134 = arith.constant 0 : i32
        %dma_wait3A_135 = tpu.memref_slice %arg7[%dma_wait3A_133, %dma_wait3A_134] : memref<10000x128xf32, #tpu.memory_space<vmem_shared>> -> memref<10000x128xf32, #tpu.memory_space<vmem_shared>>
        tpu.wait_indirect_dma semaphore(%run_scoped3A : memref<!tpu.dma_semaphore, #tpu.memory_space<semaphore_mem>>) src(%arg19 : memref<128x128xf32, #tpu.memory_space<vmem>>) dst(%dma_wait3A_135 : memref<10000x128xf32, #tpu.memory_space<vmem_shared>>)
        tpu.yield
      }) : () -> ()
      %add3A_97 = arith.constant 4 : i32
      %add3A_98 = arith.addi %add3A_93, %add3A_97 : i32
      %lt3A_99 = arith.constant 78 : i32
      %lt3A_100 = arith.cmpi slt, %add3A_98, %lt3A_99 : i32
      %convert_element_type3A_101 = arith.extui %lt3A_100 : i1 to i32
      %cond3A_102 = arith.constant 0 : i32
      %cond3A_103 = arith.cmpi ne, %convert_element_type3A_101, %cond3A_102 : i32
      scf.if %cond3A_103 {
        %add3A_130 = arith.constant 4 : i32
        %add3A_131 = arith.addi %add3A_93, %add3A_130 : i32
        %mul3A_132 = arith.constant 128 : i32
        %mul3A_133 = arith.muli %add3A_131, %mul3A_132 : i32
        %add3A_134 = arith.addi %mul3A_2, %mul3A_133 : i32
        %dma_start3A_135 = tpu.memref_slice %arg3[%add3A_134] : memref<320000xi32, #tpu.memory_space<hbm>> -> memref<128xi32, #tpu.memory_space<hbm>>
        %dma_start3A_136 = tpu.memref_slice %arg3[%add3A_134] : memref<320000xi32, #tpu.memory_space<hbm>> -> memref<128xi32, #tpu.memory_space<hbm>>
        tpu.enqueue_dma source(%dma_start3A_136 : memref<128xi32, #tpu.memory_space<hbm>>) target(%arg13 : memref<128xi32, #tpu.memory_space<vmem>>) target_semaphore(%arg25 : memref<!tpu.dma_semaphore, #tpu.memory_space<semaphore_mem>>)
        %dma_start3A_137 = tpu.memref_slice %arg4[%add3A_134] : memref<320000xi32, #tpu.memory_space<hbm>> -> memref<128xi32, #tpu.memory_space<hbm>>
        %dma_start3A_138 = tpu.memref_slice %arg4[%add3A_134] : memref<320000xi32, #tpu.memory_space<hbm>> -> memref<128xi32, #tpu.memory_space<hbm>>
        tpu.enqueue_dma source(%dma_start3A_138 : memref<128xi32, #tpu.memory_space<hbm>>) target(%arg17 : memref<128xi32, #tpu.memory_space<vmem>>) target_semaphore(%arg25 : memref<!tpu.dma_semaphore, #tpu.memory_space<semaphore_mem>>)
      } else {
      }
      %add3A_104 = arith.constant 2 : i32
      %add3A_105 = arith.addi %add3A_93, %add3A_104 : i32
      %lt3A_106 = arith.constant 78 : i32
      %lt3A_107 = arith.cmpi slt, %add3A_105, %lt3A_106 : i32
      %convert_element_type3A_108 = arith.extui %lt3A_107 : i1 to i32
      %cond3A_109 = arith.constant 0 : i32
      %cond3A_110 = arith.cmpi ne, %convert_element_type3A_108, %cond3A_109 : i32
      scf.if %cond3A_110 {
        %add3A_130 = arith.constant 2 : i32
        %add3A_131 = arith.addi %add3A_93, %add3A_130 : i32
        %ge3A = arith.constant 4 : i32
        %ge3A_132 = arith.cmpi sge, %add3A_131, %ge3A : i32
        %convert_element_type3A_133 = arith.extui %ge3A_132 : i1 to i32
        %cond3A_134 = arith.constant 0 : i32
        %cond3A_135 = arith.cmpi ne, %convert_element_type3A_133, %cond3A_134 : i32
        scf.if %cond3A_135 {
          %add3A_139 = arith.constant 2 : i32
          %add3A_140 = arith.addi %add3A_93, %add3A_139 : i32
          %mul3A_141 = arith.constant 128 : i32
          %mul3A_142 = arith.muli %add3A_140, %mul3A_141 : i32
          %add3A_143 = arith.addi %mul3A_2, %mul3A_142 : i32
          %dma_wait3A_144 = tpu.memref_slice %arg3[%add3A_143] : memref<320000xi32, #tpu.memory_space<hbm>> -> memref<128xi32, #tpu.memory_space<hbm>>
          %dma_wait3A_145 = tpu.memref_slice %arg3[%add3A_143] : memref<320000xi32, #tpu.memory_space<hbm>> -> memref<128xi32, #tpu.memory_space<hbm>>
          tpu.wait_dma2 semaphore(%arg23 : memref<!tpu.dma_semaphore, #tpu.memory_space<semaphore_mem>>) src(%dma_wait3A_145 : memref<128xi32, #tpu.memory_space<hbm>>) dst(%arg11 : memref<128xi32, #tpu.memory_space<vmem>>)
          %dma_wait3A_146 = tpu.memref_slice %arg4[%add3A_143] : memref<320000xi32, #tpu.memory_space<hbm>> -> memref<128xi32, #tpu.memory_space<hbm>>
          %dma_wait3A_147 = tpu.memref_slice %arg4[%add3A_143] : memref<320000xi32, #tpu.memory_space<hbm>> -> memref<128xi32, #tpu.memory_space<hbm>>
          tpu.wait_dma2 semaphore(%arg23 : memref<!tpu.dma_semaphore, #tpu.memory_space<semaphore_mem>>) src(%dma_wait3A_147 : memref<128xi32, #tpu.memory_space<hbm>>) dst(%arg15 : memref<128xi32, #tpu.memory_space<vmem>>)
        } else {
        }
        %dma_start3A_136 = arith.constant 0 : i32
        %dma_start3A_137 = arith.constant 0 : i32
        %dma_start3A_138 = tpu.memref_slice %arg2[%dma_start3A_136, %dma_start3A_137] : memref<10000x128xf32, #tpu.memory_space<hbm>> -> memref<10000x128xf32, #tpu.memory_space<hbm>>
        tpu.enqueue_indirect_dma source(%dma_start3A_138 : memref<10000x128xf32, #tpu.memory_space<hbm>>) target(%arg19 : memref<128x128xf32, #tpu.memory_space<vmem>>) offsets(%arg11 : memref<128xi32, #tpu.memory_space<vmem>>) semaphore(%arg21 : memref<!tpu.dma_semaphore, #tpu.memory_space<semaphore_mem>>)
      } else {
      }
      %add3A_111 = arith.constant 3 : i32
      %add3A_112 = arith.addi %mul3A_54, %add3A_111 : i32
      %dma_wait3A_113 = arith.constant 0 : i32
      %dma_wait3A_114 = arith.constant 0 : i32
      %dma_wait3A_115 = tpu.memref_slice %arg2[%dma_wait3A_113, %dma_wait3A_114] : memref<10000x128xf32, #tpu.memory_space<hbm>> -> memref<10000x128xf32, #tpu.memory_space<hbm>>
      tpu.wait_indirect_dma semaphore(%arg22 : memref<!tpu.dma_semaphore, #tpu.memory_space<semaphore_mem>>) src(%dma_wait3A_115 : memref<10000x128xf32, #tpu.memory_space<hbm>>) dst(%arg20 : memref<128x128xf32, #tpu.memory_space<vmem>>)
      "tpu.region"() ({
        %run_scoped3A = tpu.sem_alloc : memref<!tpu.dma_semaphore, #tpu.memory_space<semaphore_mem>>
        %dma_start3A_130 = arith.constant 0 : i32
        %dma_start3A_131 = arith.constant 0 : i32
        %dma_start3A_132 = tpu.memref_slice %arg7[%dma_start3A_130, %dma_start3A_131] : memref<10000x128xf32, #tpu.memory_space<vmem_shared>> -> memref<10000x128xf32, #tpu.memory_space<vmem_shared>>
        tpu.enqueue_indirect_dma source(%arg20 : memref<128x128xf32, #tpu.memory_space<vmem>>) target(%dma_start3A_132 : memref<10000x128xf32, #tpu.memory_space<vmem_shared>>) offsets(%arg18 : memref<128xi32, #tpu.memory_space<vmem>>) semaphore(%run_scoped3A : memref<!tpu.dma_semaphore, #tpu.memory_space<semaphore_mem>>) {add = true}
        %dma_wait3A_133 = arith.constant 0 : i32
        %dma_wait3A_134 = arith.constant 0 : i32
        %dma_wait3A_135 = tpu.memref_slice %arg7[%dma_wait3A_133, %dma_wait3A_134] : memref<10000x128xf32, #tpu.memory_space<vmem_shared>> -> memref<10000x128xf32, #tpu.memory_space<vmem_shared>>
        tpu.wait_indirect_dma semaphore(%run_scoped3A : memref<!tpu.dma_semaphore, #tpu.memory_space<semaphore_mem>>) src(%arg20 : memref<128x128xf32, #tpu.memory_space<vmem>>) dst(%dma_wait3A_135 : memref<10000x128xf32, #tpu.memory_space<vmem_shared>>)
        tpu.yield
      }) : () -> ()
      %add3A_116 = arith.constant 4 : i32
      %add3A_117 = arith.addi %add3A_112, %add3A_116 : i32
      %lt3A_118 = arith.constant 78 : i32
      %lt3A_119 = arith.cmpi slt, %add3A_117, %lt3A_118 : i32
      %convert_element_type3A_120 = arith.extui %lt3A_119 : i1 to i32
      %cond3A_121 = arith.constant 0 : i32
      %cond3A_122 = arith.cmpi ne, %convert_element_type3A_120, %cond3A_121 : i32
      scf.if %cond3A_122 {
        %add3A_130 = arith.constant 4 : i32
        %add3A_131 = arith.addi %add3A_112, %add3A_130 : i32
        %mul3A_132 = arith.constant 128 : i32
        %mul3A_133 = arith.muli %add3A_131, %mul3A_132 : i32
        %add3A_134 = arith.addi %mul3A_2, %mul3A_133 : i32
        %dma_start3A_135 = tpu.memref_slice %arg3[%add3A_134] : memref<320000xi32, #tpu.memory_space<hbm>> -> memref<128xi32, #tpu.memory_space<hbm>>
        %dma_start3A_136 = tpu.memref_slice %arg3[%add3A_134] : memref<320000xi32, #tpu.memory_space<hbm>> -> memref<128xi32, #tpu.memory_space<hbm>>
        tpu.enqueue_dma source(%dma_start3A_136 : memref<128xi32, #tpu.memory_space<hbm>>) target(%arg14 : memref<128xi32, #tpu.memory_space<vmem>>) target_semaphore(%arg26 : memref<!tpu.dma_semaphore, #tpu.memory_space<semaphore_mem>>)
        %dma_start3A_137 = tpu.memref_slice %arg4[%add3A_134] : memref<320000xi32, #tpu.memory_space<hbm>> -> memref<128xi32, #tpu.memory_space<hbm>>
        %dma_start3A_138 = tpu.memref_slice %arg4[%add3A_134] : memref<320000xi32, #tpu.memory_space<hbm>> -> memref<128xi32, #tpu.memory_space<hbm>>
        tpu.enqueue_dma source(%dma_start3A_138 : memref<128xi32, #tpu.memory_space<hbm>>) target(%arg18 : memref<128xi32, #tpu.memory_space<vmem>>) target_semaphore(%arg26 : memref<!tpu.dma_semaphore, #tpu.memory_space<semaphore_mem>>)
      } else {
      }
      %add3A_123 = arith.constant 2 : i32
      %add3A_124 = arith.addi %add3A_112, %add3A_123 : i32
      %lt3A_125 = arith.constant 78 : i32
      %lt3A_126 = arith.cmpi slt, %add3A_124, %lt3A_125 : i32
      %convert_element_type3A_127 = arith.extui %lt3A_126 : i1 to i32
      %cond3A_128 = arith.constant 0 : i32
      %cond3A_129 = arith.cmpi ne, %convert_element_type3A_127, %cond3A_128 : i32
      scf.if %cond3A_129 {
        %add3A_130 = arith.constant 2 : i32
        %add3A_131 = arith.addi %add3A_112, %add3A_130 : i32
        %ge3A = arith.constant 4 : i32
        %ge3A_132 = arith.cmpi sge, %add3A_131, %ge3A : i32
        %convert_element_type3A_133 = arith.extui %ge3A_132 : i1 to i32
        %cond3A_134 = arith.constant 0 : i32
        %cond3A_135 = arith.cmpi ne, %convert_element_type3A_133, %cond3A_134 : i32
        scf.if %cond3A_135 {
          %add3A_139 = arith.constant 2 : i32
          %add3A_140 = arith.addi %add3A_112, %add3A_139 : i32
          %mul3A_141 = arith.constant 128 : i32
          %mul3A_142 = arith.muli %add3A_140, %mul3A_141 : i32
          %add3A_143 = arith.addi %mul3A_2, %mul3A_142 : i32
          %dma_wait3A_144 = tpu.memref_slice %arg3[%add3A_143] : memref<320000xi32, #tpu.memory_space<hbm>> -> memref<128xi32, #tpu.memory_space<hbm>>
          %dma_wait3A_145 = tpu.memref_slice %arg3[%add3A_143] : memref<320000xi32, #tpu.memory_space<hbm>> -> memref<128xi32, #tpu.memory_space<hbm>>
          tpu.wait_dma2 semaphore(%arg24 : memref<!tpu.dma_semaphore, #tpu.memory_space<semaphore_mem>>) src(%dma_wait3A_145 : memref<128xi32, #tpu.memory_space<hbm>>) dst(%arg12 : memref<128xi32, #tpu.memory_space<vmem>>)
          %dma_wait3A_146 = tpu.memref_slice %arg4[%add3A_143] : memref<320000xi32, #tpu.memory_space<hbm>> -> memref<128xi32, #tpu.memory_space<hbm>>
          %dma_wait3A_147 = tpu.memref_slice %arg4[%add3A_143] : memref<320000xi32, #tpu.memory_space<hbm>> -> memref<128xi32, #tpu.memory_space<hbm>>
          tpu.wait_dma2 semaphore(%arg24 : memref<!tpu.dma_semaphore, #tpu.memory_space<semaphore_mem>>) src(%dma_wait3A_147 : memref<128xi32, #tpu.memory_space<hbm>>) dst(%arg16 : memref<128xi32, #tpu.memory_space<vmem>>)
        } else {
        }
        %dma_start3A_136 = arith.constant 0 : i32
        %dma_start3A_137 = arith.constant 0 : i32
        %dma_start3A_138 = tpu.memref_slice %arg2[%dma_start3A_136, %dma_start3A_137] : memref<10000x128xf32, #tpu.memory_space<hbm>> -> memref<10000x128xf32, #tpu.memory_space<hbm>>
        tpu.enqueue_indirect_dma source(%dma_start3A_138 : memref<10000x128xf32, #tpu.memory_space<hbm>>) target(%arg20 : memref<128x128xf32, #tpu.memory_space<vmem>>) offsets(%arg12 : memref<128xi32, #tpu.memory_space<vmem>>) semaphore(%arg22 : memref<!tpu.dma_semaphore, #tpu.memory_space<semaphore_mem>>)
      } else {
      }
    }
    %scan3A_34 = arith.constant 19 : i32
    %dma_wait3A = arith.constant 0 : i32
    %dma_wait3A_35 = arith.constant 0 : i32
    %dma_wait3A_36 = tpu.memref_slice %arg2[%dma_wait3A, %dma_wait3A_35] : memref<10000x128xf32, #tpu.memory_space<hbm>> -> memref<10000x128xf32, #tpu.memory_space<hbm>>
    tpu.wait_indirect_dma semaphore(%arg21 : memref<!tpu.dma_semaphore, #tpu.memory_space<semaphore_mem>>) src(%dma_wait3A_36 : memref<10000x128xf32, #tpu.memory_space<hbm>>) dst(%arg19 : memref<128x128xf32, #tpu.memory_space<vmem>>)
    "tpu.region"() ({
      %run_scoped3A = tpu.sem_alloc : memref<!tpu.dma_semaphore, #tpu.memory_space<semaphore_mem>>
      %dma_start3A_52 = arith.constant 0 : i32
      %dma_start3A_53 = arith.constant 0 : i32
      %dma_start3A_54 = tpu.memref_slice %arg7[%dma_start3A_52, %dma_start3A_53] : memref<10000x128xf32, #tpu.memory_space<vmem_shared>> -> memref<10000x128xf32, #tpu.memory_space<vmem_shared>>
      tpu.enqueue_indirect_dma source(%arg19 : memref<128x128xf32, #tpu.memory_space<vmem>>) target(%dma_start3A_54 : memref<10000x128xf32, #tpu.memory_space<vmem_shared>>) offsets(%arg15 : memref<128xi32, #tpu.memory_space<vmem>>) semaphore(%run_scoped3A : memref<!tpu.dma_semaphore, #tpu.memory_space<semaphore_mem>>) {add = true}
      %dma_wait3A_55 = arith.constant 0 : i32
      %dma_wait3A_56 = arith.constant 0 : i32
      %dma_wait3A_57 = tpu.memref_slice %arg7[%dma_wait3A_55, %dma_wait3A_56] : memref<10000x128xf32, #tpu.memory_space<vmem_shared>> -> memref<10000x128xf32, #tpu.memory_space<vmem_shared>>
      tpu.wait_indirect_dma semaphore(%run_scoped3A : memref<!tpu.dma_semaphore, #tpu.memory_space<semaphore_mem>>) src(%arg19 : memref<128x128xf32, #tpu.memory_space<vmem>>) dst(%dma_wait3A_57 : memref<10000x128xf32, #tpu.memory_space<vmem_shared>>)
      tpu.yield
    }) : () -> ()
    %dma_wait3A_37 = arith.constant 0 : i32
    %dma_wait3A_38 = arith.constant 0 : i32
    %dma_wait3A_39 = tpu.memref_slice %arg2[%dma_wait3A_37, %dma_wait3A_38] : memref<10000x128xf32, #tpu.memory_space<hbm>> -> memref<10000x128xf32, #tpu.memory_space<hbm>>
    tpu.wait_indirect_dma semaphore(%arg22 : memref<!tpu.dma_semaphore, #tpu.memory_space<semaphore_mem>>) src(%dma_wait3A_39 : memref<10000x128xf32, #tpu.memory_space<hbm>>) dst(%arg20 : memref<128x128xf32, #tpu.memory_space<vmem>>)
    "tpu.region"() ({
      %run_scoped3A = tpu.sem_alloc : memref<!tpu.dma_semaphore, #tpu.memory_space<semaphore_mem>>
      %dma_start3A_52 = arith.constant 0 : i32
      %dma_start3A_53 = arith.constant 0 : i32
      %dma_start3A_54 = tpu.memref_slice %arg7[%dma_start3A_52, %dma_start3A_53] : memref<10000x128xf32, #tpu.memory_space<vmem_shared>> -> memref<10000x128xf32, #tpu.memory_space<vmem_shared>>
      tpu.enqueue_indirect_dma source(%arg20 : memref<128x128xf32, #tpu.memory_space<vmem>>) target(%dma_start3A_54 : memref<10000x128xf32, #tpu.memory_space<vmem_shared>>) offsets(%arg16 : memref<128xi32, #tpu.memory_space<vmem>>) semaphore(%run_scoped3A : memref<!tpu.dma_semaphore, #tpu.memory_space<semaphore_mem>>) {add = true}
      %dma_wait3A_55 = arith.constant 0 : i32
      %dma_wait3A_56 = arith.constant 0 : i32
      %dma_wait3A_57 = tpu.memref_slice %arg7[%dma_wait3A_55, %dma_wait3A_56] : memref<10000x128xf32, #tpu.memory_space<vmem_shared>> -> memref<10000x128xf32, #tpu.memory_space<vmem_shared>>
      tpu.wait_indirect_dma semaphore(%run_scoped3A : memref<!tpu.dma_semaphore, #tpu.memory_space<semaphore_mem>>) src(%arg20 : memref<128x128xf32, #tpu.memory_space<vmem>>) dst(%dma_wait3A_57 : memref<10000x128xf32, #tpu.memory_space<vmem_shared>>)
      tpu.yield
    }) : () -> ()
    %add3A_40 = arith.constant 9984 : i32
    %add3A_41 = arith.addi %mul3A_2, %add3A_40 : i32
    "tpu.region"() ({
      %run_scoped3A = tpu.sem_alloc : memref<!tpu.dma_semaphore, #tpu.memory_space<semaphore_mem>>
      %dma_start3A_52 = tpu.memref_slice %arg3[%add3A_41] : memref<320000xi32, #tpu.memory_space<hbm>> -> memref<16xi32, #tpu.memory_space<hbm>>
      %dma_start3A_53 = tpu.memref_slice %arg3[%add3A_41] : memref<320000xi32, #tpu.memory_space<hbm>> -> memref<16xi32, #tpu.memory_space<hbm>>
      tpu.enqueue_dma source(%dma_start3A_53 : memref<16xi32, #tpu.memory_space<hbm>>) target(%arg8 : memref<16xi32, #tpu.memory_space<vmem>>) target_semaphore(%run_scoped3A : memref<!tpu.dma_semaphore, #tpu.memory_space<semaphore_mem>>)
      %dma_wait3A_54 = tpu.memref_slice %arg3[%add3A_41] : memref<320000xi32, #tpu.memory_space<hbm>> -> memref<16xi32, #tpu.memory_space<hbm>>
      %dma_wait3A_55 = tpu.memref_slice %arg3[%add3A_41] : memref<320000xi32, #tpu.memory_space<hbm>> -> memref<16xi32, #tpu.memory_space<hbm>>
      tpu.wait_dma2 semaphore(%run_scoped3A : memref<!tpu.dma_semaphore, #tpu.memory_space<semaphore_mem>>) src(%dma_wait3A_55 : memref<16xi32, #tpu.memory_space<hbm>>) dst(%arg8 : memref<16xi32, #tpu.memory_space<vmem>>)
      tpu.yield
    }) : () -> ()
    "tpu.region"() ({
      %run_scoped3A = tpu.sem_alloc : memref<!tpu.dma_semaphore, #tpu.memory_space<semaphore_mem>>
      %dma_start3A_52 = tpu.memref_slice %arg4[%add3A_41] : memref<320000xi32, #tpu.memory_space<hbm>> -> memref<16xi32, #tpu.memory_space<hbm>>
      %dma_start3A_53 = tpu.memref_slice %arg4[%add3A_41] : memref<320000xi32, #tpu.memory_space<hbm>> -> memref<16xi32, #tpu.memory_space<hbm>>
      tpu.enqueue_dma source(%dma_start3A_53 : memref<16xi32, #tpu.memory_space<hbm>>) target(%arg9 : memref<16xi32, #tpu.memory_space<vmem>>) target_semaphore(%run_scoped3A : memref<!tpu.dma_semaphore, #tpu.memory_space<semaphore_mem>>)
      %dma_wait3A_54 = tpu.memref_slice %arg4[%add3A_41] : memref<320000xi32, #tpu.memory_space<hbm>> -> memref<16xi32, #tpu.memory_space<hbm>>
      %dma_wait3A_55 = tpu.memref_slice %arg4[%add3A_41] : memref<320000xi32, #tpu.memory_space<hbm>> -> memref<16xi32, #tpu.memory_space<hbm>>
      tpu.wait_dma2 semaphore(%run_scoped3A : memref<!tpu.dma_semaphore, #tpu.memory_space<semaphore_mem>>) src(%dma_wait3A_55 : memref<16xi32, #tpu.memory_space<hbm>>) dst(%arg9 : memref<16xi32, #tpu.memory_space<vmem>>)
      tpu.yield
    }) : () -> ()
    "tpu.region"() ({
      %run_scoped3A = tpu.sem_alloc : memref<!tpu.dma_semaphore, #tpu.memory_space<semaphore_mem>>
      %dma_start3A_52 = arith.constant 0 : i32
      %dma_start3A_53 = arith.constant 0 : i32
      %dma_start3A_54 = tpu.memref_slice %arg2[%dma_start3A_52, %dma_start3A_53] : memref<10000x128xf32, #tpu.memory_space<hbm>> -> memref<10000x128xf32, #tpu.memory_space<hbm>>
      tpu.enqueue_indirect_dma source(%dma_start3A_54 : memref<10000x128xf32, #tpu.memory_space<hbm>>) target(%arg10 : memref<16x128xf32, #tpu.memory_space<vmem>>) offsets(%arg8 : memref<16xi32, #tpu.memory_space<vmem>>) semaphore(%run_scoped3A : memref<!tpu.dma_semaphore, #tpu.memory_space<semaphore_mem>>)
      %dma_wait3A_55 = arith.constant 0 : i32
      %dma_wait3A_56 = arith.constant 0 : i32
      %dma_wait3A_57 = tpu.memref_slice %arg2[%dma_wait3A_55, %dma_wait3A_56] : memref<10000x128xf32, #tpu.memory_space<hbm>> -> memref<10000x128xf32, #tpu.memory_space<hbm>>
      tpu.wait_indirect_dma semaphore(%run_scoped3A : memref<!tpu.dma_semaphore, #tpu.memory_space<semaphore_mem>>) src(%dma_wait3A_57 : memref<10000x128xf32, #tpu.memory_space<hbm>>) dst(%arg10 : memref<16x128xf32, #tpu.memory_space<vmem>>)
      tpu.yield
    }) : () -> ()
    "tpu.region"() ({
      %run_scoped3A = tpu.sem_alloc : memref<!tpu.dma_semaphore, #tpu.memory_space<semaphore_mem>>
      %dma_start3A_52 = arith.constant 0 : i32
      %dma_start3A_53 = arith.constant 0 : i32
      %dma_start3A_54 = tpu.memref_slice %arg7[%dma_start3A_52, %dma_start3A_53] : memref<10000x128xf32, #tpu.memory_space<vmem_shared>> -> memref<10000x128xf32, #tpu.memory_space<vmem_shared>>
      tpu.enqueue_indirect_dma source(%arg10 : memref<16x128xf32, #tpu.memory_space<vmem>>) target(%dma_start3A_54 : memref<10000x128xf32, #tpu.memory_space<vmem_shared>>) offsets(%arg9 : memref<16xi32, #tpu.memory_space<vmem>>) semaphore(%run_scoped3A : memref<!tpu.dma_semaphore, #tpu.memory_space<semaphore_mem>>) {add = true}
      %dma_wait3A_55 = arith.constant 0 : i32
      %dma_wait3A_56 = arith.constant 0 : i32
      %dma_wait3A_57 = tpu.memref_slice %arg7[%dma_wait3A_55, %dma_wait3A_56] : memref<10000x128xf32, #tpu.memory_space<vmem_shared>> -> memref<10000x128xf32, #tpu.memory_space<vmem_shared>>
      tpu.wait_indirect_dma semaphore(%run_scoped3A : memref<!tpu.dma_semaphore, #tpu.memory_space<semaphore_mem>>) src(%arg10 : memref<16x128xf32, #tpu.memory_space<vmem>>) dst(%dma_wait3A_57 : memref<10000x128xf32, #tpu.memory_space<vmem_shared>>)
      tpu.yield
    }) : () -> ()
    %barrier3A_42 = arith.constant 0 : index
    tpu.barrier barrier_id(%barrier3A_42)
    %mul3A_43 = arith.constant 624 : i32
    %mul3A_44 = arith.muli %arg1, %mul3A_43 : i32
    %mul3A_45 = arith.constant 624 : i32
    %mul3A_46 = arith.muli %arg1, %mul3A_45 : i32
    "tpu.region"() ({
      %run_scoped3A = tpu.sem_alloc : memref<!tpu.dma_semaphore, #tpu.memory_space<semaphore_mem>>
      %dma_start3A_52 = arith.constant 0 : i32
      %dma_start3A_53 = tpu.memref_slice %arg6[%arg0, %mul3A_46, %dma_start3A_52] : memref<2x10000x128xf32, #tpu.memory_space<hbm>> -> memref<1x624x128xf32, #tpu.memory_space<hbm>>
      %dma_start3A_54 = tpu.memref_squeeze %dma_start3A_53 : memref<1x624x128xf32, #tpu.memory_space<hbm>> -> memref<624x128xf32, #tpu.memory_space<hbm>>
      %dma_start3A_55 = arith.constant 0 : i32
      %dma_start3A_56 = tpu.memref_slice %arg7[%mul3A_44, %dma_start3A_55] : memref<10000x128xf32, #tpu.memory_space<vmem_shared>> -> memref<624x128xf32, #tpu.memory_space<vmem_shared>>
      tpu.enqueue_dma source(%dma_start3A_56 : memref<624x128xf32, #tpu.memory_space<vmem_shared>>) target(%dma_start3A_54 : memref<624x128xf32, #tpu.memory_space<hbm>>) target_semaphore(%run_scoped3A : memref<!tpu.dma_semaphore, #tpu.memory_space<semaphore_mem>>)
      %dma_wait3A_57 = arith.constant 0 : i32
      %dma_wait3A_58 = tpu.memref_slice %arg6[%arg0, %mul3A_46, %dma_wait3A_57] : memref<2x10000x128xf32, #tpu.memory_space<hbm>> -> memref<1x624x128xf32, #tpu.memory_space<hbm>>
      %dma_wait3A_59 = tpu.memref_squeeze %dma_wait3A_58 : memref<1x624x128xf32, #tpu.memory_space<hbm>> -> memref<624x128xf32, #tpu.memory_space<hbm>>
      %dma_wait3A_60 = arith.constant 0 : i32
      %dma_wait3A_61 = tpu.memref_slice %arg7[%mul3A_44, %dma_wait3A_60] : memref<10000x128xf32, #tpu.memory_space<vmem_shared>> -> memref<624x128xf32, #tpu.memory_space<vmem_shared>>
      tpu.wait_dma2 semaphore(%run_scoped3A : memref<!tpu.dma_semaphore, #tpu.memory_space<semaphore_mem>>) src(%dma_wait3A_61 : memref<624x128xf32, #tpu.memory_space<vmem_shared>>) dst(%dma_wait3A_59 : memref<624x128xf32, #tpu.memory_space<hbm>>)
      tpu.yield
    }) : () -> ()
    %eq3A_47 = arith.constant 0 : i32
    %eq3A_48 = arith.cmpi eq, %arg1, %eq3A_47 : i32
    %convert_element_type3A_49 = arith.extui %eq3A_48 : i1 to i32
    %cond3A_50 = arith.constant 0 : i32
    %cond3A_51 = arith.cmpi ne, %convert_element_type3A_49, %cond3A_50 : i32
    scf.if %cond3A_51 {
      "tpu.region"() ({
        %run_scoped3A = tpu.sem_alloc : memref<!tpu.dma_semaphore, #tpu.memory_space<semaphore_mem>>
        %dma_start3A_52 = arith.constant 9984 : i32
        %dma_start3A_53 = arith.constant 0 : i32
        %dma_start3A_54 = tpu.memref_slice %arg6[%arg0, %dma_start3A_52, %dma_start3A_53] : memref<2x10000x128xf32, #tpu.memory_space<hbm>> -> memref<1x16x128xf32, #tpu.memory_space<hbm>>
        %dma_start3A_55 = tpu.memref_squeeze %dma_start3A_54 : memref<1x16x128xf32, #tpu.memory_space<hbm>> -> memref<16x128xf32, #tpu.memory_space<hbm>>
        %dma_start3A_56 = arith.constant 9984 : i32
        %dma_start3A_57 = arith.constant 0 : i32
        %dma_start3A_58 = tpu.memref_slice %arg7[%dma_start3A_56, %dma_start3A_57] : memref<10000x128xf32, #tpu.memory_space<vmem_shared>> -> memref<16x128xf32, #tpu.memory_space<vmem_shared>>
        tpu.enqueue_dma source(%dma_start3A_58 : memref<16x128xf32, #tpu.memory_space<vmem_shared>>) target(%dma_start3A_55 : memref<16x128xf32, #tpu.memory_space<hbm>>) target_semaphore(%run_scoped3A : memref<!tpu.dma_semaphore, #tpu.memory_space<semaphore_mem>>)
        %dma_wait3A_59 = arith.constant 9984 : i32
        %dma_wait3A_60 = arith.constant 0 : i32
        %dma_wait3A_61 = tpu.memref_slice %arg6[%arg0, %dma_wait3A_59, %dma_wait3A_60] : memref<2x10000x128xf32, #tpu.memory_space<hbm>> -> memref<1x16x128xf32, #tpu.memory_space<hbm>>
        %dma_wait3A_62 = tpu.memref_squeeze %dma_wait3A_61 : memref<1x16x128xf32, #tpu.memory_space<hbm>> -> memref<16x128xf32, #tpu.memory_space<hbm>>
        %dma_wait3A_63 = arith.constant 9984 : i32
        %dma_wait3A_64 = arith.constant 0 : i32
        %dma_wait3A_65 = tpu.memref_slice %arg7[%dma_wait3A_63, %dma_wait3A_64] : memref<10000x128xf32, #tpu.memory_space<vmem_shared>> -> memref<16x128xf32, #tpu.memory_space<vmem_shared>>
        tpu.wait_dma2 semaphore(%run_scoped3A : memref<!tpu.dma_semaphore, #tpu.memory_space<semaphore_mem>>) src(%dma_wait3A_65 : memref<16x128xf32, #tpu.memory_space<vmem_shared>>) dst(%dma_wait3A_62 : memref<16x128xf32, #tpu.memory_space<hbm>>)
        tpu.yield
      }) : () -> ()
    } else {
    }
    return
  }
}

module attributes {stable_mosaic.version = 14 : i64} {
  func.func @body(%arg0: memref<10000x128xf32, #tpu.memory_space<vmem>>, %arg1: memref<128x128xf32, #tpu.memory_space<vmem>>, %arg2: memref<10000x128xf32, #tpu.memory_space<vmem>>) attributes {dimension_semantics = [], scalar_prefetch = 0 : i64, scratch_operands = 0 : i64, tpu.core_type = #tpu.core_type<tc>} {
    %get3A = arith.constant 0 : index
    %get3A_0 = arith.constant 0 : index
    %get3A_1 = vector.load %arg0[%get3A, %get3A_0] : memref<10000x128xf32, #tpu.memory_space<vmem>>, vector<10000x128xf32>
    %get3A_2 = arith.constant 0 : index
    %get3A_3 = arith.constant 0 : index
    %get3A_4 = vector.load %arg1[%get3A_2, %get3A_3] : memref<128x128xf32, #tpu.memory_space<vmem>>, vector<128x128xf32>
    %dot_general3A = arith.constant dense<0.000000e+00> : vector<10000x128xf32>
    %dot_general3A_5 = tpu.matmul %get3A_1, %get3A_4, %dot_general3A {dimension_numbers = #tpu.dot_dimension_numbers<[1], [0], [0], [1], [0, 0, 1, 1], [], []>, transpose_lhs_hint = false} : vector<10000x128xf32>, vector<128x128xf32>, vector<10000x128xf32> -> vector<10000x128xf32>
    %swap3A = arith.constant 0 : index
    %swap3A_6 = arith.constant 0 : index
    %swap3A_7 = vector.load %arg2[%swap3A, %swap3A_6] : memref<10000x128xf32, #tpu.memory_space<vmem>>, vector<10000x128xf32>
    tpu.vector_store %arg2[%swap3A, %swap3A_6], %dot_general3A_5 {strides = array<i32>} : memref<10000x128xf32, #tpu.memory_space<vmem>>, vector<10000x128xf32>,
    return
  }
}

module attributes {stable_mosaic.version = 14 : i64} {
  func.func @body(%arg0: memref<10000x128xf32, #tpu.memory_space<vmem>>, %arg1: memref<2x10112xf32, #tpu.memory_space<vmem>>, %arg2: memref<10000x128xf32, #tpu.memory_space<vmem>>) attributes {dimension_semantics = [], scalar_prefetch = 0 : i64, scratch_operands = 0 : i64, tpu.core_type = #tpu.core_type<tc>} {
    %get3A = arith.constant 0 : index
    %get3A_0 = arith.constant 0 : index
    %get3A_1 = vector.load %arg0[%get3A, %get3A_0] : memref<10000x128xf32, #tpu.memory_space<vmem>>, vector<10000x128xf32>
    %get3A_2 = arith.constant 0 : index
    %get3A_3 = arith.constant 0 : index
    %get3A_4 = vector.load %arg1[%get3A_2, %get3A_3] : memref<2x10112xf32, #tpu.memory_space<vmem>>, vector<1x10112xf32>
    %get3A_5 = arith.constant 1 : index
    %get3A_6 = arith.constant 0 : index
    %get3A_7 = vector.load %arg1[%get3A_5, %get3A_6] : memref<2x10112xf32, #tpu.memory_space<vmem>>, vector<1x10112xf32>
    %add3A = arith.addf %get3A_4, %get3A_7 : vector<1x10112xf32>
    %add3A_8 = arith.constant 1.000000e+00 : f32
    %add3A_9 = vector.broadcast %add3A_8 : f32 to vector<1x10112xf32>
    %add3A_10 = arith.addf %add3A, %add3A_9 : vector<1x10112xf32>
    %rsqrt3A = math.rsqrt %add3A_10 : vector<1x10112xf32>
    %transpose3A = tpu.transpose %rsqrt3A, [1, 0] : vector<1x10112xf32> -> vector<10112x1xf32>
    %slice3A = vector.extract_strided_slice %transpose3A {offsets = [0, 0], sizes = [10000, 1], strides = [1, 1]} : vector<10112x1xf32> to vector<10000x1xf32>
    %mul3A = vector.broadcast %slice3A : vector<10000x1xf32> to vector<10000x128xf32>
    %mul3A_11 = arith.mulf %get3A_1, %mul3A : vector<10000x128xf32>
    %swap3A = arith.constant 0 : index
    %swap3A_12 = arith.constant 0 : index
    %swap3A_13 = vector.load %arg2[%swap3A, %swap3A_12] : memref<10000x128xf32, #tpu.memory_space<vmem>>, vector<10000x128xf32>
    tpu.vector_store %arg2[%swap3A, %swap3A_12], %mul3A_11 {strides = array<i32>} : memref<10000x128xf32, #tpu.memory_space<vmem>>, vector<10000x128xf32>,
    return
  }
}

module attributes {stable_mosaic.version = 14 : i64} {
  func.func @body(%arg0: memref<2x10000x128xf32, #tpu.memory_space<vmem>>, %arg1: memref<10000x128xf32, #tpu.memory_space<vmem>>, %arg2: memref<2x10112xf32, #tpu.memory_space<vmem>>, %arg3: memref<1x128xf32, #tpu.memory_space<vmem>>, %arg4: memref<1x128xf32, #tpu.memory_space<vmem>>, %arg5: memref<1x128xf32, #tpu.memory_space<vmem>>, %arg6: memref<1x128xf32, #tpu.memory_space<vmem>>, %arg7: memref<128x128xf32, #tpu.memory_space<vmem>>, %arg8: memref<10000x128xf32, #tpu.memory_space<vmem>>, %arg9: memref<10000x128xf32, #tpu.memory_space<vmem>>) attributes {dimension_semantics = [], scalar_prefetch = 0 : i64, scratch_operands = 0 : i64, tpu.core_type = #tpu.core_type<tc>} {
    %get3A = arith.constant 0 : index
    %get3A_0 = arith.constant 0 : index
    %get3A_1 = vector.load %arg2[%get3A, %get3A_0] : memref<2x10112xf32, #tpu.memory_space<vmem>>, vector<1x10112xf32>
    %get3A_2 = arith.constant 1 : index
    %get3A_3 = arith.constant 0 : index
    %get3A_4 = vector.load %arg2[%get3A_2, %get3A_3] : memref<2x10112xf32, #tpu.memory_space<vmem>>, vector<1x10112xf32>
    %add3A = arith.addf %get3A_1, %get3A_4 : vector<1x10112xf32>
    %add3A_5 = arith.constant 1.000000e+00 : f32
    %add3A_6 = vector.broadcast %add3A_5 : f32 to vector<1x10112xf32>
    %add3A_7 = arith.addf %add3A, %add3A_6 : vector<1x10112xf32>
    %rsqrt3A = math.rsqrt %add3A_7 : vector<1x10112xf32>
    %transpose3A = tpu.transpose %rsqrt3A, [1, 0] : vector<1x10112xf32> -> vector<10112x1xf32>
    %slice3A = vector.extract_strided_slice %transpose3A {offsets = [0, 0], sizes = [10000, 1], strides = [1, 1]} : vector<10112x1xf32> to vector<10000x1xf32>
    %get3A_8 = arith.constant 0 : index
    %get3A_9 = arith.constant 0 : index
    %get3A_10 = arith.constant 0 : index
    %get3A_11 = vector.load %arg0[%get3A_8, %get3A_9, %get3A_10] : memref<2x10000x128xf32, #tpu.memory_space<vmem>>, vector<1x10000x128xf32>
    %get3A_12 = vector.shape_cast %get3A_11 : vector<1x10000x128xf32> to vector<10000x128xf32>
    %get3A_13 = arith.constant 1 : index
    %get3A_14 = arith.constant 0 : index
    %get3A_15 = arith.constant 0 : index
    %get3A_16 = vector.load %arg0[%get3A_13, %get3A_14, %get3A_15] : memref<2x10000x128xf32, #tpu.memory_space<vmem>>, vector<1x10000x128xf32>
    %get3A_17 = vector.shape_cast %get3A_16 : vector<1x10000x128xf32> to vector<10000x128xf32>
    %add3A_18 = arith.addf %get3A_12, %get3A_17 : vector<10000x128xf32>
    %get3A_19 = arith.constant 0 : index
    %get3A_20 = arith.constant 0 : index
    %get3A_21 = vector.load %arg1[%get3A_19, %get3A_20] : memref<10000x128xf32, #tpu.memory_space<vmem>>, vector<10000x128xf32>
    %add3A_22 = arith.addf %add3A_18, %get3A_21 : vector<10000x128xf32>
    %mul3A = vector.broadcast %slice3A : vector<10000x1xf32> to vector<10000x128xf32>
    %mul3A_23 = arith.mulf %mul3A, %add3A_22 : vector<10000x128xf32>
    %get3A_24 = arith.constant 0 : index
    %get3A_25 = arith.constant 0 : index
    %get3A_26 = vector.load %arg3[%get3A_24, %get3A_25] : memref<1x128xf32, #tpu.memory_space<vmem>>, vector<1x128xf32>
    %add3A_27 = vector.broadcast %get3A_26 : vector<1x128xf32> to vector<10000x128xf32>
    %add3A_28 = arith.addf %mul3A_23, %add3A_27 : vector<10000x128xf32>
    %reduce_sum3A = arith.constant dense<0.000000e+00> : vector<128xf32>
    %reduce_sum3A_29 = vector.multi_reduction <add>, %add3A_28, %reduce_sum3A [0] : vector<10000x128xf32> to vector<128xf32>
    %broadcast_in_dim3A = vector.shape_cast %reduce_sum3A_29 : vector<128xf32> to vector<1x128xf32>
    %div3A = arith.constant 1.000000e+04 : f32
    %div3A_30 = vector.broadcast %div3A : f32 to vector<1x128xf32>
    %div3A_31 = arith.divf %broadcast_in_dim3A, %div3A_30 : vector<1x128xf32>
    %get3A_32 = arith.constant 0 : index
    %get3A_33 = arith.constant 0 : index
    %get3A_34 = vector.load %arg6[%get3A_32, %get3A_33] : memref<1x128xf32, #tpu.memory_space<vmem>>, vector<1x128xf32>
    %mul3A_35 = arith.mulf %get3A_34, %div3A_31 : vector<1x128xf32>
    %sub3A = vector.broadcast %mul3A_35 : vector<1x128xf32> to vector<10000x128xf32>
    %sub3A_36 = arith.subf %add3A_28, %sub3A : vector<10000x128xf32>
    %mul3A_37 = arith.mulf %sub3A_36, %sub3A_36 : vector<10000x128xf32>
    %reduce_sum3A_38 = arith.constant dense<0.000000e+00> : vector<128xf32>
    %reduce_sum3A_39 = vector.multi_reduction <add>, %mul3A_37, %reduce_sum3A_38 [0] : vector<10000x128xf32> to vector<128xf32>
    %broadcast_in_dim3A_40 = vector.shape_cast %reduce_sum3A_39 : vector<128xf32> to vector<1x128xf32>
    %div3A_41 = arith.constant 1.000000e+04 : f32
    %div3A_42 = vector.broadcast %div3A_41 : f32 to vector<1x128xf32>
    %div3A_43 = arith.divf %broadcast_in_dim3A_40, %div3A_42 : vector<1x128xf32>
    %get3A_44 = arith.constant 0 : index
    %get3A_45 = arith.constant 0 : index
    %get3A_46 = vector.load %arg4[%get3A_44, %get3A_45] : memref<1x128xf32, #tpu.memory_space<vmem>>, vector<1x128xf32>
    %mul3A_47 = vector.broadcast %get3A_46 : vector<1x128xf32> to vector<10000x128xf32>
    %mul3A_48 = arith.mulf %mul3A_47, %sub3A_36 : vector<10000x128xf32>
    %add3A_49 = arith.constant 9.99999974E-6 : f32
    %add3A_50 = vector.broadcast %add3A_49 : f32 to vector<1x128xf32>
    %add3A_51 = arith.addf %div3A_43, %add3A_50 : vector<1x128xf32>
    %rsqrt3A_52 = math.rsqrt %add3A_51 : vector<1x128xf32>
    %mul3A_53 = vector.broadcast %rsqrt3A_52 : vector<1x128xf32> to vector<10000x128xf32>
    %mul3A_54 = arith.mulf %mul3A_48, %mul3A_53 : vector<10000x128xf32>
    %get3A_55 = arith.constant 0 : index
    %get3A_56 = arith.constant 0 : index
    %get3A_57 = vector.load %arg5[%get3A_55, %get3A_56] : memref<1x128xf32, #tpu.memory_space<vmem>>, vector<1x128xf32>
    %add3A_58 = vector.broadcast %get3A_57 : vector<1x128xf32> to vector<10000x128xf32>
    %add3A_59 = arith.addf %mul3A_54, %add3A_58 : vector<10000x128xf32>
    %max3A = arith.constant 0.000000e+00 : f32
    %max3A_60 = vector.broadcast %max3A : f32 to vector<10000x128xf32>
    %max3A_61 = arith.maximumf %add3A_59, %max3A_60 : vector<10000x128xf32>
    %swap3A = arith.constant 0 : index
    %swap3A_62 = arith.constant 0 : index
    %swap3A_63 = vector.load %arg8[%swap3A, %swap3A_62] : memref<10000x128xf32, #tpu.memory_space<vmem>>, vector<10000x128xf32>
    tpu.vector_store %arg8[%swap3A, %swap3A_62], %max3A_61 {strides = array<i32>} : memref<10000x128xf32, #tpu.memory_space<vmem>>, vector<10000x128xf32>,
    %get3A_64 = arith.constant 0 : index
    %get3A_65 = arith.constant 0 : index
    %get3A_66 = vector.load %arg7[%get3A_64, %get3A_65] : memref<128x128xf32, #tpu.memory_space<vmem>>, vector<128x128xf32>
    %dot_general3A = arith.constant dense<0.000000e+00> : vector<10000x128xf32>
    %dot_general3A_67 = tpu.matmul %max3A_61, %get3A_66, %dot_general3A {dimension_numbers = #tpu.dot_dimension_numbers<[1], [0], [0], [1], [0, 0, 1, 1], [], []>, transpose_lhs_hint = false} : vector<10000x128xf32>, vector<128x128xf32>, vector<10000x128xf32> -> vector<10000x128xf32>
    %mul3A_68 = vector.broadcast %slice3A : vector<10000x1xf32> to vector<10000x128xf32>
    %mul3A_69 = arith.mulf %dot_general3A_67, %mul3A_68 : vector<10000x128xf32>
    %swap3A_70 = arith.constant 0 : index
    %swap3A_71 = arith.constant 0 : index
    %swap3A_72 = vector.load %arg9[%swap3A_70, %swap3A_71] : memref<10000x128xf32, #tpu.memory_space<vmem>>, vector<10000x128xf32>
    tpu.vector_store %arg9[%swap3A_70, %swap3A_71], %mul3A_69 {strides = array<i32>} : memref<10000x128xf32, #tpu.memory_space<vmem>>, vector<10000x128xf32>,
    return
  }
}

module attributes {stable_mosaic.version = 14 : i64} {
  func.func @body(%arg0: memref<2x10000x128xf32, #tpu.memory_space<vmem>>, %arg1: memref<10000x128xf32, #tpu.memory_space<vmem>>, %arg2: memref<2x10112xf32, #tpu.memory_space<vmem>>, %arg3: memref<1x128xf32, #tpu.memory_space<vmem>>, %arg4: memref<1x128xf32, #tpu.memory_space<vmem>>, %arg5: memref<1x128xf32, #tpu.memory_space<vmem>>, %arg6: memref<1x128xf32, #tpu.memory_space<vmem>>, %arg7: memref<10000x128xf32, #tpu.memory_space<vmem>>, %arg8: memref<128x128xf32, #tpu.memory_space<vmem>>, %arg9: memref<1x128xf32, #tpu.memory_space<vmem>>, %arg10: memref<10000x128xf32, #tpu.memory_space<vmem>>) attributes {dimension_semantics = [], scalar_prefetch = 0 : i64, scratch_operands = 0 : i64, tpu.core_type = #tpu.core_type<tc>} {
    %get3A = arith.constant 0 : index
    %get3A_0 = arith.constant 0 : index
    %get3A_1 = arith.constant 0 : index
    %get3A_2 = vector.load %arg0[%get3A, %get3A_0, %get3A_1] : memref<2x10000x128xf32, #tpu.memory_space<vmem>>, vector<1x10000x128xf32>
    %get3A_3 = vector.shape_cast %get3A_2 : vector<1x10000x128xf32> to vector<10000x128xf32>
    %get3A_4 = arith.constant 1 : index
    %get3A_5 = arith.constant 0 : index
    %get3A_6 = arith.constant 0 : index
    %get3A_7 = vector.load %arg0[%get3A_4, %get3A_5, %get3A_6] : memref<2x10000x128xf32, #tpu.memory_space<vmem>>, vector<1x10000x128xf32>
    %get3A_8 = vector.shape_cast %get3A_7 : vector<1x10000x128xf32> to vector<10000x128xf32>
    %add3A = arith.addf %get3A_3, %get3A_8 : vector<10000x128xf32>
    %get3A_9 = arith.constant 0 : index
    %get3A_10 = arith.constant 0 : index
    %get3A_11 = vector.load %arg1[%get3A_9, %get3A_10] : memref<10000x128xf32, #tpu.memory_space<vmem>>, vector<10000x128xf32>
    %add3A_12 = arith.addf %add3A, %get3A_11 : vector<10000x128xf32>
    %get3A_13 = arith.constant 0 : index
    %get3A_14 = arith.constant 0 : index
    %get3A_15 = vector.load %arg2[%get3A_13, %get3A_14] : memref<2x10112xf32, #tpu.memory_space<vmem>>, vector<1x10112xf32>
    %get3A_16 = arith.constant 1 : index
    %get3A_17 = arith.constant 0 : index
    %get3A_18 = vector.load %arg2[%get3A_16, %get3A_17] : memref<2x10112xf32, #tpu.memory_space<vmem>>, vector<1x10112xf32>
    %add3A_19 = arith.addf %get3A_15, %get3A_18 : vector<1x10112xf32>
    %add3A_20 = arith.constant 1.000000e+00 : f32
    %add3A_21 = vector.broadcast %add3A_20 : f32 to vector<1x10112xf32>
    %add3A_22 = arith.addf %add3A_19, %add3A_21 : vector<1x10112xf32>
    %rsqrt3A = math.rsqrt %add3A_22 : vector<1x10112xf32>
    %transpose3A = tpu.transpose %rsqrt3A, [1, 0] : vector<1x10112xf32> -> vector<10112x1xf32>
    %slice3A = vector.extract_strided_slice %transpose3A {offsets = [0, 0], sizes = [10000, 1], strides = [1, 1]} : vector<10112x1xf32> to vector<10000x1xf32>
    %mul3A = vector.broadcast %slice3A : vector<10000x1xf32> to vector<10000x128xf32>
    %mul3A_23 = arith.mulf %mul3A, %add3A_12 : vector<10000x128xf32>
    %get3A_24 = arith.constant 0 : index
    %get3A_25 = arith.constant 0 : index
    %get3A_26 = vector.load %arg3[%get3A_24, %get3A_25] : memref<1x128xf32, #tpu.memory_space<vmem>>, vector<1x128xf32>
    %add3A_27 = vector.broadcast %get3A_26 : vector<1x128xf32> to vector<10000x128xf32>
    %add3A_28 = arith.addf %mul3A_23, %add3A_27 : vector<10000x128xf32>
    %reduce_sum3A = arith.constant dense<0.000000e+00> : vector<128xf32>
    %reduce_sum3A_29 = vector.multi_reduction <add>, %add3A_28, %reduce_sum3A [0] : vector<10000x128xf32> to vector<128xf32>
    %broadcast_in_dim3A = vector.shape_cast %reduce_sum3A_29 : vector<128xf32> to vector<1x128xf32>
    %div3A = arith.constant 1.000000e+04 : f32
    %div3A_30 = vector.broadcast %div3A : f32 to vector<1x128xf32>
    %div3A_31 = arith.divf %broadcast_in_dim3A, %div3A_30 : vector<1x128xf32>
    %get3A_32 = arith.constant 0 : index
    %get3A_33 = arith.constant 0 : index
    %get3A_34 = vector.load %arg6[%get3A_32, %get3A_33] : memref<1x128xf32, #tpu.memory_space<vmem>>, vector<1x128xf32>
    %mul3A_35 = arith.mulf %get3A_34, %div3A_31 : vector<1x128xf32>
    %sub3A = vector.broadcast %mul3A_35 : vector<1x128xf32> to vector<10000x128xf32>
    %sub3A_36 = arith.subf %add3A_28, %sub3A : vector<10000x128xf32>
    %mul3A_37 = arith.mulf %sub3A_36, %sub3A_36 : vector<10000x128xf32>
    %reduce_sum3A_38 = arith.constant dense<0.000000e+00> : vector<128xf32>
    %reduce_sum3A_39 = vector.multi_reduction <add>, %mul3A_37, %reduce_sum3A_38 [0] : vector<10000x128xf32> to vector<128xf32>
    %broadcast_in_dim3A_40 = vector.shape_cast %reduce_sum3A_39 : vector<128xf32> to vector<1x128xf32>
    %div3A_41 = arith.constant 1.000000e+04 : f32
    %div3A_42 = vector.broadcast %div3A_41 : f32 to vector<1x128xf32>
    %div3A_43 = arith.divf %broadcast_in_dim3A_40, %div3A_42 : vector<1x128xf32>
    %get3A_44 = arith.constant 0 : index
    %get3A_45 = arith.constant 0 : index
    %get3A_46 = vector.load %arg4[%get3A_44, %get3A_45] : memref<1x128xf32, #tpu.memory_space<vmem>>, vector<1x128xf32>
    %mul3A_47 = vector.broadcast %get3A_46 : vector<1x128xf32> to vector<10000x128xf32>
    %mul3A_48 = arith.mulf %mul3A_47, %sub3A_36 : vector<10000x128xf32>
    %add3A_49 = arith.constant 9.99999974E-6 : f32
    %add3A_50 = vector.broadcast %add3A_49 : f32 to vector<1x128xf32>
    %add3A_51 = arith.addf %div3A_43, %add3A_50 : vector<1x128xf32>
    %rsqrt3A_52 = math.rsqrt %add3A_51 : vector<1x128xf32>
    %mul3A_53 = vector.broadcast %rsqrt3A_52 : vector<1x128xf32> to vector<10000x128xf32>
    %mul3A_54 = arith.mulf %mul3A_48, %mul3A_53 : vector<10000x128xf32>
    %get3A_55 = arith.constant 0 : index
    %get3A_56 = arith.constant 0 : index
    %get3A_57 = vector.load %arg5[%get3A_55, %get3A_56] : memref<1x128xf32, #tpu.memory_space<vmem>>, vector<1x128xf32>
    %add3A_58 = vector.broadcast %get3A_57 : vector<1x128xf32> to vector<10000x128xf32>
    %add3A_59 = arith.addf %mul3A_54, %add3A_58 : vector<10000x128xf32>
    %max3A = arith.constant 0.000000e+00 : f32
    %max3A_60 = vector.broadcast %max3A : f32 to vector<10000x128xf32>
    %max3A_61 = arith.maximumf %add3A_59, %max3A_60 : vector<10000x128xf32>
    %get3A_62 = arith.constant 0 : index
    %get3A_63 = arith.constant 0 : index
    %get3A_64 = vector.load %arg7[%get3A_62, %get3A_63] : memref<10000x128xf32, #tpu.memory_space<vmem>>, vector<10000x128xf32>
    %add3A_65 = arith.addf %get3A_64, %max3A_61 : vector<10000x128xf32>
    %get3A_66 = arith.constant 0 : index
    %get3A_67 = arith.constant 0 : index
    %get3A_68 = vector.load %arg8[%get3A_66, %get3A_67] : memref<128x128xf32, #tpu.memory_space<vmem>>, vector<128x128xf32>
    %dot_general3A = arith.constant dense<0.000000e+00> : vector<10000x128xf32>
    %dot_general3A_69 = tpu.matmul %add3A_65, %get3A_68, %dot_general3A {dimension_numbers = #tpu.dot_dimension_numbers<[1], [0], [0], [1], [0, 0, 1, 1], [], []>, transpose_lhs_hint = false} : vector<10000x128xf32>, vector<128x128xf32>, vector<10000x128xf32> -> vector<10000x128xf32>
    %get3A_70 = arith.constant 0 : index
    %get3A_71 = arith.constant 0 : index
    %get3A_72 = vector.load %arg9[%get3A_70, %get3A_71] : memref<1x128xf32, #tpu.memory_space<vmem>>, vector<1x128xf32>
    %add3A_73 = vector.broadcast %get3A_72 : vector<1x128xf32> to vector<10000x128xf32>
    %add3A_74 = arith.addf %dot_general3A_69, %add3A_73 : vector<10000x128xf32>
    %swap3A = arith.constant 0 : index
    %swap3A_75 = arith.constant 0 : index
    %swap3A_76 = vector.load %arg10[%swap3A, %swap3A_75] : memref<10000x128xf32, #tpu.memory_space<vmem>>, vector<10000x128xf32>
    tpu.vector_store %arg10[%swap3A, %swap3A_75], %add3A_74 {strides = array<i32>} : memref<10000x128xf32, #tpu.memory_space<vmem>>, vector<10000x128xf32>,
    return
  }
}

</mosaic_0001>

<sc_bundles>
// kernel: kernel.12.cloned.1.call-start
scs
__scs_entry_jumppad:
0x0: {  	(pc) =	sbr.rel $0x88, $3  }
0x1: {  	(tag) =	ssettag $0x0;
	lr =	simm.s32 $0x1  }
0x2: {  	[smem:$0x3F93] =	sst lr;
	_ =	strace $0xD0000000  }
0x3: {  	_ = 	snop  }
0x4: {  	_ = 	snop  }
0x5: {  	_ = 	snop  }
0x6: {  	_ = 	snop  }
0x7: {  	_ = 	snop  }
__scs_overlays_trampoline_lowered:
0x8: {  	[smem:$0x3FA2] =	sst s0  }
0x9: {  	[smem:$0x3FA3] =	sst s1  }
0xa: {  	[smem:$0x3FA4] =	sst s2  }
0xb: {  	[smem:$0x3FA5] =	sst s3  }
0xc: {  	[smem:$0x3FA6] =	sst s4  }
0xd: {  	[smem:$0x3FA7] =	sst s5  }
0xe: {  	[smem:$0x3FA8] =	sst s6  }
0xf: {  	[smem:$0x3FA9] =	sst s7  }
0x10: {  	[smem:$0x3FAA] =	sst s8  }
0x11: {  	[smem:$0x3FAB] =	sst s9;
	s0 =	simm.s32 @!p0 $0x0  }
0x12: {  	s1 =	sld [smem:$0x3F91];
	s0 =	simm.s32 @p0 $0x1  }
0x13: {  	[smem:$0x3FAC] =	sst s0;
	s0 =	simm.s32 @!p1 $0x0  }
0x14: {  	s2 =	sld [smem:$0x3F90];
	s0 =	simm.s32 @p1 $0x1  }
0x15: {  	[smem:$0x3FAD] =	sst s0;
	s0 =	simm.s32 @!p2 $0x0  }
0x16: {  	s3 =	sld [smem:$0x3FDB];
	s0 =	simm.s32 @p2 $0x1  }
0x17: {  	s4 =	simm.s32 $0x1BF5;
	[smem:$0x3FAF] =	sst s0  }
0x18: {  	s0 =	sld [smem:$0x3F92];
	_ =	swait.ge [sflag:s4], $0x0  }
0x19: {  	s7 =	sld [smem:$0x3F93]  }
0x1a: {  	s8 =	sadd.s32 $0xFFFFE003, lr  }
0x1b: {  	s9 =	sadd.s32 $0xFFFFFEF7, lr;
	s5 =	simm.s32 $0xFFFFFFFF;
	p2 =	slt.u32 s8, $0xFFFFF086  }
0x1c: {  	p1 =	slt.u32 s9, $0xF7A;
	s5 =	simm.s32 @!p2 $0x0  }
0x1d: {  	s5 =	simm.s32 @p1 $0x1;
	p0 =	seq.s32 s7, s2  }
0x1e: {  	s7 =	smul.u32 @!p0 $0xF7A, s2;
	p2 =	seq.s32 @!p0 s5, $0x0  }
0x1f: {  	s9 =	smul.u32 $0xF7A, s1;
	s8 =	simm.s32 @!p0 $0x1BF5;
	p2 =	por !p2, p0  }
0x20: {  	[sflag:s8] =	ssyncset.s32 @!p0 $0xFFFFF086;
	s6 =	sadd.s32 @!p0 s3, s7;
	s7 =	simm.s32 @!p0 $0x108  }
0x21: {  	s3 =	sadd.s32 s3, s9;
	s6 =	sadd.s32 @!p0 $0x88, s6;
	s7 =	simm.s32 @p2 $0x1082  }
0x22: {  	[simem:s7], [sflag:s8] =	dma.local @!p0 [hbm:s6], $0xF7A  }
0x23: {  	s9 =	sor.u32 $0xD0000000, s2;
	s6 =	simm.s32 $0x108;
	_ =	swait.ge @!p0 [sflag:s8], $0x0  }
0x24: {  	s3 =	sadd.s32 $0x88, s3;
	s6 =	simm.s32 @!p1 $0x1082;
	[sflag:s4] =	ssyncset.s32 $0xFFFFF086  }
0x25: {  	[simem:s6], [sflag:s4] =	dma.local [hbm:s3], $0xF7A  }
0x26: {  	[smem:$0x3F93] =	sst s1;
	(tag) =	ssettag s2;
	_ =	strace s9  }
0x27: {  	s1 =	sld [smem:$0x3FA3]  }
0x28: {  	s2 =	sld [smem:$0x3FA4]  }
0x29: {  	s4 =	sld [smem:$0x3FA6]  }
0x2a: {  	p0 =	seq.s32 s5, $0x0;
	s5 =	sld [smem:$0x3FA7]  }
0x2b: {  	s6 =	sld [smem:$0x3FA8]  }
0x2c: {  	s7 =	sld [smem:$0x3FA9]  }
0x2d: {  	s3 =	simm.s32 $0x108;
	s8 =	sld [smem:$0x3FAA]  }
0x2e: {  	s3 =	simm.s32 @!p0 $0x1082;
	s9 =	sld [smem:$0x3FAB]  }
0x2f: {  	lr =	sadd.s32 s0, s3;
	s0 =	sld [smem:$0x3FA2]  }
0x30: {  	s3 =	sld [smem:$0x3FA5]  }
0x31: {  	[smem:$0x3FAE] =	sst s10  }
0x32: {  	s10 =	sld [smem:$0x3FAC];
	_ =	sdelay $0x3  }
0x33: {  	p0 =	seq.s32 s10, $0x1;
	s10 =	sld [smem:$0x3FAE];
	_ =	sdelay $0x3  }
0x34: {  	[smem:$0x3FAE] =	sst s10  }
0x35: {  	s10 =	sld [smem:$0x3FAD];
	_ =	sdelay $0x3  }
0x36: {  	p1 =	seq.s32 s10, $0x1;
	s10 =	sld [smem:$0x3FAE];
	_ =	sdelay $0x3  }
0x37: {  	[smem:$0x3FAE] =	sst s10  }
0x38: {  	s10 =	sld [smem:$0x3FAF]  }
0x39: {  	_ = 	snop;
	(pc) =	sbr.ind lr, $3  }
0x3a: {  	_ = 	snop  }
0x3b: {  	_ = 	snop  }
0x3c: {  	p2 =	seq.s32 s10, $0x1;
	s10 =	sld [smem:$0x3FAE]  }
0x3d: {  	_ =	shalt  }
0x3e: {  	_ =	shalt  }
0x3f: {  	_ =	shalt  }
0x40: {  	_ =	shalt  }
0x41: {  	_ =	shalt  }
0x42: {  	_ =	shalt  }
0x43: {  	_ =	shalt  }
0x44: {  	_ =	shalt  }
0x45: {  	_ =	shalt  }
0x46: {  	_ =	shalt  }
0x47: {  	_ =	shalt  }
0x48: {  	_ =	shalt  }
0x49: {  	_ =	shalt  }
0x4a: {  	_ =	shalt  }
0x4b: {  	_ =	shalt  }
0x4c: {  	_ =	shalt  }
0x4d: {  	_ =	shalt  }
0x4e: {  	_ =	shalt  }
0x4f: {  	_ =	shalt  }
0x50: {  	_ =	shalt  }
0x51: {  	_ =	shalt  }
0x52: {  	_ =	shalt  }
0x53: {  	_ =	shalt  }
0x54: {  	_ =	shalt  }
0x55: {  	_ =	shalt  }
0x56: {  	_ =	shalt  }
0x57: {  	_ =	shalt  }
0x58: {  	_ =	shalt  }
0x59: {  	_ =	shalt  }
0x5a: {  	_ =	shalt  }
0x5b: {  	_ =	shalt  }
0x5c: {  	_ =	shalt  }
0x5d: {  	_ =	shalt  }
0x5e: {  	_ =	shalt  }
0x5f: {  	_ =	shalt  }
0x60: {  	_ =	shalt  }
0x61: {  	_ =	shalt  }
0x62: {  	_ =	shalt  }
0x63: {  	_ =	shalt  }
0x64: {  	_ =	shalt  }
0x65: {  	_ =	shalt  }
0x66: {  	_ =	shalt  }
0x67: {  	_ =	shalt  }
0x68: {  	_ =	shalt  }
0x69: {  	_ =	shalt  }
0x6a: {  	_ =	shalt  }
0x6b: {  	_ =	shalt  }
0x6c: {  	_ =	shalt  }
0x6d: {  	_ =	shalt  }
0x6e: {  	_ =	shalt  }
0x6f: {  	_ =	shalt  }
0x70: {  	_ =	shalt  }
0x71: {  	_ =	shalt  }
0x72: {  	_ =	shalt  }
0x73: {  	_ =	shalt  }
0x74: {  	_ =	shalt  }
0x75: {  	_ =	shalt  }
0x76: {  	_ =	shalt  }
0x77: {  	_ =	shalt  }
0x78: {  	_ =	shalt  }
0x79: {  	_ =	shalt  }
0x7a: {  	_ =	shalt  }
0x7b: {  	_ =	shalt  }
0x7c: {  	_ =	shalt  }
0x7d: {  	_ =	shalt  }
0x7e: {  	_ =	shalt  }
0x7f: {  	_ =	shalt  }
0x80: {  	_ =	shalt  }
0x81: {  	_ =	shalt  }
0x82: {  	_ =	shalt  }
0x83: {  	_ =	shalt  }
0x84: {  	_ =	shalt  }
0x85: {  	_ =	shalt  }
0x86: {  	_ =	shalt  }
0x87: {  	_ =	shalt  }
.Lfunc_end0:
.L_simem_size_0:
called_computation.1_lowered:
.L_overlay_start_0:
0x88: {  	s2 =	sld [smem:$0x3FD9]  }
0x89: {  	s3 =	sld [smem:$0x3FFE];
	_ =	sdelay $0x1  }
0x8a: {  	s1 =	srdreg.scid  }
0x8b: {  	s0 =	sand.u32 $0x1, s1  }
0x8c: {  	s17 =	sshll.u32 s0, $0xA;
	s2 =	sadd.s32 s3, s2  }
0x8d: {  	s2 =	sadd.s32 s2, s17  }
0x8e: {  	[smem:$0x3FBA] =	sst s2  }
0x8f: {  	_ = 	snop  }
0x90: {  	s2 =	sld [smem:$0x3FD0];
	(tm) =	ssettm $0x1  }
0x91: {  	s18 =	sld [smem:$0x3FFB];
	_ =	sdelay $0x3  }
0x92: {  	_ =	strace s18  }
0x93: {  	s3 =	sld [smem:$0x3FFC];
	_ =	sdelay $0x3  }
0x94: {  	_ =	strace s3  }
0x95: {  	s3 =	sld [smem:$0x3FFD];
	_ =	sdelay $0x3  }
0x96: {  	_ =	strace s3  }
0x97: {  	_ =	strace $0x8FFFFFFF  }
0x98: {  	s19 =	sld [smem:$0x3FDB];
	_ =	sdelay $0x1  }
0x99: {  	s4 =	simm.s32 $_scs_section_size  }
0x9a: {  	s5 =	simm.s32 $_size__tile_overlayer_lowered;
	s6 =	simm.s32 $_tile_overlayer_lowered  }
0x9b: {  	s22 =	simm.s32 $0x1BFF;
	s21 =	sshll.u32 s6, $0x1;
	s3 =	sadd.s32 s4, s19  }
0x9c: {  	s7 =	simm.s32 $0x0;
	s20 =	sshll.u32 s5, $0x1;
	s5 =	sadd.s32 s21, s3  }
0x9d: {  	[timem:s7], [sflag:s22] =	dma.local [hbm:s5], s20  }
0x9e: {  	_ =	swait.ge [sflag:s22], s20  }
0x9f: {  	s4 =	ssub.s32 $0x0, s20;
	[sflag:s22] =	ssyncset.done $0x0  }
0xa0: {  	[sflag:s22] =	ssyncadd.s32 s4;
	_ =	sdelay $0x1  }
0xa1: {  	s23 =	simm.s32 $0x1B8B  }
0xa2: {  	_ =	swait.ge [sflag:s23], $0x1  }
0xa3: {  	[sflag:s23] =	ssyncset.done $0x0  }
0xa4: {  	s25 =	simm.s32 $0x1B8E;
	s24 =	sld [smem:$0x3FFE];
	[sflag:s23] =	ssyncadd.s32 $0xFFFFFFFF  }
0xa5: {  	s26 =	simm.s32 $execute0_lowered;
	[smem:$0x3FD2] =	sst s25  }
0xa6: {  	s5 =	sshll.u32 s26, $0x1;
	_ =	strace $0x80000049;
	[dreg:$0x1] =	wrdreg $0xFFFFFFFF  }
0xa7: {  	s28 =	simm.s32 $_size_execute0_lowered;
	s3 =	sadd.s32 s3, s5;
	[dreg:$0x0] =	wrdreg $0x0  }
0xa8: {  	s5 =	sshll.u32 s28, $0x1;
	[dreg:$0x2] =	wrdreg s3  }
0xa9: {  	[dreg:$0x3] =	wrdreg s5  }
0xaa: {  	[dreg:$0x4] =	wrdreg $0xC0  }
0xab: {  	_ =	task [dreg:s7], $0x5FFFF  }
0xac: {  	[dreg:$0x1] =	wrdreg $0xFFFFFFFF  }
0xad: {  	[dreg:$0x0] =	wrdreg $0x60  }
0xae: {  	[dreg:$0x2] =	wrdreg s2  }
0xaf: {  	[dreg:$0x3] =	wrdreg s24  }
0xb0: {  	[dreg:$0x4] =	wrdreg $0x0  }
0xb1: {  	[dreg:$0x5] =	wrdreg $0x9  }
0xb2: {  	_ =	task.clear_ibuf [dreg:s7], $0x6FFFF;
	_ =	strace $0x90000049  }
0xb3: {  	s29 =	simm.s32 $0x9;
	_ =	strace $0x8000004B  }
0xb4: {  	_ =	swait.ge [sflag:s29], $0x1  }
0xb5: {  	[sflag:s29] =	ssyncadd.s32 $0xFFFFFFFF  }
0xb6: {  	_ =	strace $0x9000004B  }
0xb7: {  	_ =	sfence  }
0xb8: {  	s30 =	sld [smem:$0x0];
	_ =	sdelay $0x2  }
0xb9: {  	s31 =	sshll.u32 s1, $0xD;
	s1 =	sshrl.u32 s1, $0x2  }
0xba: {  	s3 =	sand.u32 $0x4000, s31;
	s1 =	sadd.s32 s1, s30  }
0xbb: {  	s0 =	sor.u32 s3, s0;
	s1 =	sshll.u32 s1, $0x11  }
0xbc: {  	s0 =	sor.u32 s1, s0  }
0xbd: {  	s0 =	sadd.s32 $0x8F2B, s0  }
0xbe: {  	[sflag:s0] =	ssyncadd.remote.s32 $0x1  }
0xbf: {  	_ =	sfence.sel $0xFFFF  }
0xc0: {  	[dreg:$0x0] =	wrdreg $0xFFFFFFFF;
	(pc) =	sbr.abs _section_cstart, $3  }
0xc1: {  	[dreg:$0x1] =	wrdreg $0xFFFFFFFF  }
0xc2: {  	_ =	task.clear_ibuf [dreg:s7], $0x2FFFF;
	_ =	strace $0x9FFFFFFF  }
0xc3: {  	(tm) =	ssettm $0x7FFFFFFF  }
tec
execute0_lowered:
.L_overlay_start_1:
0x0: {  	(tag) =	ssettag $0x1  }
0x1: {  	s1 =	rddreg [dreg:$0x0]  }
0x2: {  	s0 =	rddreg [dreg:$0x1]  }
0x3: {  	s2 =	rddreg [dreg:$0x2]  }
0x4: {  	s3 =	simm.s32 $0x0;
	s16 =	stileid.u32;
	s4 =	srdreg.scid  }
0x5: {  	s28 =	simm.s32 $0x14380;
	s29 =	simm.s32 $0x14200;
	s30 =	simm.s32 $0x14400  }
0x6: {  	s31 =	simm.s32 $0x14280;
	[smem:$0x7FF] =	sst s3;
	s7 =	smul.u32 $0x13800, s16  }
0x7: {  	s4 =	sand.u32 $0x1, s4;
	s6 =	sshll.u32 s16, $0x1;
	s5 =	sadd.s32 $0x3000, s0  }
0x8: {  	s12 =	sadd.s32 $0x3DE00, s0;
	p0 =	sne.s32 s16, $0x0;
	s20 =	smul.u32 $0x2710, s4  }
0x9: {  	s6 =	sor.u32 s4, s6;
	s9 =	ssub.s32 $0x2, s4;
	s4 =	smul.u32 $0x138800, s4  }
0xa: {  	_ =	strace $0x8000004A;
	s8 =	sshrl.u32 s7, $0x3;
	s10 =	smul.u32 $0x2710, s6  }
0xb: {  	s6 =	sadd.s32 $0xCE00, s0;
	s11 =	sshrl.u32 s9, $0x1;
	s8 =	sadd.s32 s8, s0  }
0xc: {  	s9 =	ssub.s32 s9, s11;
	s7 =	sadd.s32 s7, s4;
	s4 =	sshrl.u32 s4, $0x3  }
0xd: {  	s0 =	sadd.s32 $0x3DC00, s0;
	s10 =	sshrl.u32 s10, $0x3;
	s8 =	sadd.s32 $0x16C00, s8  }
0xe: {  	s7 =	sshrl.u32 s7, $0x3;
	s4 =	sadd.s32 s12, s4;
	[dreg:$0x16] =	wrdreg s0  }
0xf: {  	s0 =	simm.s32 $0x14480;
	s14 =	sadd.s32 s5, s10;
	[dreg:$0x13] =	wrdreg s8  }
0x10: {  	s15 =	sadd.s32 s6, s10;
	s17 =	sadd.s32 $0x10, s10;
	[dreg:$0xa] =	wrdreg s14  }
0x11: {  	s18 =	sadd.s32 $0x20, s10;
	s7 =	sadd.s32 s12, s7;
	[dreg:$0xb] =	wrdreg s15  }
0x12: {  	s21 =	sadd.s32 $0x30, s10;
	s13 =	sadd.s32 s5, s17;
	[dreg:$0x14] =	wrdreg s7  }
0x13: {  	s8 =	simm.s32 $0x80;
	s11 =	sadd.s32 s6, s17;
	[dreg:$0xc] =	wrdreg s13  }
0x14: {  	s12 =	simm.s32 $0x2;
	s19 =	sadd.s32 s5, s18;
	[dreg:$0xd] =	wrdreg s11  }
0x15: {  	s14 =	smul.u32 $0x4E20, s16;
	s17 =	sadd.s32 s5, s21;
	[dreg:$0xe] =	wrdreg s19  }
0x16: {  	s15 =	smul.u32 $0x4E000, s16;
	s13 =	sadd.s32 s6, s18;
	[dreg:$0x10] =	wrdreg s17  }
0x17: {  	s19 =	sadd.s32 $0x4E0, s10;
	s10 =	simm.s32 $0x18580;
	[dreg:$0xf] =	wrdreg s13  }
0x18: {  	s11 =	sadd.s32 s20, s14;
	s13 =	sadd.s32 s6, s21;
	s22 =	sshrl.u32 s15, $0x2  }
0x19: {  	s21 =	sadd.s32 s5, s19;
	[dreg:$0x11] =	wrdreg s13;
	s14 =	sadd.s32 $0x380, s11  }
0x1a: {  	s13 =	sadd.s32 s22, s2;
	s25 =	sadd.s32 $0x300, s11;
	[dreg:$0x17] =	wrdreg s21  }
0x1b: {  	s15 =	sadd.s32 $0x280, s11;
	s22 =	sadd.s32 s6, s19;
	[dreg:$0x12] =	wrdreg s13  }
0x1c: {  	s23 =	sshrl.u32 s14, $0x3;
	s14 =	sadd.s32 $0x138000, s2;
	[dreg:$0x18] =	wrdreg s22  }
0x1d: {  	s19 =	simm.s32 $0x0;
	s24 =	sadd.s32 s23, s6;
	[dreg:$0x15] =	wrdreg s14  }
0x1e: {  	s7 =	sshrl.u32 s25, $0x3;
	s26 =	sadd.s32 s23, s5;
	[dreg:$0x4] =	wrdreg s24  }
0x1f: {  	s18 =	sshrl.u32 s15, $0x3;
	s13 =	sadd.s32 s7, s6;
	[dreg:$0x5] =	wrdreg s26  }
0x20: {  	s17 =	sadd.s32 s7, s5;
	s20 =	sadd.s32 s18, s6;
	[dreg:$0x6] =	wrdreg s13  }
0x21: {  	s23 =	sadd.s32 $0x27000, s4;
	s25 =	sadd.s32 s18, s5;
	[dreg:$0x7] =	wrdreg s17  }
0x22: {  	s4 =	simm.s32 $0x14300;
	s7 =	simm.s32 $0x14500;
	[dreg:$0x8] =	wrdreg s20  }
0x23: {  	s14 =	simm.s32 $0x4;
	[dreg:$0x19] =	wrdreg s23;
	s24 =	smax.u32 s9, $0x1  }
0x24: {  	[dreg:$0x9] =	wrdreg s25;
	s26 =	sadd.s32 $0x200, s11;
	s25 =	simm.s32 $0x14180  }
0x25: {  	s9 =	simm.s32 $0x14580;
	s11 =	simm.s32 $0x1;
	[dreg:$0x1a] =	wrdreg s24  }
0x26: {  	s13 =	simm.s32 $0x3;
	[dreg:$0x1b] =	wrdreg s26;
	s26 =	simm.s32 $0x7  }
.LBB2_1:
0x27: {  	s15 =	rddreg [dreg:$0xa]  }
0x28: {  	[tilespmem:s25], [sflag:$0x7] =	stream.linear.gather [hbm4b:s15+s3], $0x80, $0x38;
	[tilespmem:$0x1C580] =	vst v63  }
0x29: {  	_ =	swait.ge [sflag:s26], $0x80  }
0x2a: {  	[sflag:s26] =	ssyncset.done $0x0  }
0x2b: {  	s24 =	rddreg [dreg:$0xb];
	[sflag:s26] =	ssyncadd.s32 $0xFFFFFF80  }
0x2c: {  	[tilespmem:s28], [sflag:$0x7] =	stream.linear.gather [hbm4b:s24+s3], $0x80, $0x38;
	[tilespmem:$0x1C580] =	vst v63  }
0x2d: {  	_ =	swait.ge [sflag:s26], $0x80  }
0x2e: {  	[sflag:s26] =	ssyncset.done $0x0  }
0x2f: {  	s16 =	rddreg [dreg:$0xc];
	[sflag:s26] =	ssyncadd.s32 $0xFFFFFF80  }
0x30: {  	[tilespmem:s29], [sflag:$0x7] =	stream.linear.gather [hbm4b:s16+s3], $0x80, $0x38;
	[tilespmem:$0x1C580] =	vst v63  }
0x31: {  	_ =	swait.ge [sflag:s26], $0x80  }
0x32: {  	[sflag:s26] =	ssyncset.done $0x0  }
0x33: {  	s17 =	rddreg [dreg:$0xd];
	[sflag:s26] =	ssyncadd.s32 $0xFFFFFF80  }
0x34: {  	[tilespmem:s30], [sflag:$0x7] =	stream.linear.gather [hbm4b:s17+s3], $0x80, $0x38;
	[tilespmem:$0x1C580] =	vst v63  }
0x35: {  	_ =	swait.ge [sflag:s26], $0x80  }
0x36: {  	[sflag:s26] =	ssyncset.done $0x0  }
0x37: {  	s18 =	rddreg [dreg:$0xe];
	[sflag:s26] =	ssyncadd.s32 $0xFFFFFF80  }
0x38: {  	[tilespmem:s31], [sflag:$0x7] =	stream.linear.gather [hbm4b:s18+s3], $0x80, $0x38;
	[tilespmem:$0x1C580] =	vst v63  }
0x39: {  	_ =	swait.ge [sflag:s26], $0x80  }
0x3a: {  	[sflag:s26] =	ssyncset.done $0x0  }
0x3b: {  	s20 =	rddreg [dreg:$0xf];
	[sflag:s26] =	ssyncadd.s32 $0xFFFFFF80  }
0x3c: {  	[tilespmem:s0], [sflag:$0x7] =	stream.linear.gather [hbm4b:s20+s3], $0x80, $0x38;
	[tilespmem:$0x1C580] =	vst v63  }
0x3d: {  	_ =	swait.ge [sflag:s26], $0x80  }
0x3e: {  	[sflag:s26] =	ssyncset.done $0x0  }
0x3f: {  	s21 =	rddreg [dreg:$0x10];
	[sflag:s26] =	ssyncadd.s32 $0xFFFFFF80  }
0x40: {  	[tilespmem:s4], [sflag:$0x7] =	stream.linear.gather [hbm4b:s21+s3], $0x80, $0x38;
	[tilespmem:$0x1C580] =	vst v63  }
0x41: {  	_ =	swait.ge [sflag:s26], $0x80  }
0x42: {  	[sflag:s26] =	ssyncset.done $0x0  }
0x43: {  	s22 =	rddreg [dreg:$0x11];
	[sflag:s26] =	ssyncadd.s32 $0xFFFFFF80  }
0x44: {  	[tilespmem:s7], [sflag:$0x7] =	stream.linear.gather [hbm4b:s22+s3], $0x80, $0x38;
	[tilespmem:$0x1C580] =	vst v63  }
0x45: {  	s23 =	stileid.u32;
	_ =	swait.ge [sflag:s26], $0x80  }
0x46: {  	s16 =	sshll.u32 s23, $0x6;
	[sflag:s26] =	ssyncset.done $0x0;
	s24 =	rddreg [dreg:$0x12]  }
0x47: {  	s17 =	rddreg [dreg:$0x13];
	[sflag:s26] =	ssyncadd.s32 $0xFFFFFF80;
	s15 =	sshrl.u32 s24, $0x3  }
0x48: {  	[tilespmem:s9], [sflag:$0x1] =	stream.indirect.gather [hbm4b:s1+s8], $0x80, s25, s8, $0xb8;
	[tilespmem:$0x1C580] =	vst v63  }
0x49: {  	s20 =	sor.u32 $0x1C07, s16;
	[dreg:$0x1c] =	wrdreg s15  }
0x4a: {  	[tilespmem:s10], [sflag:$0x2] =	stream.indirect.gather [hbm4b:s1+s8], $0x80, s29, s8, $0xb8;
	[tilespmem:$0x1C580] =	vst v63  }
0x4b: {  	[spmem:s15], [sflag:s20] =	dma.local [hbm:s17], $0x2700  }
0x4c: {  	_ =	swait.ge [sflag:s26], $0x2700  }
0x4d: {  	s15 =	rddreg [dreg:$0x15]  }
0x4e: {  	[sflag:s26] =	ssyncset.done $0x0;
	s16 =	sshrl.u32 @!p0 s15, $0x3;
	s15 =	rddreg [dreg:$0x16]  }
0x4f: {  	[sflag:s26] =	ssyncadd.s32 $0xFFFFD900;
	[dreg:$0x1d] =	wrdreg s16  }
0x50: {  	[spmem:s16], [sflag:s20] =	dma.local @!p0 [hbm:s15], $0x100  }
0x51: {  	s16 =	simm.s32 @!p0 $0x7  }
0x52: {  	_ =	swait.ge @!p0 [sflag:s16], $0x100  }
0x53: {  	[sflag:s16] =	ssyncset.done @!p0 $0x0  }
0x54: {  	[sflag:s16] =	ssyncadd.s32 @!p0 $0xFFFFFF00  }
0x55: {  	[bflag:$0x0] =	sbarrier.arrive $0xFFFF  }
0x56: {  	_ =	swait.ge [sflag:s11], $0x4000  }
0x57: {  	[sflag:s11] =	ssyncset.done $0x0  }
0x58: {  	[sflag:s11] =	ssyncadd.s32 $0xFFFFC000  }
0x59: {  	[spmem:s2] =	stream.indirect.scatter.add.f32 [tilespmem:s9], [sflag:$0x7], $0x80, s28, s8, $0xb8;
	[tilespmem:$0x1C580] =	vst v63  }
0x5a: {  	_ =	swait.ge [sflag:s26], $0x4000  }
0x5b: {  	s15 =	rddreg [dreg:$0x1b]  }
0x5c: {  	[sflag:s26] =	ssyncset.done $0x0;
	s18 =	sshrl.u32 s15, $0x3  }
0x5d: {  	[sflag:s26] =	ssyncadd.s32 $0xFFFFC000;
	s23 =	sadd.s32 s5, s18  }
0x5e: {  	[tilespmem:s25], [sflag:$0x3] =	stream.linear.gather [hbm4b:s23+s3], $0x80, $0x38;
	[tilespmem:$0x1C580] =	vst v63  }
0x5f: {  	p1 =	por $0x1, $0x1;
	s16 =	sadd.s32 s6, s18  }
0x60: {  	[tilespmem:s28], [sflag:$0x3] =	stream.linear.gather [hbm4b:s16+s3], $0x80, $0x38;
	[tilespmem:$0x1C580] =	vst v63  }
0x61: {  	s16 =	simm.s32 @!p1 $0x5  }
0x62: {  	_ =	swait.ge @!p1 [sflag:s16], $0x80  }
0x63: {  	[sflag:s16] =	ssyncset.done @!p1 $0x0  }
0x64: {  	[sflag:s16] =	ssyncadd.s32 @!p1 $0xFFFFFF80  }
0x65: {  	_ =	swait.ge @!p1 [sflag:s16], $0x80  }
0x66: {  	[sflag:s16] =	ssyncset.done @!p1 $0x0  }
0x67: {  	[sflag:s16] =	ssyncadd.s32 @!p1 $0xFFFFFF80  }
0x68: {  	[tilespmem:s9], [sflag:$0x1] =	stream.indirect.gather [hbm4b:s1+s8], $0x80, s31, s8, $0xb8;
	[tilespmem:$0x1C580] =	vst v63  }
0x69: {  	_ =	swait.ge [sflag:s12], $0x4000  }
0x6a: {  	[sflag:s12] =	ssyncset.done $0x0  }
0x6b: {  	[sflag:s12] =	ssyncadd.s32 $0xFFFFC000  }
0x6c: {  	[spmem:s2] =	stream.indirect.scatter.add.f32 [tilespmem:s10], [sflag:$0x7], $0x80, s30, s8, $0xb8;
	[tilespmem:$0x1C580] =	vst v63  }
0x6d: {  	_ =	swait.ge [sflag:s26], $0x4000  }
0x6e: {  	s21 =	rddreg [dreg:$0x9];
	[sflag:s26] =	ssyncset.done $0x0  }
0x6f: {  	s22 =	rddreg [dreg:$0x8];
	[sflag:s26] =	ssyncadd.s32 $0xFFFFC000;
	s16 =	sadd.s32 $0x0, s21  }
0x70: {  	[tilespmem:s29], [sflag:$0x4] =	stream.linear.gather [hbm4b:s16+s3], $0x80, $0x38;
	[tilespmem:$0x1C580] =	vst v63  }
0x71: {  	s23 =	simm.s32 @!p1 $0x6;
	s24 =	sadd.s32 $0x0, s22  }
0x72: {  	[tilespmem:s30], [sflag:$0x4] =	stream.linear.gather [hbm4b:s24+s3], $0x80, $0x38;
	[tilespmem:$0x1C580] =	vst v63  }
0x73: {  	_ =	swait.ge @!p1 [sflag:s23], $0x80  }
0x74: {  	[sflag:s23] =	ssyncset.done @!p1 $0x0  }
0x75: {  	[sflag:s23] =	ssyncadd.s32 @!p1 $0xFFFFFF80  }
0x76: {  	_ =	swait.ge @!p1 [sflag:s23], $0x80  }
0x77: {  	[sflag:s23] =	ssyncset.done @!p1 $0x0  }
0x78: {  	[sflag:s23] =	ssyncadd.s32 @!p1 $0xFFFFFF80  }
0x79: {  	[tilespmem:s10], [sflag:$0x2] =	stream.indirect.gather [hbm4b:s1+s8], $0x80, s4, s8, $0xb8;
	[tilespmem:$0x1C580] =	vst v63  }
0x7a: {  	_ =	swait.ge [sflag:s11], $0x4000  }
0x7b: {  	[sflag:s11] =	ssyncset.done $0x0  }
0x7c: {  	p1 =	por $0x0, $0x0;
	[sflag:s11] =	ssyncadd.s32 $0xFFFFC000  }
0x7d: {  	[spmem:s2] =	stream.indirect.scatter.add.f32 [tilespmem:s9], [sflag:$0x7], $0x80, s0, s8, $0xb8;
	[tilespmem:$0x1C580] =	vst v63  }
0x7e: {  	s24 =	simm.s32 @!p1 $0x0;
	_ =	swait.ge [sflag:s26], $0x4000  }
0x7f: {  	s17 =	simm.s32 @!p1 $0x14280;
	s16 =	rddreg [dreg:$0x7];
	[sflag:s26] =	ssyncset.done $0x0  }
0x80: {  	s23 =	rddreg [dreg:$0x6];
	[sflag:s26] =	ssyncadd.s32 $0xFFFFC000;
	s16 =	sadd.s32 @!p1 $0x0, s16  }
0x81: {  	[tilespmem:s17], [sflag:$0x5] =	stream.linear.gather @!p1 [hbm4b:s16+s24], $0x80, $0x38;
	[tilespmem:$0x1C580] =	vst v63  }
0x82: {  	s16 =	sadd.s32 @!p1 $0x0, s23;
	s17 =	simm.s32 @!p1 $0x14480  }
0x83: {  	[tilespmem:s17], [sflag:$0x5] =	stream.linear.gather @!p1 [hbm4b:s16+s24], $0x80, $0x38;
	[tilespmem:$0x1C580] =	vst v63  }
0x84: {  	_ =	swait.ge [sflag:s13], $0x80  }
0x85: {  	[sflag:s13] =	ssyncset.done $0x0  }
0x86: {  	[sflag:s13] =	ssyncadd.s32 $0xFFFFFF80  }
0x87: {  	_ =	swait.ge [sflag:s13], $0x80  }
0x88: {  	[sflag:s13] =	ssyncset.done $0x0  }
0x89: {  	[sflag:s13] =	ssyncadd.s32 $0xFFFFFF80  }
0x8a: {  	[tilespmem:s9], [sflag:$0x1] =	stream.indirect.gather [hbm4b:s1+s8], $0x80, s25, s8, $0xb8;
	[tilespmem:$0x1C580] =	vst v63  }
0x8b: {  	_ =	swait.ge [sflag:s12], $0x4000  }
0x8c: {  	[sflag:s12] =	ssyncset.done $0x0  }
0x8d: {  	[sflag:s12] =	ssyncadd.s32 $0xFFFFC000  }
0x8e: {  	[spmem:s2] =	stream.indirect.scatter.add.f32 [tilespmem:s10], [sflag:$0x7], $0x80, s7, s8, $0xb8;
	[tilespmem:$0x1C580] =	vst v63  }
0x8f: {  	_ =	swait.ge [sflag:s26], $0x4000  }
0x90: {  	s23 =	simm.s32 @!p1 $0x14300;
	s16 =	rddreg [dreg:$0x5];
	[sflag:s26] =	ssyncset.done $0x0  }
0x91: {  	s17 =	rddreg [dreg:$0x4];
	[sflag:s26] =	ssyncadd.s32 $0xFFFFC000;
	s16 =	sadd.s32 @!p1 $0x0, s16  }
0x92: {  	[tilespmem:s23], [sflag:$0x6] =	stream.linear.gather @!p1 [hbm4b:s16+s24], $0x80, $0x38;
	[tilespmem:$0x1C580] =	vst v63  }
0x93: {  	s17 =	sadd.s32 @!p1 $0x0, s17;
	s16 =	simm.s32 @!p1 $0x14500  }
0x94: {  	[tilespmem:s16], [sflag:$0x6] =	stream.linear.gather @!p1 [hbm4b:s17+s24], $0x80, $0x38;
	[tilespmem:$0x1C580] =	vst v63  }
0x95: {  	_ =	swait.ge [sflag:s14], $0x80  }
0x96: {  	[sflag:s14] =	ssyncset.done $0x0  }
0x97: {  	[sflag:s14] =	ssyncadd.s32 $0xFFFFFF80  }
0x98: {  	_ =	swait.ge [sflag:s14], $0x80  }
0x99: {  	s23 =	simm.s32 $0x40;
	s24 =	smov.u32 s15;
	[sflag:s14] =	ssyncset.done $0x0  }
.LBB2_2:
0x9a: {  	[sflag:s14] =	ssyncadd.s32 $0xFFFFFF80  }
0x9b: {  	[tilespmem:s10], [sflag:$0x2] =	stream.indirect.gather [hbm4b:s1+s8], $0x80, s29, s8, $0xb8;
	[tilespmem:$0x1C580] =	vst v63  }
0x9c: {  	_ =	swait.ge [sflag:s11], $0x4000  }
0x9d: {  	[sflag:s11] =	ssyncset.done $0x0  }
0x9e: {  	[sflag:s11] =	ssyncadd.s32 $0xFFFFC000  }
0x9f: {  	[spmem:s2] =	stream.indirect.scatter.add.f32 [tilespmem:s9], [sflag:$0x7], $0x80, s28, s8, $0xb8;
	[tilespmem:$0x1C580] =	vst v63  }
0xa0: {  	s24 =	sadd.s32 $0x200, s24;
	_ =	swait.ge [sflag:s26], $0x4000  }
0xa1: {  	s17 =	sshrl.u32 s24, $0x3;
	[sflag:s26] =	ssyncset.done $0x0  }
0xa2: {  	s16 =	smov.u32 s23;
	s18 =	sadd.s32 s5, s17;
	[sflag:s26] =	ssyncadd.s32 $0xFFFFC000  }
0xa3: {  	[tilespmem:s25], [sflag:$0x3] =	stream.linear.gather [hbm4b:s18+s3], $0x80, $0x38;
	[tilespmem:$0x1C580] =	vst v63  }
0xa4: {  	p2 =	seq.s32 s16, $0x0;
	s17 =	sadd.s32 s6, s17  }
0xa5: {  	[tilespmem:s28], [sflag:$0x3] =	stream.linear.gather [hbm4b:s17+s3], $0x80, $0x38;
	[tilespmem:$0x1C580] =	vst v63  }
0xa6: {  	s17 =	simm.s32 @!p2 $0x5  }
0xa7: {  	_ =	swait.ge @!p2 [sflag:s17], $0x80  }
0xa8: {  	[sflag:s17] =	ssyncset.done @!p2 $0x0  }
0xa9: {  	[sflag:s17] =	ssyncadd.s32 @!p2 $0xFFFFFF80  }
0xaa: {  	_ =	swait.ge @!p2 [sflag:s17], $0x80  }
0xab: {  	[sflag:s17] =	ssyncset.done @!p2 $0x0  }
0xac: {  	[sflag:s17] =	ssyncadd.s32 @!p2 $0xFFFFFF80  }
0xad: {  	[tilespmem:s9], [sflag:$0x1] =	stream.indirect.gather [hbm4b:s1+s8], $0x80, s31, s8, $0xb8;
	[tilespmem:$0x1C580] =	vst v63  }
0xae: {  	_ =	swait.ge [sflag:s12], $0x4000  }
0xaf: {  	[sflag:s12] =	ssyncset.done $0x0  }
0xb0: {  	[sflag:s12] =	ssyncadd.s32 $0xFFFFC000  }
0xb1: {  	[spmem:s2] =	stream.indirect.scatter.add.f32 [tilespmem:s10], [sflag:$0x7], $0x80, s30, s8, $0xb8;
	[tilespmem:$0x1C580] =	vst v63  }
0xb2: {  	_ =	swait.ge [sflag:s26], $0x4000  }
0xb3: {  	s18 =	rddreg [dreg:$0x9];
	[sflag:s26] =	ssyncset.done $0x0  }
0xb4: {  	s21 =	rddreg [dreg:$0x8];
	[sflag:s26] =	ssyncadd.s32 $0xFFFFC000;
	s17 =	sadd.s32 s16, s18  }
0xb5: {  	[tilespmem:s29], [sflag:$0x4] =	stream.linear.gather [hbm4b:s17+s3], $0x80, $0x38;
	[tilespmem:$0x1C580] =	vst v63  }
0xb6: {  	s22 =	sadd.s32 s16, s21;
	s18 =	simm.s32 @!p2 $0x6  }
0xb7: {  	[tilespmem:s30], [sflag:$0x4] =	stream.linear.gather [hbm4b:s22+s3], $0x80, $0x38;
	[tilespmem:$0x1C580] =	vst v63  }
0xb8: {  	_ =	swait.ge @!p2 [sflag:s18], $0x80  }
0xb9: {  	[sflag:s18] =	ssyncset.done @!p2 $0x0  }
0xba: {  	[sflag:s18] =	ssyncadd.s32 @!p2 $0xFFFFFF80  }
0xbb: {  	_ =	swait.ge @!p2 [sflag:s18], $0x80  }
0xbc: {  	[sflag:s18] =	ssyncset.done @!p2 $0x0  }
0xbd: {  	[sflag:s18] =	ssyncadd.s32 @!p2 $0xFFFFFF80  }
0xbe: {  	[tilespmem:s10], [sflag:$0x2] =	stream.indirect.gather [hbm4b:s1+s8], $0x80, s4, s8, $0xb8;
	[tilespmem:$0x1C580] =	vst v63  }
0xbf: {  	_ =	swait.ge [sflag:s11], $0x4000  }
0xc0: {  	[sflag:s11] =	ssyncset.done $0x0  }
0xc1: {  	p2 =	seq.s32 s16, $0x480;
	[sflag:s11] =	ssyncadd.s32 $0xFFFFC000  }
0xc2: {  	[spmem:s2] =	stream.indirect.scatter.add.f32 [tilespmem:s9], [sflag:$0x7], $0x80, s0, s8, $0xb8;
	[tilespmem:$0x1C580] =	vst v63  }
0xc3: {  	s15 =	simm.s32 @!p2 $0x0;
	_ =	swait.ge [sflag:s26], $0x4000  }
0xc4: {  	s21 =	simm.s32 @!p2 $0x14280;
	s17 =	rddreg [dreg:$0x7];
	[sflag:s26] =	ssyncset.done $0x0  }
0xc5: {  	s18 =	rddreg [dreg:$0x6];
	[sflag:s26] =	ssyncadd.s32 $0xFFFFC000;
	s17 =	sadd.s32 @!p2 s16, s17  }
0xc6: {  	[tilespmem:s21], [sflag:$0x5] =	stream.linear.gather @!p2 [hbm4b:s17+s15], $0x80, $0x38;
	[tilespmem:$0x1C580] =	vst v63  }
0xc7: {  	s17 =	sadd.s32 @!p2 s16, s18;
	s18 =	simm.s32 @!p2 $0x14480  }
0xc8: {  	[tilespmem:s18], [sflag:$0x5] =	stream.linear.gather @!p2 [hbm4b:s17+s15], $0x80, $0x38;
	[tilespmem:$0x1C580] =	vst v63  }
0xc9: {  	_ =	swait.ge [sflag:s13], $0x80  }
0xca: {  	[sflag:s13] =	ssyncset.done $0x0  }
0xcb: {  	[sflag:s13] =	ssyncadd.s32 $0xFFFFFF80  }
0xcc: {  	_ =	swait.ge [sflag:s13], $0x80  }
0xcd: {  	[sflag:s13] =	ssyncset.done $0x0  }
0xce: {  	[sflag:s13] =	ssyncadd.s32 $0xFFFFFF80  }
0xcf: {  	[tilespmem:s9], [sflag:$0x1] =	stream.indirect.gather [hbm4b:s1+s8], $0x80, s25, s8, $0xb8;
	[tilespmem:$0x1C580] =	vst v63  }
0xd0: {  	_ =	swait.ge [sflag:s12], $0x4000  }
0xd1: {  	[sflag:s12] =	ssyncset.done $0x0  }
0xd2: {  	[sflag:s12] =	ssyncadd.s32 $0xFFFFC000  }
0xd3: {  	[spmem:s2] =	stream.indirect.scatter.add.f32 [tilespmem:s10], [sflag:$0x7], $0x80, s7, s8, $0xb8;
	[tilespmem:$0x1C580] =	vst v63  }
0xd4: {  	s23 =	sadd.s32 $0x40, s23;
	_ =	swait.ge [sflag:s26], $0x4000  }
0xd5: {  	s21 =	simm.s32 @!p2 $0x14300;
	s17 =	rddreg [dreg:$0x5];
	[sflag:s26] =	ssyncset.done $0x0  }
0xd6: {  	s18 =	rddreg [dreg:$0x4];
	[sflag:s26] =	ssyncadd.s32 $0xFFFFC000;
	s17 =	sadd.s32 @!p2 s16, s17  }
0xd7: {  	[tilespmem:s21], [sflag:$0x6] =	stream.linear.gather @!p2 [hbm4b:s17+s15], $0x80, $0x38;
	[tilespmem:$0x1C580] =	vst v63  }
0xd8: {  	p1 =	sne.s32 s23, $0x4C0;
	s22 =	simm.s32 @!p2 $0x14500;
	s16 =	sadd.s32 @!p2 s16, s18  }
0xd9: {  	[tilespmem:s22], [sflag:$0x6] =	stream.linear.gather @!p2 [hbm4b:s16+s15], $0x80, $0x38;
	[tilespmem:$0x1C580] =	vst v63  }
.Ltmp0:
0xda: {  	_ =	swait.ge [sflag:s14], $0x80;
	(pc) =	sbr.rel @p1 .LBB2_2-.Ltmp0, $4  }
0xdb: {  	[sflag:s14] =	ssyncset.done $0x0  }
0xdc: {  	[sflag:s14] =	ssyncadd.s32 $0xFFFFFF80  }
0xdd: {  	_ =	swait.ge [sflag:s14], $0x80  }
0xde: {  	[sflag:s14] =	ssyncset.done $0x0  }
0xdf: {  	[sflag:s14] =	ssyncadd.s32 $0xFFFFFF80  }
0xe0: {  	[tilespmem:s10], [sflag:$0x2] =	stream.indirect.gather [hbm4b:s1+s8], $0x80, s29, s8, $0xb8;
	[tilespmem:$0x1C580] =	vst v63  }
0xe1: {  	_ =	swait.ge [sflag:s11], $0x4000  }
0xe2: {  	[sflag:s11] =	ssyncset.done $0x0  }
0xe3: {  	[sflag:s11] =	ssyncadd.s32 $0xFFFFC000  }
0xe4: {  	[spmem:s2] =	stream.indirect.scatter.add.f32 [tilespmem:s9], [sflag:$0x7], $0x80, s28, s8, $0xb8;
	[tilespmem:$0x1C580] =	vst v63  }
0xe5: {  	_ =	swait.ge [sflag:s26], $0x4000  }
0xe6: {  	[sflag:s26] =	ssyncset.done $0x0  }
0xe7: {  	[sflag:s26] =	ssyncadd.s32 $0xFFFFC000  }
0xe8: {  	_ =	swait.ge [sflag:s12], $0x4000  }
0xe9: {  	[sflag:s12] =	ssyncset.done $0x0  }
0xea: {  	[sflag:s12] =	ssyncadd.s32 $0xFFFFC000  }
0xeb: {  	[spmem:s2] =	stream.indirect.scatter.add.f32 [tilespmem:s10], [sflag:$0x7], $0x80, s30, s8, $0xb8;
	[tilespmem:$0x1C580] =	vst v63  }
0xec: {  	_ =	swait.ge [sflag:s26], $0x4000  }
0xed: {  	[sflag:s26] =	ssyncset.done $0x0  }
0xee: {  	s16 =	simm.s32 $0x13880;
	s15 =	rddreg [dreg:$0x17];
	[sflag:s26] =	ssyncadd.s32 $0xFFFFC000  }
0xef: {  	[tilespmem:s16], [sflag:$0x7] =	stream.linear.gather [hbm4b:s15+s3], $0x10, $0x38;
	[tilespmem:$0x1C580] =	vst v63  }
0xf0: {  	_ =	swait.ge [sflag:s26], $0x10  }
0xf1: {  	[sflag:s26] =	ssyncset.done $0x0  }
0xf2: {  	s17 =	simm.s32 $0x13900;
	s18 =	rddreg [dreg:$0x18];
	[sflag:s26] =	ssyncadd.s32 $0xFFFFFFF0  }
0xf3: {  	[tilespmem:s17], [sflag:$0x7] =	stream.linear.gather [hbm4b:s18+s3], $0x10, $0x38;
	[tilespmem:$0x1C580] =	vst v63  }
0xf4: {  	_ =	swait.ge [sflag:s26], $0x10  }
0xf5: {  	[sflag:s26] =	ssyncset.done $0x0  }
0xf6: {  	s21 =	simm.s32 $0x10;
	s18 =	simm.s32 $0x13980;
	[sflag:s26] =	ssyncadd.s32 $0xFFFFFFF0  }
0xf7: {  	[tilespmem:s18], [sflag:$0x7] =	stream.indirect.gather [hbm4b:s1+s21], $0x80, s16, s21, $0xb8;
	[tilespmem:$0x1C580] =	vst v63  }
0xf8: {  	_ =	swait.ge [sflag:s26], $0x800  }
0xf9: {  	[sflag:s26] =	ssyncset.done $0x0  }
0xfa: {  	[sflag:s26] =	ssyncadd.s32 $0xFFFFF800  }
0xfb: {  	[spmem:s2] =	stream.indirect.scatter.add.f32 [tilespmem:s18], [sflag:$0x7], $0x80, s17, s21, $0xb8;
	[tilespmem:$0x1C580] =	vst v63  }
0xfc: {  	_ =	swait.ge [sflag:s26], $0x800  }
0xfd: {  	[sflag:s26] =	ssyncset.done $0x0  }
0xfe: {  	[sflag:s26] =	ssyncadd.s32 $0xFFFFF800  }
0xff: {  	[bflag:$0x0] =	sbarrier.arrive $0xFFFF  }
0x100: {  	s22 =	rddreg [dreg:$0x14]  }
0x101: {  	s23 =	rddreg [dreg:$0x1c]  }
0x102: {  	[hbm:s22], [sflag:s20] =	dma.local [spmem:s23], $0x2700  }
0x103: {  	_ =	swait.ge [sflag:s26], $0x2700  }
0x104: {  	[sflag:s26] =	ssyncset.done $0x0;
	s15 =	rddreg [dreg:$0x19]  }
0x105: {  	s16 =	rddreg [dreg:$0x1d];
	[sflag:s26] =	ssyncadd.s32 $0xFFFFD900  }
0x106: {  	[hbm:s15], [sflag:s20] =	dma.local @!p0 [spmem:s16], $0x100  }
0x107: {  	s15 =	simm.s32 @!p0 $0x7  }
0x108: {  	_ =	swait.ge @!p0 [sflag:s15], $0x100  }
0x109: {  	s19 =	sadd.s32 $0x1, s19;
	s24 =	rddreg [dreg:$0x1a]  }
0x10a: {  	p1 =	sne.s32 s19, s24  }
.Ltmp1:
0x10b: {  	_ = 	snop;
	(pc) =	sbr.rel @p1 .LBB2_1-.Ltmp1, $3  }
0x10c: {  	_ =	sdelay $0x1  }
0x10d: {  	[sflag:s15] =	ssyncset.done @!p0 $0x0  }
0x10e: {  	[sflag:s15] =	ssyncadd.s32 @!p0 $0xFFFFFF00  }
0x10f: {  	_ =	sfence.sel $0x180000  }
0x110: {  	[bflag:$0x0] =	sbarrier.arrive $0xFFFF  }
0x111: {  	_ =	strace $0x9000004A  }
0x112: {  	[bflag:$0x2] =	sbarrier.arrive $0xFFFF  }
0x113: {  	s0 =	rddreg [dreg:$0x3]  }
0x114: {  	s0 =	sadd.s32 @!p0 $0x100000, s0  }
0x115: {  	[sflag:s0] =	ssyncadd.tile.s32 @!p0 $0x1;
	_ =	shalt  }
.Lfunc_end2:
_tile_overlayer_lowered:
.L_overlay_start_2:
0x116: {  	(tag) =	ssettag $0x2  }
0x117: {  	s0 =	rddreg [dreg:$0x0];
	s2 =	stileid.u32  }
0x118: {  	s1 =	rddreg [dreg:$0x1];
	p0 =	sne.s32 s2, $0x0  }
0x119: {  	s3 =	rddreg [dreg:$0x2];
	[bflag:$0x3] =	sbarrier.arrive $0xFFFF;
	s2 =	simm.s32 @!p0 $0x1C07  }
0x11a: {  	[timem:s3], [sflag:s2] =	dma.local @!p0 [hbm:s0], s1  }
0x11b: {  	s0 =	simm.s32 @!p0 $0x7  }
0x11c: {  	_ =	swait.ge @!p0 [sflag:s0], s1  }
0x11d: {  	s1 =	ssub.s32 @!p0 $0x0, s1;
	[sflag:s0] =	ssyncset.done @!p0 $0x0  }
0x11e: {  	[sflag:s0] =	ssyncadd.s32 @!p0 s1  }
0x11f: {  	[bflag:$0x3] =	sbarrier.arrive $0xFFFF  }
0x120: {  	_ =	shalt  }

// kernel: kernel.15.cloned.1.call-start
scs
__scs_entry_jumppad:
0x0: {  	(pc) =	sbr.rel $0x88, $3  }
0x1: {  	(tag) =	ssettag $0x0;
	lr =	simm.s32 $0x1  }
0x2: {  	[smem:$0x3F93] =	sst lr;
	_ =	strace $0xD0000000  }
0x3: {  	_ = 	snop  }
0x4: {  	_ = 	snop  }
0x5: {  	_ = 	snop  }
0x6: {  	_ = 	snop  }
0x7: {  	_ = 	snop  }
__scs_overlays_trampoline_lowered:
0x8: {  	[smem:$0x3FA2] =	sst s0  }
0x9: {  	[smem:$0x3FA3] =	sst s1  }
0xa: {  	[smem:$0x3FA4] =	sst s2  }
0xb: {  	[smem:$0x3FA5] =	sst s3  }
0xc: {  	[smem:$0x3FA6] =	sst s4  }
0xd: {  	[smem:$0x3FA7] =	sst s5  }
0xe: {  	[smem:$0x3FA8] =	sst s6  }
0xf: {  	[smem:$0x3FA9] =	sst s7  }
0x10: {  	[smem:$0x3FAA] =	sst s8  }
0x11: {  	[smem:$0x3FAB] =	sst s9;
	s0 =	simm.s32 @!p0 $0x0  }
0x12: {  	s1 =	sld [smem:$0x3F91];
	s0 =	simm.s32 @p0 $0x1  }
0x13: {  	[smem:$0x3FAC] =	sst s0;
	s0 =	simm.s32 @!p1 $0x0  }
0x14: {  	s2 =	sld [smem:$0x3F90];
	s0 =	simm.s32 @p1 $0x1  }
0x15: {  	[smem:$0x3FAD] =	sst s0;
	s0 =	simm.s32 @!p2 $0x0  }
0x16: {  	s3 =	sld [smem:$0x3FDB];
	s0 =	simm.s32 @p2 $0x1  }
0x17: {  	s4 =	simm.s32 $0x1BF5;
	[smem:$0x3FAF] =	sst s0  }
0x18: {  	s0 =	sld [smem:$0x3F92];
	_ =	swait.ge [sflag:s4], $0x0  }
0x19: {  	s7 =	sld [smem:$0x3F93]  }
0x1a: {  	s8 =	sadd.s32 $0xFFFFE003, lr  }
0x1b: {  	s9 =	sadd.s32 $0xFFFFFEF7, lr;
	s5 =	simm.s32 $0xFFFFFFFF;
	p2 =	slt.u32 s8, $0xFFFFF086  }
0x1c: {  	p1 =	slt.u32 s9, $0xF7A;
	s5 =	simm.s32 @!p2 $0x0  }
0x1d: {  	s5 =	simm.s32 @p1 $0x1;
	p0 =	seq.s32 s7, s2  }
0x1e: {  	s7 =	smul.u32 @!p0 $0xF7A, s2;
	p2 =	seq.s32 @!p0 s5, $0x0  }
0x1f: {  	s9 =	smul.u32 $0xF7A, s1;
	s8 =	simm.s32 @!p0 $0x1BF5;
	p2 =	por !p2, p0  }
0x20: {  	[sflag:s8] =	ssyncset.s32 @!p0 $0xFFFFF086;
	s6 =	sadd.s32 @!p0 s3, s7;
	s7 =	simm.s32 @!p0 $0x108  }
0x21: {  	s3 =	sadd.s32 s3, s9;
	s6 =	sadd.s32 @!p0 $0x88, s6;
	s7 =	simm.s32 @p2 $0x1082  }
0x22: {  	[simem:s7], [sflag:s8] =	dma.local @!p0 [hbm:s6], $0xF7A  }
0x23: {  	s9 =	sor.u32 $0xD0000000, s2;
	s6 =	simm.s32 $0x108;
	_ =	swait.ge @!p0 [sflag:s8], $0x0  }
0x24: {  	s3 =	sadd.s32 $0x88, s3;
	s6 =	simm.s32 @!p1 $0x1082;
	[sflag:s4] =	ssyncset.s32 $0xFFFFF086  }
0x25: {  	[simem:s6], [sflag:s4] =	dma.local [hbm:s3], $0xF7A  }
0x26: {  	[smem:$0x3F93] =	sst s1;
	(tag) =	ssettag s2;
	_ =	strace s9  }
0x27: {  	s1 =	sld [smem:$0x3FA3]  }
0x28: {  	s2 =	sld [smem:$0x3FA4]  }
0x29: {  	s4 =	sld [smem:$0x3FA6]  }
0x2a: {  	p0 =	seq.s32 s5, $0x0;
	s5 =	sld [smem:$0x3FA7]  }
0x2b: {  	s6 =	sld [smem:$0x3FA8]  }
0x2c: {  	s7 =	sld [smem:$0x3FA9]  }
0x2d: {  	s3 =	simm.s32 $0x108;
	s8 =	sld [smem:$0x3FAA]  }
0x2e: {  	s3 =	simm.s32 @!p0 $0x1082;
	s9 =	sld [smem:$0x3FAB]  }
0x2f: {  	lr =	sadd.s32 s0, s3;
	s0 =	sld [smem:$0x3FA2]  }
0x30: {  	s3 =	sld [smem:$0x3FA5]  }
0x31: {  	[smem:$0x3FAE] =	sst s10  }
0x32: {  	s10 =	sld [smem:$0x3FAC];
	_ =	sdelay $0x3  }
0x33: {  	p0 =	seq.s32 s10, $0x1;
	s10 =	sld [smem:$0x3FAE];
	_ =	sdelay $0x3  }
0x34: {  	[smem:$0x3FAE] =	sst s10  }
0x35: {  	s10 =	sld [smem:$0x3FAD];
	_ =	sdelay $0x3  }
0x36: {  	p1 =	seq.s32 s10, $0x1;
	s10 =	sld [smem:$0x3FAE];
	_ =	sdelay $0x3  }
0x37: {  	[smem:$0x3FAE] =	sst s10  }
0x38: {  	s10 =	sld [smem:$0x3FAF]  }
0x39: {  	_ = 	snop;
	(pc) =	sbr.ind lr, $3  }
0x3a: {  	_ = 	snop  }
0x3b: {  	_ = 	snop  }
0x3c: {  	p2 =	seq.s32 s10, $0x1;
	s10 =	sld [smem:$0x3FAE]  }
0x3d: {  	_ =	shalt  }
0x3e: {  	_ =	shalt  }
0x3f: {  	_ =	shalt  }
0x40: {  	_ =	shalt  }
0x41: {  	_ =	shalt  }
0x42: {  	_ =	shalt  }
0x43: {  	_ =	shalt  }
0x44: {  	_ =	shalt  }
0x45: {  	_ =	shalt  }
0x46: {  	_ =	shalt  }
0x47: {  	_ =	shalt  }
0x48: {  	_ =	shalt  }
0x49: {  	_ =	shalt  }
0x4a: {  	_ =	shalt  }
0x4b: {  	_ =	shalt  }
0x4c: {  	_ =	shalt  }
0x4d: {  	_ =	shalt  }
0x4e: {  	_ =	shalt  }
0x4f: {  	_ =	shalt  }
0x50: {  	_ =	shalt  }
0x51: {  	_ =	shalt  }
0x52: {  	_ =	shalt  }
0x53: {  	_ =	shalt  }
0x54: {  	_ =	shalt  }
0x55: {  	_ =	shalt  }
0x56: {  	_ =	shalt  }
0x57: {  	_ =	shalt  }
0x58: {  	_ =	shalt  }
0x59: {  	_ =	shalt  }
0x5a: {  	_ =	shalt  }
0x5b: {  	_ =	shalt  }
0x5c: {  	_ =	shalt  }
0x5d: {  	_ =	shalt  }
0x5e: {  	_ =	shalt  }
0x5f: {  	_ =	shalt  }
0x60: {  	_ =	shalt  }
0x61: {  	_ =	shalt  }
0x62: {  	_ =	shalt  }
0x63: {  	_ =	shalt  }
0x64: {  	_ =	shalt  }
0x65: {  	_ =	shalt  }
0x66: {  	_ =	shalt  }
0x67: {  	_ =	shalt  }
0x68: {  	_ =	shalt  }
0x69: {  	_ =	shalt  }
0x6a: {  	_ =	shalt  }
0x6b: {  	_ =	shalt  }
0x6c: {  	_ =	shalt  }
0x6d: {  	_ =	shalt  }
0x6e: {  	_ =	shalt  }
0x6f: {  	_ =	shalt  }
0x70: {  	_ =	shalt  }
0x71: {  	_ =	shalt  }
0x72: {  	_ =	shalt  }
0x73: {  	_ =	shalt  }
0x74: {  	_ =	shalt  }
0x75: {  	_ =	shalt  }
0x76: {  	_ =	shalt  }
0x77: {  	_ =	shalt  }
0x78: {  	_ =	shalt  }
0x79: {  	_ =	shalt  }
0x7a: {  	_ =	shalt  }
0x7b: {  	_ =	shalt  }
0x7c: {  	_ =	shalt  }
0x7d: {  	_ =	shalt  }
0x7e: {  	_ =	shalt  }
0x7f: {  	_ =	shalt  }
0x80: {  	_ =	shalt  }
0x81: {  	_ =	shalt  }
0x82: {  	_ =	shalt  }
0x83: {  	_ =	shalt  }
0x84: {  	_ =	shalt  }
0x85: {  	_ =	shalt  }
0x86: {  	_ =	shalt  }
0x87: {  	_ =	shalt  }
.Lfunc_end0:
.L_simem_size_0:
called_computation.2_lowered:
.L_overlay_start_0:
0x88: {  	s2 =	sld [smem:$0x3FD9]  }
0x89: {  	s3 =	sld [smem:$0x3FFE];
	_ =	sdelay $0x1  }
0x8a: {  	s1 =	srdreg.scid  }
0x8b: {  	s0 =	sand.u32 $0x1, s1  }
0x8c: {  	s17 =	sshll.u32 s0, $0xA;
	s2 =	sadd.s32 s3, s2  }
0x8d: {  	s2 =	sadd.s32 s2, s17  }
0x8e: {  	[smem:$0x3FBA] =	sst s2  }
0x8f: {  	_ = 	snop  }
0x90: {  	s2 =	sld [smem:$0x3FD0];
	(tm) =	ssettm $0x1  }
0x91: {  	s18 =	sld [smem:$0x3FFB];
	_ =	sdelay $0x3  }
0x92: {  	_ =	strace s18  }
0x93: {  	s3 =	sld [smem:$0x3FFC];
	_ =	sdelay $0x3  }
0x94: {  	_ =	strace s3  }
0x95: {  	s3 =	sld [smem:$0x3FFD];
	_ =	sdelay $0x3  }
0x96: {  	_ =	strace s3  }
0x97: {  	_ =	strace $0x8FFFFFFF  }
0x98: {  	s19 =	sld [smem:$0x3FDB];
	_ =	sdelay $0x1  }
0x99: {  	s4 =	simm.s32 $_scs_section_size  }
0x9a: {  	s5 =	simm.s32 $_size__tile_overlayer_lowered;
	s6 =	simm.s32 $_tile_overlayer_lowered  }
0x9b: {  	s22 =	simm.s32 $0x1BFF;
	s21 =	sshll.u32 s6, $0x1;
	s3 =	sadd.s32 s4, s19  }
0x9c: {  	s7 =	simm.s32 $0x0;
	s20 =	sshll.u32 s5, $0x1;
	s5 =	sadd.s32 s21, s3  }
0x9d: {  	[timem:s7], [sflag:s22] =	dma.local [hbm:s5], s20  }
0x9e: {  	_ =	swait.ge [sflag:s22], s20  }
0x9f: {  	s4 =	ssub.s32 $0x0, s20;
	[sflag:s22] =	ssyncset.done $0x0  }
0xa0: {  	[sflag:s22] =	ssyncadd.s32 s4;
	_ =	sdelay $0x1  }
0xa1: {  	s23 =	simm.s32 $0x1B8B  }
0xa2: {  	_ =	swait.ge [sflag:s23], $0x1  }
0xa3: {  	[sflag:s23] =	ssyncset.done $0x0  }
0xa4: {  	s25 =	simm.s32 $0x1B8E;
	s24 =	sld [smem:$0x3FFE];
	[sflag:s23] =	ssyncadd.s32 $0xFFFFFFFF  }
0xa5: {  	s26 =	simm.s32 $execute0_lowered;
	[smem:$0x3FD2] =	sst s25  }
0xa6: {  	s5 =	sshll.u32 s26, $0x1;
	_ =	strace $0x8000004C;
	[dreg:$0x1] =	wrdreg $0xFFFFFFFF  }
0xa7: {  	s28 =	simm.s32 $_size_execute0_lowered;
	s3 =	sadd.s32 s3, s5;
	[dreg:$0x0] =	wrdreg $0x0  }
0xa8: {  	s5 =	sshll.u32 s28, $0x1;
	[dreg:$0x2] =	wrdreg s3  }
0xa9: {  	[dreg:$0x3] =	wrdreg s5  }
0xaa: {  	[dreg:$0x4] =	wrdreg $0xC0  }
0xab: {  	_ =	task [dreg:s7], $0x5FFFF  }
0xac: {  	[dreg:$0x1] =	wrdreg $0xFFFFFFFF  }
0xad: {  	[dreg:$0x0] =	wrdreg $0x60  }
0xae: {  	[dreg:$0x2] =	wrdreg s2  }
0xaf: {  	[dreg:$0x3] =	wrdreg s24  }
0xb0: {  	[dreg:$0x4] =	wrdreg $0x0  }
0xb1: {  	[dreg:$0x5] =	wrdreg $0x9  }
0xb2: {  	_ =	task.clear_ibuf [dreg:s7], $0x6FFFF;
	_ =	strace $0x9000004C  }
0xb3: {  	s29 =	simm.s32 $0x9;
	_ =	strace $0x8000004E  }
0xb4: {  	_ =	swait.ge [sflag:s29], $0x1  }
0xb5: {  	[sflag:s29] =	ssyncadd.s32 $0xFFFFFFFF  }
0xb6: {  	_ =	strace $0x9000004E  }
0xb7: {  	_ =	sfence  }
0xb8: {  	s30 =	sld [smem:$0x0];
	_ =	sdelay $0x2  }
0xb9: {  	s31 =	sshll.u32 s1, $0xD;
	s1 =	sshrl.u32 s1, $0x2  }
0xba: {  	s3 =	sand.u32 $0x4000, s31;
	s1 =	sadd.s32 s1, s30  }
0xbb: {  	s0 =	sor.u32 s3, s0;
	s1 =	sshll.u32 s1, $0x11  }
0xbc: {  	s0 =	sor.u32 s1, s0  }
0xbd: {  	s0 =	sadd.s32 $0x8F2B, s0  }
0xbe: {  	[sflag:s0] =	ssyncadd.remote.s32 $0x1  }
0xbf: {  	_ =	sfence.sel $0xFFFF  }
0xc0: {  	[dreg:$0x0] =	wrdreg $0xFFFFFFFF;
	(pc) =	sbr.abs _section_cstart, $3  }
0xc1: {  	[dreg:$0x1] =	wrdreg $0xFFFFFFFF  }
0xc2: {  	_ =	task.clear_ibuf [dreg:s7], $0x2FFFF;
	_ =	strace $0x9FFFFFFF  }
0xc3: {  	(tm) =	ssettm $0x7FFFFFFF  }
tec
execute0_lowered:
.L_overlay_start_1:
0x0: {  	(tag) =	ssettag $0x1  }
0x1: {  	s1 =	rddreg [dreg:$0x0]  }
0x2: {  	s0 =	rddreg [dreg:$0x1]  }
0x3: {  	s2 =	rddreg [dreg:$0x2]  }
0x4: {  	s3 =	simm.s32 $0x0;
	s16 =	stileid.u32;
	s4 =	srdreg.scid  }
0x5: {  	s28 =	simm.s32 $0x14380;
	s29 =	simm.s32 $0x14200;
	s30 =	simm.s32 $0x14400  }
0x6: {  	s31 =	simm.s32 $0x14280;
	[smem:$0x7FF] =	sst s3;
	s7 =	smul.u32 $0x13800, s16  }
0x7: {  	s4 =	sand.u32 $0x1, s4;
	s6 =	sshll.u32 s16, $0x1;
	s5 =	sadd.s32 $0x3000, s0  }
0x8: {  	s12 =	sadd.s32 $0x3DE00, s0;
	p0 =	sne.s32 s16, $0x0;
	s20 =	smul.u32 $0x2710, s4  }
0x9: {  	s6 =	sor.u32 s4, s6;
	s9 =	ssub.s32 $0x2, s4;
	s4 =	smul.u32 $0x138800, s4  }
0xa: {  	_ =	strace $0x8000004D;
	s8 =	sshrl.u32 s7, $0x3;
	s10 =	smul.u32 $0x2710, s6  }
0xb: {  	s6 =	sadd.s32 $0xCE00, s0;
	s11 =	sshrl.u32 s9, $0x1;
	s8 =	sadd.s32 s8, s0  }
0xc: {  	s9 =	ssub.s32 s9, s11;
	s7 =	sadd.s32 s7, s4;
	s4 =	sshrl.u32 s4, $0x3  }
0xd: {  	s0 =	sadd.s32 $0x3DC00, s0;
	s10 =	sshrl.u32 s10, $0x3;
	s8 =	sadd.s32 $0x16C00, s8  }
0xe: {  	s7 =	sshrl.u32 s7, $0x3;
	s4 =	sadd.s32 s12, s4;
	[dreg:$0x16] =	wrdreg s0  }
0xf: {  	s0 =	simm.s32 $0x14480;
	s14 =	sadd.s32 s5, s10;
	[dreg:$0x13] =	wrdreg s8  }
0x10: {  	s15 =	sadd.s32 s6, s10;
	s17 =	sadd.s32 $0x10, s10;
	[dreg:$0xa] =	wrdreg s14  }
0x11: {  	s18 =	sadd.s32 $0x20, s10;
	s7 =	sadd.s32 s12, s7;
	[dreg:$0xb] =	wrdreg s15  }
0x12: {  	s21 =	sadd.s32 $0x30, s10;
	s13 =	sadd.s32 s5, s17;
	[dreg:$0x14] =	wrdreg s7  }
0x13: {  	s8 =	simm.s32 $0x80;
	s11 =	sadd.s32 s6, s17;
	[dreg:$0xc] =	wrdreg s13  }
0x14: {  	s12 =	simm.s32 $0x2;
	s19 =	sadd.s32 s5, s18;
	[dreg:$0xd] =	wrdreg s11  }
0x15: {  	s14 =	smul.u32 $0x4E20, s16;
	s17 =	sadd.s32 s5, s21;
	[dreg:$0xe] =	wrdreg s19  }
0x16: {  	s15 =	smul.u32 $0x4E000, s16;
	s13 =	sadd.s32 s6, s18;
	[dreg:$0x10] =	wrdreg s17  }
0x17: {  	s19 =	sadd.s32 $0x4E0, s10;
	s10 =	simm.s32 $0x18580;
	[dreg:$0xf] =	wrdreg s13  }
0x18: {  	s11 =	sadd.s32 s20, s14;
	s13 =	sadd.s32 s6, s21;
	s22 =	sshrl.u32 s15, $0x2  }
0x19: {  	s21 =	sadd.s32 s5, s19;
	[dreg:$0x11] =	wrdreg s13;
	s14 =	sadd.s32 $0x380, s11  }
0x1a: {  	s13 =	sadd.s32 s22, s2;
	s25 =	sadd.s32 $0x300, s11;
	[dreg:$0x17] =	wrdreg s21  }
0x1b: {  	s15 =	sadd.s32 $0x280, s11;
	s22 =	sadd.s32 s6, s19;
	[dreg:$0x12] =	wrdreg s13  }
0x1c: {  	s23 =	sshrl.u32 s14, $0x3;
	s14 =	sadd.s32 $0x138000, s2;
	[dreg:$0x18] =	wrdreg s22  }
0x1d: {  	s19 =	simm.s32 $0x0;
	s24 =	sadd.s32 s23, s6;
	[dreg:$0x15] =	wrdreg s14  }
0x1e: {  	s7 =	sshrl.u32 s25, $0x3;
	s26 =	sadd.s32 s23, s5;
	[dreg:$0x4] =	wrdreg s24  }
0x1f: {  	s18 =	sshrl.u32 s15, $0x3;
	s13 =	sadd.s32 s7, s6;
	[dreg:$0x5] =	wrdreg s26  }
0x20: {  	s17 =	sadd.s32 s7, s5;
	s20 =	sadd.s32 s18, s6;
	[dreg:$0x6] =	wrdreg s13  }
0x21: {  	s23 =	sadd.s32 $0x27000, s4;
	s25 =	sadd.s32 s18, s5;
	[dreg:$0x7] =	wrdreg s17  }
0x22: {  	s4 =	simm.s32 $0x14300;
	s7 =	simm.s32 $0x14500;
	[dreg:$0x8] =	wrdreg s20  }
0x23: {  	s14 =	simm.s32 $0x4;
	[dreg:$0x19] =	wrdreg s23;
	s24 =	smax.u32 s9, $0x1  }
0x24: {  	[dreg:$0x9] =	wrdreg s25;
	s26 =	sadd.s32 $0x200, s11;
	s25 =	simm.s32 $0x14180  }
0x25: {  	s9 =	simm.s32 $0x14580;
	s11 =	simm.s32 $0x1;
	[dreg:$0x1a] =	wrdreg s24  }
0x26: {  	s13 =	simm.s32 $0x3;
	[dreg:$0x1b] =	wrdreg s26;
	s26 =	simm.s32 $0x7  }
.LBB2_1:
0x27: {  	s15 =	rddreg [dreg:$0xa]  }
0x28: {  	[tilespmem:s25], [sflag:$0x7] =	stream.linear.gather [hbm4b:s15+s3], $0x80, $0x38;
	[tilespmem:$0x1C580] =	vst v63  }
0x29: {  	_ =	swait.ge [sflag:s26], $0x80  }
0x2a: {  	[sflag:s26] =	ssyncset.done $0x0  }
0x2b: {  	s24 =	rddreg [dreg:$0xb];
	[sflag:s26] =	ssyncadd.s32 $0xFFFFFF80  }
0x2c: {  	[tilespmem:s28], [sflag:$0x7] =	stream.linear.gather [hbm4b:s24+s3], $0x80, $0x38;
	[tilespmem:$0x1C580] =	vst v63  }
0x2d: {  	_ =	swait.ge [sflag:s26], $0x80  }
0x2e: {  	[sflag:s26] =	ssyncset.done $0x0  }
0x2f: {  	s16 =	rddreg [dreg:$0xc];
	[sflag:s26] =	ssyncadd.s32 $0xFFFFFF80  }
0x30: {  	[tilespmem:s29], [sflag:$0x7] =	stream.linear.gather [hbm4b:s16+s3], $0x80, $0x38;
	[tilespmem:$0x1C580] =	vst v63  }
0x31: {  	_ =	swait.ge [sflag:s26], $0x80  }
0x32: {  	[sflag:s26] =	ssyncset.done $0x0  }
0x33: {  	s17 =	rddreg [dreg:$0xd];
	[sflag:s26] =	ssyncadd.s32 $0xFFFFFF80  }
0x34: {  	[tilespmem:s30], [sflag:$0x7] =	stream.linear.gather [hbm4b:s17+s3], $0x80, $0x38;
	[tilespmem:$0x1C580] =	vst v63  }
0x35: {  	_ =	swait.ge [sflag:s26], $0x80  }
0x36: {  	[sflag:s26] =	ssyncset.done $0x0  }
0x37: {  	s18 =	rddreg [dreg:$0xe];
	[sflag:s26] =	ssyncadd.s32 $0xFFFFFF80  }
0x38: {  	[tilespmem:s31], [sflag:$0x7] =	stream.linear.gather [hbm4b:s18+s3], $0x80, $0x38;
	[tilespmem:$0x1C580] =	vst v63  }
0x39: {  	_ =	swait.ge [sflag:s26], $0x80  }
0x3a: {  	[sflag:s26] =	ssyncset.done $0x0  }
0x3b: {  	s20 =	rddreg [dreg:$0xf];
	[sflag:s26] =	ssyncadd.s32 $0xFFFFFF80  }
0x3c: {  	[tilespmem:s0], [sflag:$0x7] =	stream.linear.gather [hbm4b:s20+s3], $0x80, $0x38;
	[tilespmem:$0x1C580] =	vst v63  }
0x3d: {  	_ =	swait.ge [sflag:s26], $0x80  }
0x3e: {  	[sflag:s26] =	ssyncset.done $0x0  }
0x3f: {  	s21 =	rddreg [dreg:$0x10];
	[sflag:s26] =	ssyncadd.s32 $0xFFFFFF80  }
0x40: {  	[tilespmem:s4], [sflag:$0x7] =	stream.linear.gather [hbm4b:s21+s3], $0x80, $0x38;
	[tilespmem:$0x1C580] =	vst v63  }
0x41: {  	_ =	swait.ge [sflag:s26], $0x80  }
0x42: {  	[sflag:s26] =	ssyncset.done $0x0  }
0x43: {  	s22 =	rddreg [dreg:$0x11];
	[sflag:s26] =	ssyncadd.s32 $0xFFFFFF80  }
0x44: {  	[tilespmem:s7], [sflag:$0x7] =	stream.linear.gather [hbm4b:s22+s3], $0x80, $0x38;
	[tilespmem:$0x1C580] =	vst v63  }
0x45: {  	s23 =	stileid.u32;
	_ =	swait.ge [sflag:s26], $0x80  }
0x46: {  	s16 =	sshll.u32 s23, $0x6;
	[sflag:s26] =	ssyncset.done $0x0;
	s24 =	rddreg [dreg:$0x12]  }
0x47: {  	s17 =	rddreg [dreg:$0x13];
	[sflag:s26] =	ssyncadd.s32 $0xFFFFFF80;
	s15 =	sshrl.u32 s24, $0x3  }
0x48: {  	[tilespmem:s9], [sflag:$0x1] =	stream.indirect.gather [hbm4b:s1+s8], $0x80, s25, s8, $0xb8;
	[tilespmem:$0x1C580] =	vst v63  }
0x49: {  	s20 =	sor.u32 $0x1C07, s16;
	[dreg:$0x1c] =	wrdreg s15  }
0x4a: {  	[tilespmem:s10], [sflag:$0x2] =	stream.indirect.gather [hbm4b:s1+s8], $0x80, s29, s8, $0xb8;
	[tilespmem:$0x1C580] =	vst v63  }
0x4b: {  	[spmem:s15], [sflag:s20] =	dma.local [hbm:s17], $0x2700  }
0x4c: {  	_ =	swait.ge [sflag:s26], $0x2700  }
0x4d: {  	s15 =	rddreg [dreg:$0x15]  }
0x4e: {  	[sflag:s26] =	ssyncset.done $0x0;
	s16 =	sshrl.u32 @!p0 s15, $0x3;
	s15 =	rddreg [dreg:$0x16]  }
0x4f: {  	[sflag:s26] =	ssyncadd.s32 $0xFFFFD900;
	[dreg:$0x1d] =	wrdreg s16  }
0x50: {  	[spmem:s16], [sflag:s20] =	dma.local @!p0 [hbm:s15], $0x100  }
0x51: {  	s16 =	simm.s32 @!p0 $0x7  }
0x52: {  	_ =	swait.ge @!p0 [sflag:s16], $0x100  }
0x53: {  	[sflag:s16] =	ssyncset.done @!p0 $0x0  }
0x54: {  	[sflag:s16] =	ssyncadd.s32 @!p0 $0xFFFFFF00  }
0x55: {  	[bflag:$0x0] =	sbarrier.arrive $0xFFFF  }
0x56: {  	_ =	swait.ge [sflag:s11], $0x4000  }
0x57: {  	[sflag:s11] =	ssyncset.done $0x0  }
0x58: {  	[sflag:s11] =	ssyncadd.s32 $0xFFFFC000  }
0x59: {  	[spmem:s2] =	stream.indirect.scatter.add.f32 [tilespmem:s9], [sflag:$0x7], $0x80, s28, s8, $0xb8;
	[tilespmem:$0x1C580] =	vst v63  }
0x5a: {  	_ =	swait.ge [sflag:s26], $0x4000  }
0x5b: {  	s15 =	rddreg [dreg:$0x1b]  }
0x5c: {  	[sflag:s26] =	ssyncset.done $0x0;
	s18 =	sshrl.u32 s15, $0x3  }
0x5d: {  	[sflag:s26] =	ssyncadd.s32 $0xFFFFC000;
	s23 =	sadd.s32 s5, s18  }
0x5e: {  	[tilespmem:s25], [sflag:$0x3] =	stream.linear.gather [hbm4b:s23+s3], $0x80, $0x38;
	[tilespmem:$0x1C580] =	vst v63  }
0x5f: {  	p1 =	por $0x1, $0x1;
	s16 =	sadd.s32 s6, s18  }
0x60: {  	[tilespmem:s28], [sflag:$0x3] =	stream.linear.gather [hbm4b:s16+s3], $0x80, $0x38;
	[tilespmem:$0x1C580] =	vst v63  }
0x61: {  	s16 =	simm.s32 @!p1 $0x5  }
0x62: {  	_ =	swait.ge @!p1 [sflag:s16], $0x80  }
0x63: {  	[sflag:s16] =	ssyncset.done @!p1 $0x0  }
0x64: {  	[sflag:s16] =	ssyncadd.s32 @!p1 $0xFFFFFF80  }
0x65: {  	_ =	swait.ge @!p1 [sflag:s16], $0x80  }
0x66: {  	[sflag:s16] =	ssyncset.done @!p1 $0x0  }
0x67: {  	[sflag:s16] =	ssyncadd.s32 @!p1 $0xFFFFFF80  }
0x68: {  	[tilespmem:s9], [sflag:$0x1] =	stream.indirect.gather [hbm4b:s1+s8], $0x80, s31, s8, $0xb8;
	[tilespmem:$0x1C580] =	vst v63  }
0x69: {  	_ =	swait.ge [sflag:s12], $0x4000  }
0x6a: {  	[sflag:s12] =	ssyncset.done $0x0  }
0x6b: {  	[sflag:s12] =	ssyncadd.s32 $0xFFFFC000  }
0x6c: {  	[spmem:s2] =	stream.indirect.scatter.add.f32 [tilespmem:s10], [sflag:$0x7], $0x80, s30, s8, $0xb8;
	[tilespmem:$0x1C580] =	vst v63  }
0x6d: {  	_ =	swait.ge [sflag:s26], $0x4000  }
0x6e: {  	s21 =	rddreg [dreg:$0x9];
	[sflag:s26] =	ssyncset.done $0x0  }
0x6f: {  	s22 =	rddreg [dreg:$0x8];
	[sflag:s26] =	ssyncadd.s32 $0xFFFFC000;
	s16 =	sadd.s32 $0x0, s21  }
0x70: {  	[tilespmem:s29], [sflag:$0x4] =	stream.linear.gather [hbm4b:s16+s3], $0x80, $0x38;
	[tilespmem:$0x1C580] =	vst v63  }
0x71: {  	s23 =	simm.s32 @!p1 $0x6;
	s24 =	sadd.s32 $0x0, s22  }
0x72: {  	[tilespmem:s30], [sflag:$0x4] =	stream.linear.gather [hbm4b:s24+s3], $0x80, $0x38;
	[tilespmem:$0x1C580] =	vst v63  }
0x73: {  	_ =	swait.ge @!p1 [sflag:s23], $0x80  }
0x74: {  	[sflag:s23] =	ssyncset.done @!p1 $0x0  }
0x75: {  	[sflag:s23] =	ssyncadd.s32 @!p1 $0xFFFFFF80  }
0x76: {  	_ =	swait.ge @!p1 [sflag:s23], $0x80  }
0x77: {  	[sflag:s23] =	ssyncset.done @!p1 $0x0  }
0x78: {  	[sflag:s23] =	ssyncadd.s32 @!p1 $0xFFFFFF80  }
0x79: {  	[tilespmem:s10], [sflag:$0x2] =	stream.indirect.gather [hbm4b:s1+s8], $0x80, s4, s8, $0xb8;
	[tilespmem:$0x1C580] =	vst v63  }
0x7a: {  	_ =	swait.ge [sflag:s11], $0x4000  }
0x7b: {  	[sflag:s11] =	ssyncset.done $0x0  }
0x7c: {  	p1 =	por $0x0, $0x0;
	[sflag:s11] =	ssyncadd.s32 $0xFFFFC000  }
0x7d: {  	[spmem:s2] =	stream.indirect.scatter.add.f32 [tilespmem:s9], [sflag:$0x7], $0x80, s0, s8, $0xb8;
	[tilespmem:$0x1C580] =	vst v63  }
0x7e: {  	s24 =	simm.s32 @!p1 $0x0;
	_ =	swait.ge [sflag:s26], $0x4000  }
0x7f: {  	s17 =	simm.s32 @!p1 $0x14280;
	s16 =	rddreg [dreg:$0x7];
	[sflag:s26] =	ssyncset.done $0x0  }
0x80: {  	s23 =	rddreg [dreg:$0x6];
	[sflag:s26] =	ssyncadd.s32 $0xFFFFC000;
	s16 =	sadd.s32 @!p1 $0x0, s16  }
0x81: {  	[tilespmem:s17], [sflag:$0x5] =	stream.linear.gather @!p1 [hbm4b:s16+s24], $0x80, $0x38;
	[tilespmem:$0x1C580] =	vst v63  }
0x82: {  	s16 =	sadd.s32 @!p1 $0x0, s23;
	s17 =	simm.s32 @!p1 $0x14480  }
0x83: {  	[tilespmem:s17], [sflag:$0x5] =	stream.linear.gather @!p1 [hbm4b:s16+s24], $0x80, $0x38;
	[tilespmem:$0x1C580] =	vst v63  }
0x84: {  	_ =	swait.ge [sflag:s13], $0x80  }
0x85: {  	[sflag:s13] =	ssyncset.done $0x0  }
0x86: {  	[sflag:s13] =	ssyncadd.s32 $0xFFFFFF80  }
0x87: {  	_ =	swait.ge [sflag:s13], $0x80  }
0x88: {  	[sflag:s13] =	ssyncset.done $0x0  }
0x89: {  	[sflag:s13] =	ssyncadd.s32 $0xFFFFFF80  }
0x8a: {  	[tilespmem:s9], [sflag:$0x1] =	stream.indirect.gather [hbm4b:s1+s8], $0x80, s25, s8, $0xb8;
	[tilespmem:$0x1C580] =	vst v63  }
0x8b: {  	_ =	swait.ge [sflag:s12], $0x4000  }
0x8c: {  	[sflag:s12] =	ssyncset.done $0x0  }
0x8d: {  	[sflag:s12] =	ssyncadd.s32 $0xFFFFC000  }
0x8e: {  	[spmem:s2] =	stream.indirect.scatter.add.f32 [tilespmem:s10], [sflag:$0x7], $0x80, s7, s8, $0xb8;
	[tilespmem:$0x1C580] =	vst v63  }
0x8f: {  	_ =	swait.ge [sflag:s26], $0x4000  }
0x90: {  	s23 =	simm.s32 @!p1 $0x14300;
	s16 =	rddreg [dreg:$0x5];
	[sflag:s26] =	ssyncset.done $0x0  }
0x91: {  	s17 =	rddreg [dreg:$0x4];
	[sflag:s26] =	ssyncadd.s32 $0xFFFFC000;
	s16 =	sadd.s32 @!p1 $0x0, s16  }
0x92: {  	[tilespmem:s23], [sflag:$0x6] =	stream.linear.gather @!p1 [hbm4b:s16+s24], $0x80, $0x38;
	[tilespmem:$0x1C580] =	vst v63  }
0x93: {  	s17 =	sadd.s32 @!p1 $0x0, s17;
	s16 =	simm.s32 @!p1 $0x14500  }
0x94: {  	[tilespmem:s16], [sflag:$0x6] =	stream.linear.gather @!p1 [hbm4b:s17+s24], $0x80, $0x38;
	[tilespmem:$0x1C580] =	vst v63  }
0x95: {  	_ =	swait.ge [sflag:s14], $0x80  }
0x96: {  	[sflag:s14] =	ssyncset.done $0x0  }
0x97: {  	[sflag:s14] =	ssyncadd.s32 $0xFFFFFF80  }
0x98: {  	_ =	swait.ge [sflag:s14], $0x80  }
0x99: {  	s23 =	simm.s32 $0x40;
	s24 =	smov.u32 s15;
	[sflag:s14] =	ssyncset.done $0x0  }
.LBB2_2:
0x9a: {  	[sflag:s14] =	ssyncadd.s32 $0xFFFFFF80  }
0x9b: {  	[tilespmem:s10], [sflag:$0x2] =	stream.indirect.gather [hbm4b:s1+s8], $0x80, s29, s8, $0xb8;
	[tilespmem:$0x1C580] =	vst v63  }
0x9c: {  	_ =	swait.ge [sflag:s11], $0x4000  }
0x9d: {  	[sflag:s11] =	ssyncset.done $0x0  }
0x9e: {  	[sflag:s11] =	ssyncadd.s32 $0xFFFFC000  }
0x9f: {  	[spmem:s2] =	stream.indirect.scatter.add.f32 [tilespmem:s9], [sflag:$0x7], $0x80, s28, s8, $0xb8;
	[tilespmem:$0x1C580] =	vst v63  }
0xa0: {  	s24 =	sadd.s32 $0x200, s24;
	_ =	swait.ge [sflag:s26], $0x4000  }
0xa1: {  	s17 =	sshrl.u32 s24, $0x3;
	[sflag:s26] =	ssyncset.done $0x0  }
0xa2: {  	s16 =	smov.u32 s23;
	s18 =	sadd.s32 s5, s17;
	[sflag:s26] =	ssyncadd.s32 $0xFFFFC000  }
0xa3: {  	[tilespmem:s25], [sflag:$0x3] =	stream.linear.gather [hbm4b:s18+s3], $0x80, $0x38;
	[tilespmem:$0x1C580] =	vst v63  }
0xa4: {  	p2 =	seq.s32 s16, $0x0;
	s17 =	sadd.s32 s6, s17  }
0xa5: {  	[tilespmem:s28], [sflag:$0x3] =	stream.linear.gather [hbm4b:s17+s3], $0x80, $0x38;
	[tilespmem:$0x1C580] =	vst v63  }
0xa6: {  	s17 =	simm.s32 @!p2 $0x5  }
0xa7: {  	_ =	swait.ge @!p2 [sflag:s17], $0x80  }
0xa8: {  	[sflag:s17] =	ssyncset.done @!p2 $0x0  }
0xa9: {  	[sflag:s17] =	ssyncadd.s32 @!p2 $0xFFFFFF80  }
0xaa: {  	_ =	swait.ge @!p2 [sflag:s17], $0x80  }
0xab: {  	[sflag:s17] =	ssyncset.done @!p2 $0x0  }
0xac: {  	[sflag:s17] =	ssyncadd.s32 @!p2 $0xFFFFFF80  }
0xad: {  	[tilespmem:s9], [sflag:$0x1] =	stream.indirect.gather [hbm4b:s1+s8], $0x80, s31, s8, $0xb8;
	[tilespmem:$0x1C580] =	vst v63  }
0xae: {  	_ =	swait.ge [sflag:s12], $0x4000  }
0xaf: {  	[sflag:s12] =	ssyncset.done $0x0  }
0xb0: {  	[sflag:s12] =	ssyncadd.s32 $0xFFFFC000  }
0xb1: {  	[spmem:s2] =	stream.indirect.scatter.add.f32 [tilespmem:s10], [sflag:$0x7], $0x80, s30, s8, $0xb8;
	[tilespmem:$0x1C580] =	vst v63  }
0xb2: {  	_ =	swait.ge [sflag:s26], $0x4000  }
0xb3: {  	s18 =	rddreg [dreg:$0x9];
	[sflag:s26] =	ssyncset.done $0x0  }
0xb4: {  	s21 =	rddreg [dreg:$0x8];
	[sflag:s26] =	ssyncadd.s32 $0xFFFFC000;
	s17 =	sadd.s32 s16, s18  }
0xb5: {  	[tilespmem:s29], [sflag:$0x4] =	stream.linear.gather [hbm4b:s17+s3], $0x80, $0x38;
	[tilespmem:$0x1C580] =	vst v63  }
0xb6: {  	s22 =	sadd.s32 s16, s21;
	s18 =	simm.s32 @!p2 $0x6  }
0xb7: {  	[tilespmem:s30], [sflag:$0x4] =	stream.linear.gather [hbm4b:s22+s3], $0x80, $0x38;
	[tilespmem:$0x1C580] =	vst v63  }
0xb8: {  	_ =	swait.ge @!p2 [sflag:s18], $0x80  }
0xb9: {  	[sflag:s18] =	ssyncset.done @!p2 $0x0  }
0xba: {  	[sflag:s18] =	ssyncadd.s32 @!p2 $0xFFFFFF80  }
0xbb: {  	_ =	swait.ge @!p2 [sflag:s18], $0x80  }
0xbc: {  	[sflag:s18] =	ssyncset.done @!p2 $0x0  }
0xbd: {  	[sflag:s18] =	ssyncadd.s32 @!p2 $0xFFFFFF80  }
0xbe: {  	[tilespmem:s10], [sflag:$0x2] =	stream.indirect.gather [hbm4b:s1+s8], $0x80, s4, s8, $0xb8;
	[tilespmem:$0x1C580] =	vst v63  }
0xbf: {  	_ =	swait.ge [sflag:s11], $0x4000  }
0xc0: {  	[sflag:s11] =	ssyncset.done $0x0  }
0xc1: {  	p2 =	seq.s32 s16, $0x480;
	[sflag:s11] =	ssyncadd.s32 $0xFFFFC000  }
0xc2: {  	[spmem:s2] =	stream.indirect.scatter.add.f32 [tilespmem:s9], [sflag:$0x7], $0x80, s0, s8, $0xb8;
	[tilespmem:$0x1C580] =	vst v63  }
0xc3: {  	s15 =	simm.s32 @!p2 $0x0;
	_ =	swait.ge [sflag:s26], $0x4000  }
0xc4: {  	s21 =	simm.s32 @!p2 $0x14280;
	s17 =	rddreg [dreg:$0x7];
	[sflag:s26] =	ssyncset.done $0x0  }
0xc5: {  	s18 =	rddreg [dreg:$0x6];
	[sflag:s26] =	ssyncadd.s32 $0xFFFFC000;
	s17 =	sadd.s32 @!p2 s16, s17  }
0xc6: {  	[tilespmem:s21], [sflag:$0x5] =	stream.linear.gather @!p2 [hbm4b:s17+s15], $0x80, $0x38;
	[tilespmem:$0x1C580] =	vst v63  }
0xc7: {  	s17 =	sadd.s32 @!p2 s16, s18;
	s18 =	simm.s32 @!p2 $0x14480  }
0xc8: {  	[tilespmem:s18], [sflag:$0x5] =	stream.linear.gather @!p2 [hbm4b:s17+s15], $0x80, $0x38;
	[tilespmem:$0x1C580] =	vst v63  }
0xc9: {  	_ =	swait.ge [sflag:s13], $0x80  }
0xca: {  	[sflag:s13] =	ssyncset.done $0x0  }
0xcb: {  	[sflag:s13] =	ssyncadd.s32 $0xFFFFFF80  }
0xcc: {  	_ =	swait.ge [sflag:s13], $0x80  }
0xcd: {  	[sflag:s13] =	ssyncset.done $0x0  }
0xce: {  	[sflag:s13] =	ssyncadd.s32 $0xFFFFFF80  }
0xcf: {  	[tilespmem:s9], [sflag:$0x1] =	stream.indirect.gather [hbm4b:s1+s8], $0x80, s25, s8, $0xb8;
	[tilespmem:$0x1C580] =	vst v63  }
0xd0: {  	_ =	swait.ge [sflag:s12], $0x4000  }
0xd1: {  	[sflag:s12] =	ssyncset.done $0x0  }
0xd2: {  	[sflag:s12] =	ssyncadd.s32 $0xFFFFC000  }
0xd3: {  	[spmem:s2] =	stream.indirect.scatter.add.f32 [tilespmem:s10], [sflag:$0x7], $0x80, s7, s8, $0xb8;
	[tilespmem:$0x1C580] =	vst v63  }
0xd4: {  	s23 =	sadd.s32 $0x40, s23;
	_ =	swait.ge [sflag:s26], $0x4000  }
0xd5: {  	s21 =	simm.s32 @!p2 $0x14300;
	s17 =	rddreg [dreg:$0x5];
	[sflag:s26] =	ssyncset.done $0x0  }
0xd6: {  	s18 =	rddreg [dreg:$0x4];
	[sflag:s26] =	ssyncadd.s32 $0xFFFFC000;
	s17 =	sadd.s32 @!p2 s16, s17  }
0xd7: {  	[tilespmem:s21], [sflag:$0x6] =	stream.linear.gather @!p2 [hbm4b:s17+s15], $0x80, $0x38;
	[tilespmem:$0x1C580] =	vst v63  }
0xd8: {  	p1 =	sne.s32 s23, $0x4C0;
	s22 =	simm.s32 @!p2 $0x14500;
	s16 =	sadd.s32 @!p2 s16, s18  }
0xd9: {  	[tilespmem:s22], [sflag:$0x6] =	stream.linear.gather @!p2 [hbm4b:s16+s15], $0x80, $0x38;
	[tilespmem:$0x1C580] =	vst v63  }
.Ltmp0:
0xda: {  	_ =	swait.ge [sflag:s14], $0x80;
	(pc) =	sbr.rel @p1 .LBB2_2-.Ltmp0, $4  }
0xdb: {  	[sflag:s14] =	ssyncset.done $0x0  }
0xdc: {  	[sflag:s14] =	ssyncadd.s32 $0xFFFFFF80  }
0xdd: {  	_ =	swait.ge [sflag:s14], $0x80  }
0xde: {  	[sflag:s14] =	ssyncset.done $0x0  }
0xdf: {  	[sflag:s14] =	ssyncadd.s32 $0xFFFFFF80  }
0xe0: {  	[tilespmem:s10], [sflag:$0x2] =	stream.indirect.gather [hbm4b:s1+s8], $0x80, s29, s8, $0xb8;
	[tilespmem:$0x1C580] =	vst v63  }
0xe1: {  	_ =	swait.ge [sflag:s11], $0x4000  }
0xe2: {  	[sflag:s11] =	ssyncset.done $0x0  }
0xe3: {  	[sflag:s11] =	ssyncadd.s32 $0xFFFFC000  }
0xe4: {  	[spmem:s2] =	stream.indirect.scatter.add.f32 [tilespmem:s9], [sflag:$0x7], $0x80, s28, s8, $0xb8;
	[tilespmem:$0x1C580] =	vst v63  }
0xe5: {  	_ =	swait.ge [sflag:s26], $0x4000  }
0xe6: {  	[sflag:s26] =	ssyncset.done $0x0  }
0xe7: {  	[sflag:s26] =	ssyncadd.s32 $0xFFFFC000  }
0xe8: {  	_ =	swait.ge [sflag:s12], $0x4000  }
0xe9: {  	[sflag:s12] =	ssyncset.done $0x0  }
0xea: {  	[sflag:s12] =	ssyncadd.s32 $0xFFFFC000  }
0xeb: {  	[spmem:s2] =	stream.indirect.scatter.add.f32 [tilespmem:s10], [sflag:$0x7], $0x80, s30, s8, $0xb8;
	[tilespmem:$0x1C580] =	vst v63  }
0xec: {  	_ =	swait.ge [sflag:s26], $0x4000  }
0xed: {  	[sflag:s26] =	ssyncset.done $0x0  }
0xee: {  	s16 =	simm.s32 $0x13880;
	s15 =	rddreg [dreg:$0x17];
	[sflag:s26] =	ssyncadd.s32 $0xFFFFC000  }
0xef: {  	[tilespmem:s16], [sflag:$0x7] =	stream.linear.gather [hbm4b:s15+s3], $0x10, $0x38;
	[tilespmem:$0x1C580] =	vst v63  }
0xf0: {  	_ =	swait.ge [sflag:s26], $0x10  }
0xf1: {  	[sflag:s26] =	ssyncset.done $0x0  }
0xf2: {  	s17 =	simm.s32 $0x13900;
	s18 =	rddreg [dreg:$0x18];
	[sflag:s26] =	ssyncadd.s32 $0xFFFFFFF0  }
0xf3: {  	[tilespmem:s17], [sflag:$0x7] =	stream.linear.gather [hbm4b:s18+s3], $0x10, $0x38;
	[tilespmem:$0x1C580] =	vst v63  }
0xf4: {  	_ =	swait.ge [sflag:s26], $0x10  }
0xf5: {  	[sflag:s26] =	ssyncset.done $0x0  }
0xf6: {  	s21 =	simm.s32 $0x10;
	s18 =	simm.s32 $0x13980;
	[sflag:s26] =	ssyncadd.s32 $0xFFFFFFF0  }
0xf7: {  	[tilespmem:s18], [sflag:$0x7] =	stream.indirect.gather [hbm4b:s1+s21], $0x80, s16, s21, $0xb8;
	[tilespmem:$0x1C580] =	vst v63  }
0xf8: {  	_ =	swait.ge [sflag:s26], $0x800  }
0xf9: {  	[sflag:s26] =	ssyncset.done $0x0  }
0xfa: {  	[sflag:s26] =	ssyncadd.s32 $0xFFFFF800  }
0xfb: {  	[spmem:s2] =	stream.indirect.scatter.add.f32 [tilespmem:s18], [sflag:$0x7], $0x80, s17, s21, $0xb8;
	[tilespmem:$0x1C580] =	vst v63  }
0xfc: {  	_ =	swait.ge [sflag:s26], $0x800  }
0xfd: {  	[sflag:s26] =	ssyncset.done $0x0  }
0xfe: {  	[sflag:s26] =	ssyncadd.s32 $0xFFFFF800  }
0xff: {  	[bflag:$0x0] =	sbarrier.arrive $0xFFFF  }
0x100: {  	s22 =	rddreg [dreg:$0x14]  }
0x101: {  	s23 =	rddreg [dreg:$0x1c]  }
0x102: {  	[hbm:s22], [sflag:s20] =	dma.local [spmem:s23], $0x2700  }
0x103: {  	_ =	swait.ge [sflag:s26], $0x2700  }
0x104: {  	[sflag:s26] =	ssyncset.done $0x0;
	s15 =	rddreg [dreg:$0x19]  }
0x105: {  	s16 =	rddreg [dreg:$0x1d];
	[sflag:s26] =	ssyncadd.s32 $0xFFFFD900  }
0x106: {  	[hbm:s15], [sflag:s20] =	dma.local @!p0 [spmem:s16], $0x100  }
0x107: {  	s15 =	simm.s32 @!p0 $0x7  }
0x108: {  	_ =	swait.ge @!p0 [sflag:s15], $0x100  }
0x109: {  	s19 =	sadd.s32 $0x1, s19;
	s24 =	rddreg [dreg:$0x1a]  }
0x10a: {  	p1 =	sne.s32 s19, s24  }
.Ltmp1:
0x10b: {  	_ = 	snop;
	(pc) =	sbr.rel @p1 .LBB2_1-.Ltmp1, $3  }
0x10c: {  	_ =	sdelay $0x1  }
0x10d: {  	[sflag:s15] =	ssyncset.done @!p0 $0x0  }
0x10e: {  	[sflag:s15] =	ssyncadd.s32 @!p0 $0xFFFFFF00  }
0x10f: {  	_ =	sfence.sel $0x180000  }
0x110: {  	[bflag:$0x0] =	sbarrier.arrive $0xFFFF  }
0x111: {  	_ =	strace $0x9000004D  }
0x112: {  	[bflag:$0x2] =	sbarrier.arrive $0xFFFF  }
0x113: {  	s0 =	rddreg [dreg:$0x3]  }
0x114: {  	s0 =	sadd.s32 @!p0 $0x100000, s0  }
0x115: {  	[sflag:s0] =	ssyncadd.tile.s32 @!p0 $0x1;
	_ =	shalt  }
.Lfunc_end2:
_tile_overlayer_lowered:
.L_overlay_start_2:
0x116: {  	(tag) =	ssettag $0x2  }
0x117: {  	s0 =	rddreg [dreg:$0x0];
	s2 =	stileid.u32  }
0x118: {  	s1 =	rddreg [dreg:$0x1];
	p0 =	sne.s32 s2, $0x0  }
0x119: {  	s3 =	rddreg [dreg:$0x2];
	[bflag:$0x3] =	sbarrier.arrive $0xFFFF;
	s2 =	simm.s32 @!p0 $0x1C07  }
0x11a: {  	[timem:s3], [sflag:s2] =	dma.local @!p0 [hbm:s0], s1  }
0x11b: {  	s0 =	simm.s32 @!p0 $0x7  }
0x11c: {  	_ =	swait.ge @!p0 [sflag:s0], s1  }
0x11d: {  	s1 =	ssub.s32 @!p0 $0x0, s1;
	[sflag:s0] =	ssyncset.done @!p0 $0x0  }
0x11e: {  	[sflag:s0] =	ssyncadd.s32 @!p0 s1  }
0x11f: {  	[bflag:$0x3] =	sbarrier.arrive $0xFFFF  }
0x120: {  	_ =	shalt  }

// kernel: kernel.9.cloned.1.call-start
scs
__scs_entry_jumppad:
0x0: {  	(pc) =	sbr.rel $0x88, $3  }
0x1: {  	(tag) =	ssettag $0x0;
	lr =	simm.s32 $0x1  }
0x2: {  	[smem:$0x3F93] =	sst lr;
	_ =	strace $0xD0000000  }
0x3: {  	_ = 	snop  }
0x4: {  	_ = 	snop  }
0x5: {  	_ = 	snop  }
0x6: {  	_ = 	snop  }
0x7: {  	_ = 	snop  }
__scs_overlays_trampoline_lowered:
0x8: {  	[smem:$0x3FA2] =	sst s0  }
0x9: {  	[smem:$0x3FA3] =	sst s1  }
0xa: {  	[smem:$0x3FA4] =	sst s2  }
0xb: {  	[smem:$0x3FA5] =	sst s3  }
0xc: {  	[smem:$0x3FA6] =	sst s4  }
0xd: {  	[smem:$0x3FA7] =	sst s5  }
0xe: {  	[smem:$0x3FA8] =	sst s6  }
0xf: {  	[smem:$0x3FA9] =	sst s7  }
0x10: {  	[smem:$0x3FAA] =	sst s8  }
0x11: {  	[smem:$0x3FAB] =	sst s9;
	s0 =	simm.s32 @!p0 $0x0  }
0x12: {  	s1 =	sld [smem:$0x3F91];
	s0 =	simm.s32 @p0 $0x1  }
0x13: {  	[smem:$0x3FAC] =	sst s0;
	s0 =	simm.s32 @!p1 $0x0  }
0x14: {  	s2 =	sld [smem:$0x3F90];
	s0 =	simm.s32 @p1 $0x1  }
0x15: {  	[smem:$0x3FAD] =	sst s0;
	s0 =	simm.s32 @!p2 $0x0  }
0x16: {  	s3 =	sld [smem:$0x3FDB];
	s0 =	simm.s32 @p2 $0x1  }
0x17: {  	s4 =	simm.s32 $0x1BF5;
	[smem:$0x3FAF] =	sst s0  }
0x18: {  	s0 =	sld [smem:$0x3F92];
	_ =	swait.ge [sflag:s4], $0x0  }
0x19: {  	s7 =	sld [smem:$0x3F93]  }
0x1a: {  	s8 =	sadd.s32 $0xFFFFE003, lr  }
0x1b: {  	s9 =	sadd.s32 $0xFFFFFEF7, lr;
	s5 =	simm.s32 $0xFFFFFFFF;
	p2 =	slt.u32 s8, $0xFFFFF086  }
0x1c: {  	p1 =	slt.u32 s9, $0xF7A;
	s5 =	simm.s32 @!p2 $0x0  }
0x1d: {  	s5 =	simm.s32 @p1 $0x1;
	p0 =	seq.s32 s7, s2  }
0x1e: {  	s7 =	smul.u32 @!p0 $0xF7A, s2;
	p2 =	seq.s32 @!p0 s5, $0x0  }
0x1f: {  	s9 =	smul.u32 $0xF7A, s1;
	s8 =	simm.s32 @!p0 $0x1BF5;
	p2 =	por !p2, p0  }
0x20: {  	[sflag:s8] =	ssyncset.s32 @!p0 $0xFFFFF086;
	s6 =	sadd.s32 @!p0 s3, s7;
	s7 =	simm.s32 @!p0 $0x108  }
0x21: {  	s3 =	sadd.s32 s3, s9;
	s6 =	sadd.s32 @!p0 $0x88, s6;
	s7 =	simm.s32 @p2 $0x1082  }
0x22: {  	[simem:s7], [sflag:s8] =	dma.local @!p0 [hbm:s6], $0xF7A  }
0x23: {  	s9 =	sor.u32 $0xD0000000, s2;
	s6 =	simm.s32 $0x108;
	_ =	swait.ge @!p0 [sflag:s8], $0x0  }
0x24: {  	s3 =	sadd.s32 $0x88, s3;
	s6 =	simm.s32 @!p1 $0x1082;
	[sflag:s4] =	ssyncset.s32 $0xFFFFF086  }
0x25: {  	[simem:s6], [sflag:s4] =	dma.local [hbm:s3], $0xF7A  }
0x26: {  	[smem:$0x3F93] =	sst s1;
	(tag) =	ssettag s2;
	_ =	strace s9  }
0x27: {  	s1 =	sld [smem:$0x3FA3]  }
0x28: {  	s2 =	sld [smem:$0x3FA4]  }
0x29: {  	s4 =	sld [smem:$0x3FA6]  }
0x2a: {  	p0 =	seq.s32 s5, $0x0;
	s5 =	sld [smem:$0x3FA7]  }
0x2b: {  	s6 =	sld [smem:$0x3FA8]  }
0x2c: {  	s7 =	sld [smem:$0x3FA9]  }
0x2d: {  	s3 =	simm.s32 $0x108;
	s8 =	sld [smem:$0x3FAA]  }
0x2e: {  	s3 =	simm.s32 @!p0 $0x1082;
	s9 =	sld [smem:$0x3FAB]  }
0x2f: {  	lr =	sadd.s32 s0, s3;
	s0 =	sld [smem:$0x3FA2]  }
0x30: {  	s3 =	sld [smem:$0x3FA5]  }
0x31: {  	[smem:$0x3FAE] =	sst s10  }
0x32: {  	s10 =	sld [smem:$0x3FAC];
	_ =	sdelay $0x3  }
0x33: {  	p0 =	seq.s32 s10, $0x1;
	s10 =	sld [smem:$0x3FAE];
	_ =	sdelay $0x3  }
0x34: {  	[smem:$0x3FAE] =	sst s10  }
0x35: {  	s10 =	sld [smem:$0x3FAD];
	_ =	sdelay $0x3  }
0x36: {  	p1 =	seq.s32 s10, $0x1;
	s10 =	sld [smem:$0x3FAE];
	_ =	sdelay $0x3  }
0x37: {  	[smem:$0x3FAE] =	sst s10  }
0x38: {  	s10 =	sld [smem:$0x3FAF]  }
0x39: {  	_ = 	snop;
	(pc) =	sbr.ind lr, $3  }
0x3a: {  	_ = 	snop  }
0x3b: {  	_ = 	snop  }
0x3c: {  	p2 =	seq.s32 s10, $0x1;
	s10 =	sld [smem:$0x3FAE]  }
0x3d: {  	_ =	shalt  }
0x3e: {  	_ =	shalt  }
0x3f: {  	_ =	shalt  }
0x40: {  	_ =	shalt  }
0x41: {  	_ =	shalt  }
0x42: {  	_ =	shalt  }
0x43: {  	_ =	shalt  }
0x44: {  	_ =	shalt  }
0x45: {  	_ =	shalt  }
0x46: {  	_ =	shalt  }
0x47: {  	_ =	shalt  }
0x48: {  	_ =	shalt  }
0x49: {  	_ =	shalt  }
0x4a: {  	_ =	shalt  }
0x4b: {  	_ =	shalt  }
0x4c: {  	_ =	shalt  }
0x4d: {  	_ =	shalt  }
0x4e: {  	_ =	shalt  }
0x4f: {  	_ =	shalt  }
0x50: {  	_ =	shalt  }
0x51: {  	_ =	shalt  }
0x52: {  	_ =	shalt  }
0x53: {  	_ =	shalt  }
0x54: {  	_ =	shalt  }
0x55: {  	_ =	shalt  }
0x56: {  	_ =	shalt  }
0x57: {  	_ =	shalt  }
0x58: {  	_ =	shalt  }
0x59: {  	_ =	shalt  }
0x5a: {  	_ =	shalt  }
0x5b: {  	_ =	shalt  }
0x5c: {  	_ =	shalt  }
0x5d: {  	_ =	shalt  }
0x5e: {  	_ =	shalt  }
0x5f: {  	_ =	shalt  }
0x60: {  	_ =	shalt  }
0x61: {  	_ =	shalt  }
0x62: {  	_ =	shalt  }
0x63: {  	_ =	shalt  }
0x64: {  	_ =	shalt  }
0x65: {  	_ =	shalt  }
0x66: {  	_ =	shalt  }
0x67: {  	_ =	shalt  }
0x68: {  	_ =	shalt  }
0x69: {  	_ =	shalt  }
0x6a: {  	_ =	shalt  }
0x6b: {  	_ =	shalt  }
0x6c: {  	_ =	shalt  }
0x6d: {  	_ =	shalt  }
0x6e: {  	_ =	shalt  }
0x6f: {  	_ =	shalt  }
0x70: {  	_ =	shalt  }
0x71: {  	_ =	shalt  }
0x72: {  	_ =	shalt  }
0x73: {  	_ =	shalt  }
0x74: {  	_ =	shalt  }
0x75: {  	_ =	shalt  }
0x76: {  	_ =	shalt  }
0x77: {  	_ =	shalt  }
0x78: {  	_ =	shalt  }
0x79: {  	_ =	shalt  }
0x7a: {  	_ =	shalt  }
0x7b: {  	_ =	shalt  }
0x7c: {  	_ =	shalt  }
0x7d: {  	_ =	shalt  }
0x7e: {  	_ =	shalt  }
0x7f: {  	_ =	shalt  }
0x80: {  	_ =	shalt  }
0x81: {  	_ =	shalt  }
0x82: {  	_ =	shalt  }
0x83: {  	_ =	shalt  }
0x84: {  	_ =	shalt  }
0x85: {  	_ =	shalt  }
0x86: {  	_ =	shalt  }
0x87: {  	_ =	shalt  }
.Lfunc_end0:
.L_simem_size_0:
called_computation_lowered:
.L_overlay_start_0:
0x88: {  	s2 =	sld [smem:$0x3FD9]  }
0x89: {  	s3 =	sld [smem:$0x3FFE];
	_ =	sdelay $0x1  }
0x8a: {  	s1 =	srdreg.scid  }
0x8b: {  	s0 =	sand.u32 $0x1, s1  }
0x8c: {  	s17 =	sshll.u32 s0, $0xA;
	s2 =	sadd.s32 s3, s2  }
0x8d: {  	s2 =	sadd.s32 s2, s17  }
0x8e: {  	[smem:$0x3FBA] =	sst s2  }
0x8f: {  	_ = 	snop  }
0x90: {  	s2 =	sld [smem:$0x3FD0];
	(tm) =	ssettm $0x1  }
0x91: {  	s18 =	sld [smem:$0x3FFB];
	_ =	sdelay $0x3  }
0x92: {  	_ =	strace s18  }
0x93: {  	s3 =	sld [smem:$0x3FFC];
	_ =	sdelay $0x3  }
0x94: {  	_ =	strace s3  }
0x95: {  	s3 =	sld [smem:$0x3FFD];
	_ =	sdelay $0x3  }
0x96: {  	_ =	strace s3  }
0x97: {  	_ =	strace $0x8FFFFFFF  }
0x98: {  	s19 =	sld [smem:$0x3FDB];
	_ =	sdelay $0x1  }
0x99: {  	s4 =	simm.s32 $_scs_section_size  }
0x9a: {  	s5 =	simm.s32 $_size__tile_overlayer_lowered;
	s6 =	simm.s32 $_tile_overlayer_lowered  }
0x9b: {  	s22 =	simm.s32 $0x1BFF;
	s21 =	sshll.u32 s6, $0x1;
	s3 =	sadd.s32 s4, s19  }
0x9c: {  	s7 =	simm.s32 $0x0;
	s20 =	sshll.u32 s5, $0x1;
	s5 =	sadd.s32 s21, s3  }
0x9d: {  	[timem:s7], [sflag:s22] =	dma.local [hbm:s5], s20  }
0x9e: {  	_ =	swait.ge [sflag:s22], s20  }
0x9f: {  	s4 =	ssub.s32 $0x0, s20;
	[sflag:s22] =	ssyncset.done $0x0  }
0xa0: {  	[sflag:s22] =	ssyncadd.s32 s4;
	_ =	sdelay $0x1  }
0xa1: {  	s23 =	simm.s32 $0x1B8B  }
0xa2: {  	_ =	swait.ge [sflag:s23], $0x1  }
0xa3: {  	[sflag:s23] =	ssyncset.done $0x0  }
0xa4: {  	s25 =	simm.s32 $0x1B8E;
	s24 =	sld [smem:$0x3FFE];
	[sflag:s23] =	ssyncadd.s32 $0xFFFFFFFF  }
0xa5: {  	s26 =	simm.s32 $execute0_lowered;
	[smem:$0x3FD2] =	sst s25  }
0xa6: {  	s5 =	sshll.u32 s26, $0x1;
	_ =	strace $0x80000046;
	[dreg:$0x1] =	wrdreg $0xFFFFFFFF  }
0xa7: {  	s28 =	simm.s32 $_size_execute0_lowered;
	s3 =	sadd.s32 s3, s5;
	[dreg:$0x0] =	wrdreg $0x0  }
0xa8: {  	s5 =	sshll.u32 s28, $0x1;
	[dreg:$0x2] =	wrdreg s3  }
0xa9: {  	[dreg:$0x3] =	wrdreg s5  }
0xaa: {  	[dreg:$0x4] =	wrdreg $0xC0  }
0xab: {  	_ =	task [dreg:s7], $0x5FFFF  }
0xac: {  	[dreg:$0x1] =	wrdreg $0xFFFFFFFF  }
0xad: {  	[dreg:$0x0] =	wrdreg $0x60  }
0xae: {  	[dreg:$0x2] =	wrdreg s24  }
0xaf: {  	[dreg:$0x3] =	wrdreg s2  }
0xb0: {  	[dreg:$0x4] =	wrdreg $0x50800  }
0xb1: {  	[dreg:$0x5] =	wrdreg $0x9  }
0xb2: {  	_ =	task.clear_ibuf [dreg:s7], $0x6FFFF;
	_ =	strace $0x90000046  }
0xb3: {  	s29 =	simm.s32 $0x9;
	_ =	strace $0x80000048  }
0xb4: {  	_ =	swait.ge [sflag:s29], $0x1  }
0xb5: {  	[sflag:s29] =	ssyncadd.s32 $0xFFFFFFFF  }
0xb6: {  	_ =	strace $0x90000048  }
0xb7: {  	_ =	sfence  }
0xb8: {  	s30 =	sld [smem:$0x0];
	_ =	sdelay $0x2  }
0xb9: {  	s31 =	sshll.u32 s1, $0xD;
	s1 =	sshrl.u32 s1, $0x2  }
0xba: {  	s3 =	sand.u32 $0x4000, s31;
	s1 =	sadd.s32 s1, s30  }
0xbb: {  	s0 =	sor.u32 s3, s0;
	s1 =	sshll.u32 s1, $0x11  }
0xbc: {  	s0 =	sor.u32 s1, s0  }
0xbd: {  	s0 =	sadd.s32 $0x8F2B, s0  }
0xbe: {  	[sflag:s0] =	ssyncadd.remote.s32 $0x1  }
0xbf: {  	_ =	sfence.sel $0xFFFF  }
0xc0: {  	[dreg:$0x0] =	wrdreg $0xFFFFFFFF;
	(pc) =	sbr.abs _section_cstart, $3  }
0xc1: {  	[dreg:$0x1] =	wrdreg $0xFFFFFFFF  }
0xc2: {  	_ =	task.clear_ibuf [dreg:s7], $0x2FFFF;
	_ =	strace $0x9FFFFFFF  }
0xc3: {  	(tm) =	ssettm $0x7FFFFFFF  }
tec
execute0_lowered:
.L_overlay_start_1:
0x0: {  	(tag) =	ssettag $0x1  }
0x1: {  	s3 =	rddreg [dreg:$0x0]  }
0x2: {  	s4 =	rddreg [dreg:$0x1];
	s0 =	srdreg.scid  }
0x3: {  	s7 =	stileid.u32;
	s1 =	rddreg [dreg:$0x2]  }
0x4: {  	s2 =	simm.s32 $0x0;
	s12 =	simm.s32 $0x2;
	s13 =	simm.s32 $0x2800  }
0x5: {  	s14 =	simm.s32 $0x10;
	s5 =	sand.u32 $0x1, s0;
	s0 =	rddreg [dreg:$0x3]  }
0x6: {  	s15 =	simm.s32 $0x0;
	s6 =	sshll.u32 s7, $0x1;
	[smem:$0x7FF] =	sst s2  }
0x7: {  	s8 =	smul.u32 $0x4E20, s7;
	s9 =	sadd.s32 $0xCE00, s3;
	p0 =	sne.s32 s7, $0x0  }
0x8: {  	s7 =	simm.s32 $0x2900;
	s29 =	ssub.s32 $0x2, s5;
	s10 =	smul.u32 $0x2710, s5  }
0x9: {  	s6 =	sor.u32 s5, s6;
	s5 =	smul.u32 $0x4F0, s5;
	s11 =	sshrl.u32 s29, $0x1  }
0xa: {  	_ =	strace $0x80000047;
	s6 =	smul.u32 $0x2710, s6;
	s11 =	ssub.s32 s29, s11  }
0xb: {  	s31 =	sadd.s32 s10, s8;
	s4 =	sadd.s32 s4, s5;
	s8 =	simm.s32 $0x3  }
0xc: {  	s10 =	simm.s32 $0x80;
	s6 =	sshrl.u32 s6, $0x3;
	s5 =	smax.u32 s11, $0x1  }
0xd: {  	s11 =	simm.s32 $0x2880;
	s30 =	sadd.s32 s9, s6;
	s6 =	sshrl.u32 s31, $0x3  }
0xe: {  	v0 =	vimm.f32 $1.000000000e+00;
	v1 =	vimm.f32 $0.0e+00;
	s3 =	sadd.s32 $0x4E0, s30;
	s6 =	sadd.s32 s6, s9;
	s9 =	simm.s32 $0x1  }
.LBB2_1:
0xf: {  	[tilespmem:$0x2880] =	vst v0  }
0x10: {  	[tilespmem:$0x2890] =	vst v0  }
0x11: {  	[tilespmem:$0x28A0] =	vst v0  }
0x12: {  	[tilespmem:$0x28B0] =	vst v0  }
0x13: {  	[tilespmem:$0x28C0] =	vst v0  }
0x14: {  	[tilespmem:$0x28D0] =	vst v0  }
0x15: {  	[tilespmem:$0x28E0] =	vst v0;
	s16 =	simm.s32 $0x10  }
0x16: {  	[tilespmem:$0x28F0] =	vst v0;
	s19 =	sadd.s32 $0x0, s6;
	s17 =	simm.s32 $0x80;
	s18 =	simm.s32 $0x0  }
.LBB2_2:
0x17: {  	[tilespmem:s18], [sflag:$0x1] =	stream.linear.gather [hbm4b:s19+s2], $0x80, $0x38;
	[tilespmem:$0x52F8] =	vst v63  }
0x18: {  	s19 =	smov.u32 s16;
	s18 =	smov.u32 s17;
	p1 =	sne.s32 s16, $0x4D0  }
.Ltmp0:
0x19: {  	s16 =	sadd.s32 $0x10, s16;
	(pc) =	sbr.rel @p1 .LBB2_2-.Ltmp0, $2  }
0x1a: {  	_ =	sdelay $0x2  }
0x1b: {  	s17 =	sadd.s32 $0x80, s17;
	s19 =	sadd.s32 s19, s6  }
.Ltmp1:
0x1c: {  	(pc) =	sbr.rel @p0 .LBB2_7-.Ltmp1, $2  }
0x1d: {  	_ =	sdelay $0x2  }
0x1e: {  	[tilespmem:s18], [sflag:$0x1] =	stream.linear.gather [hbm4b:s19+s2], $0x80, $0x38;
	[tilespmem:$0x52F8] =	vst v63  }
0x1f: {  	s16 =	simm.s32 $0x40;
	s17 =	simm.s32 $0x0  }
.LBB2_5:
0x20: {  	p1 =	sne.s32 s16, $0x9DC0;
	[tilespmem:s17+$0x2900] =	vst v1;
	s17 =	smov.u32 s16;
	s16 =	sadd.s32 $0x40, s16  }
.Ltmp2:
0x21: {  	(pc) =	sbr.rel @p1 .LBB2_5-.Ltmp2, $2  }
0x22: {  	_ =	sdelay $0x2  }
0x23: {  	s17 =	sshra.s32 s17, $0x2  }
0x24: {  	[tilespmem:s17+$0x2900] =	vst v1  }
0x25: {  	[spmem:s1] =	stream.linear.scatter [tilespmem:s7], [sflag:$0x3], $0x2780, $0x38;
	[tilespmem:$0x52F8] =	vst v63  }
0x26: {  	_ =	swait.ge [sflag:s8], $0x2780  }
0x27: {  	[sflag:s8] =	ssyncset.done $0x0  }
0x28: {  	[sflag:s8] =	ssyncadd.s32 $0xFFFFD880  }
.LBB2_7:
0x29: {  	_ =	swait.ge [sflag:s9], $0x80  }
0x2a: {  	s16 =	simm.s32 $0x4D;
	[sflag:s9] =	ssyncset.done $0x0  }
.LBB2_8:
0x2b: {  	p1 =	sne.s32 s16, $0x1;
	s16 =	sadd.s32 $0xFFFFFFFF, s16;
	[sflag:s9] =	ssyncadd.s32 $0xFFFFFF80  }
.Ltmp3:
0x2c: {  	(pc) =	sbr.rel @p1 .LBB2_8-.Ltmp3, $3  }
0x2d: {  	_ =	sdelay $0x1  }
0x2e: {  	_ =	swait.ge [sflag:s9], $0x80  }
0x2f: {  	[sflag:s9] =	ssyncset.done $0x0  }
0x30: {  	[sflag:s9] =	ssyncadd.s32 $0xFFFFFF80  }
0x31: {  	s16 =	simm.s32 $0x0;
	[bflag:$0x0] =	sbarrier.arrive $0xFFFF  }
.LBB2_10:
0x32: {  	p1 =	sne.s32 s16, $0x9A00  }
.Ltmp4:
0x33: {  	_ = 	snop;
	(pc) =	sbr.rel @p1 .LBB2_10-.Ltmp4, $3  }
0x34: {  	_ =	sdelay $0x1  }
0x35: {  	s17 =	sshra.s32 s16, $0x2;
	s16 =	sadd.s32 $0x200, s16  }
0x36: {  	[spmem:s1] =	stream.indirect.scatter.add.f32 [tilespmem:s11], [sflag:$0x2], $0x1, s17, s10, $0xb8;
	[tilespmem:$0x52F8] =	vst v63  }
0x37: {  	_ =	swait.ge [sflag:s12], $0x80  }
0x38: {  	s16 =	simm.s32 $0x4D;
	[sflag:s12] =	ssyncset.done $0x0  }
.LBB2_12:
0x39: {  	p1 =	sne.s32 s16, $0x1;
	s16 =	sadd.s32 $0xFFFFFFFF, s16;
	[sflag:s12] =	ssyncadd.s32 $0xFFFFFF80  }
.Ltmp5:
0x3a: {  	(pc) =	sbr.rel @p1 .LBB2_12-.Ltmp5, $3  }
0x3b: {  	_ =	sdelay $0x1  }
0x3c: {  	_ =	swait.ge [sflag:s12], $0x80  }
0x3d: {  	[sflag:s12] =	ssyncset.done $0x0  }
0x3e: {  	[sflag:s12] =	ssyncadd.s32 $0xFFFFFF80  }
0x3f: {  	[tilespmem:s13], [sflag:$0x3] =	stream.linear.gather [hbm4b:s3+s2], $0x10, $0x38;
	[tilespmem:$0x52F8] =	vst v63  }
0x40: {  	_ =	swait.ge [sflag:s8], $0x10  }
0x41: {  	[sflag:s8] =	ssyncset.done $0x0  }
0x42: {  	[sflag:s8] =	ssyncadd.s32 $0xFFFFFFF0  }
0x43: {  	[spmem:s1] =	stream.indirect.scatter.add.f32 [tilespmem:s11], [sflag:$0x3], $0x1, s13, s14, $0xb8;
	[tilespmem:$0x52F8] =	vst v63  }
0x44: {  	_ =	swait.ge [sflag:s8], $0x10  }
0x45: {  	[sflag:s8] =	ssyncset.done $0x0  }
0x46: {  	s16 =	sshrl.u32 @!p0 s1, $0x3;
	s15 =	sadd.s32 $0x1, s15;
	[sflag:s8] =	ssyncadd.s32 $0xFFFFFFF0  }
0x47: {  	s17 =	simm.s32 @!p0 $0x1C03;
	p1 =	sne.s32 s15, s5;
	[bflag:$0x0] =	sbarrier.arrive $0xFFFF  }
0x48: {  	[hbm:s4], [sflag:s17] =	dma.local @!p0 [spmem:s16], $0x4F0  }
.Ltmp6:
0x49: {  	_ = 	snop;
	(pc) =	sbr.rel @p1 .LBB2_1-.Ltmp6, $4  }
0x4a: {  	s16 =	simm.s32 @!p0 $0x3  }
0x4b: {  	_ =	swait.ge @!p0 [sflag:s16], $0x4F0  }
0x4c: {  	[sflag:s16] =	ssyncset.done @!p0 $0x0  }
0x4d: {  	[sflag:s16] =	ssyncadd.s32 @!p0 $0xFFFFFB10  }
0x4e: {  	_ =	sfence.sel $0x180000  }
0x4f: {  	[bflag:$0x0] =	sbarrier.arrive $0xFFFF  }
0x50: {  	_ =	strace $0x90000047  }
0x51: {  	s0 =	sadd.s32 @!p0 $0x100000, s0;
	[bflag:$0x2] =	sbarrier.arrive $0xFFFF  }
0x52: {  	[sflag:s0] =	ssyncadd.tile.s32 @!p0 $0x1;
	_ =	shalt  }
.Lfunc_end2:
_tile_overlayer_lowered:
.L_overlay_start_2:
0x53: {  	(tag) =	ssettag $0x2  }
0x54: {  	s0 =	rddreg [dreg:$0x0];
	s2 =	stileid.u32  }
0x55: {  	s1 =	rddreg [dreg:$0x1];
	p0 =	sne.s32 s2, $0x0  }
0x56: {  	s3 =	rddreg [dreg:$0x2];
	[bflag:$0x3] =	sbarrier.arrive $0xFFFF;
	s2 =	simm.s32 @!p0 $0x1C03  }
0x57: {  	[timem:s3], [sflag:s2] =	dma.local @!p0 [hbm:s0], s1  }
0x58: {  	s0 =	simm.s32 @!p0 $0x3  }
0x59: {  	_ =	swait.ge @!p0 [sflag:s0], s1  }
0x5a: {  	s1 =	ssub.s32 @!p0 $0x0, s1;
	[sflag:s0] =	ssyncset.done @!p0 $0x0  }
0x5b: {  	[sflag:s0] =	ssyncadd.s32 @!p0 s1  }
0x5c: {  	[bflag:$0x3] =	sbarrier.arrive $0xFFFF  }
0x5d: {  	_ =	shalt  }

</sc_bundles>
